<compile_context>
chip_gen: v7x
topology: tpu7x:2x2x1
jax: 0.10.2.dev20260603
libtpu: 0.0.44.dev20260713+nightly
codegen_flags: <defaults>
</compile_context>

<pallas_src>
import functools

import jax
import jax.numpy as jnp
from jax import lax
from jax.experimental import pallas as pl
from jax.experimental.pallas import tpu as pltpu
from jax.experimental.pallas import tpu_sc as plsc

N = 10000
NPAD = 10240
E = 320000
NC = 2
NS = 16
LANES = 16
RPS = NPAD // NS
DEG_W = 16
ACC_W = 128

H1, H2, H3, H_FC = 64, 128, 256, 256


def _table_call(x_parts, w, b2d, deg_parts, h_in, h_out, out_mode="flat",
                x_mode="sum"):
    bn = 1024
    use_deg = deg_parts is not None
    parts = x_parts.ndim == 3
    xw = x_parts.shape[-1]

    def body(*refs):
        if use_deg:
            x_ref, w_ref, b_ref, deg_ref, *outs = refs
        else:
            x_ref, w_ref, b_ref, *outs = refs
        if parts and x_mode == "sum":
            xb = (x_ref[0] + x_ref[1])[:, :h_in]
        elif parts:
            xb = jnp.concatenate(
                [x_ref[0][:, :h_in // 2], x_ref[1][:, :h_in // 2]], axis=1)
        else:
            xb = x_ref[...]
        if use_deg:
            d = deg_ref[0][:, :1] + deg_ref[1][:, :1]
            xb = xb * (1.0 / jnp.maximum(d, 1.0))
        wa = w_ref[:h_in, :]
        wb = w_ref[h_in:, :]
        wcat = jnp.concatenate([wa - wb, wb], axis=1)
        full = (
            jnp.dot(xb, wcat, preferred_element_type=jnp.float32)
            + b_ref[...]
        )
        if out_mode == "flat":
            outs[0][...] = full
        elif out_mode == "pc64":
            hh = h_out // 2
            outs[0][0] = jnp.concatenate(
                [full[:, :hh], full[:, h_out:h_out + hh]], axis=1)
            outs[0][1] = jnp.concatenate(
                [full[:, hh:h_out], full[:, h_out + hh:]], axis=1)
        else:
            hh = h_out // 2
            outs[0][0] = full[:, :hh]
            outs[0][1] = full[:, hh:h_out]
            outs[1][0] = full[:, h_out:h_out + hh]
            outs[1][1] = full[:, h_out + hh:]

    xspec = (
        pl.BlockSpec((NC, bn, xw), lambda i: (0, i, 0))
        if parts
        else pl.BlockSpec((bn, xw), lambda i: (i, 0))
    )
    in_specs = [
        xspec,
        pl.BlockSpec((2 * h_in, h_out), lambda i: (0, 0)),
        pl.BlockSpec((1, 2 * h_out), lambda i: (0, 0)),
    ]
    args = [x_parts, w, b2d]
    if use_deg:
        in_specs.append(pl.BlockSpec((NC, bn, DEG_W), lambda i: (0, i, 0)))
        args.append(deg_parts)
    if out_mode == "flat":
        out_specs = pl.BlockSpec((bn, 2 * h_out), lambda i: (i, 0))
        out_shape = jax.ShapeDtypeStruct((NPAD, 2 * h_out), jnp.float32)
    elif out_mode == "pc64":
        out_specs = pl.BlockSpec((NC, bn, h_out), lambda i: (0, i, 0))
        out_shape = jax.ShapeDtypeStruct((NC, NPAD, h_out), jnp.float32)
    else:
        out_specs = [
            pl.BlockSpec((NC, bn, h_out // 2), lambda i: (0, i, 0)),
            pl.BlockSpec((NC, bn, h_out // 2), lambda i: (0, i, 0)),
        ]
        out_shape = [
            jax.ShapeDtypeStruct((NC, NPAD, h_out // 2), jnp.float32),
            jax.ShapeDtypeStruct((NC, NPAD, h_out // 2), jnp.float32),
        ]
    return pl.pallas_call(
        body,
        grid=(NPAD // bn,),
        in_specs=in_specs,
        out_specs=out_specs,
        out_shape=out_shape,
    )(*args)


def _edge_combined_call(t, dst4, src4, zeros, h, chunk, iblk, nblk,
                        feature_split, with_ones):
    mesh = plsc.VectorSubcoreMesh(core_axis_name="c", subcore_axis_name="s")

    scratch = [
        pltpu.VMEM((iblk, chunk), jnp.int32),
        pltpu.VMEM((iblk, chunk), jnp.int32),
        pltpu.VMEM((chunk, 2 * h), jnp.float32),
        pltpu.VMEM((chunk, 2 * h), jnp.float32),
        pltpu.VMEM((chunk, 2 * h), jnp.float32),
        pltpu.VMEM((chunk, 2 * h), jnp.float32),
        pltpu.VMEM_SHARED((NPAD, ACC_W), jnp.float32),
        pltpu.SemaphoreType.DMA,
        pltpu.SemaphoreType.DMA,
        pltpu.SemaphoreType.DMA,
        pltpu.SemaphoreType.DMA,
        pltpu.SemaphoreType.DMA,
        pltpu.SemaphoreType.DMA,
    ]

    @functools.partial(
        pl.kernel,
        out_type=jax.ShapeDtypeStruct((NC, NPAD, ACC_W), jnp.float32),
        mesh=mesh,
        scratch_types=scratch,
    )
    def k(t_hbm, dst_hbm, src_hbm, z_hbm, agg_hbm,
          dst_v, src_v, gd_a, gs_a, gd_b, gs_b,
          acc_sh, sem_ad, sem_as, sem_bd, sem_bs, sem_sa, sem_sb):
        cid = lax.axis_index("c")
        sid = lax.axis_index("s")
        wid = sid if feature_split else cid * NS + sid
        tbl = t_hbm.at[cid] if feature_split else t_hbm
        row0 = sid * RPS

        pltpu.sync_copy(z_hbm.at[pl.ds(row0, RPS), :],
                        acc_sh.at[pl.ds(row0, RPS), :])
        plsc.subcore_barrier()

        def issue(ch, gd, gs, semd, sems):
            return (pltpu.async_copy(tbl.at[dst_v.at[ch]], gd, semd),
                    pltpu.async_copy(tbl.at[src_v.at[ch]], gs, sems))

        def combine(gd, gs):
            @pl.loop(0, chunk)
            def _(r):
                for c in range(h // LANES):
                    sl = pl.ds(c * LANES, LANES)
                    gd[r, sl] = jnp.maximum(
                        gd[r, sl] + gs[r, pl.ds(h + c * LANES, LANES)],
                        0.0,
                    )
                if with_ones:
                    gd[r, pl.ds(h, LANES)] = jnp.full(
                        (LANES,), 1.0, jnp.float32)

        def scatter(ch, gd, sem):
            return pltpu.async_copy(gd, acc_sh.at[dst_v.at[ch]], sem,
                                    add=True)

        @pl.loop(0, nblk)
        def _(blk):
            pltpu.sync_copy(dst_hbm.at[wid].at[blk], dst_v)
            pltpu.sync_copy(src_hbm.at[wid].at[blk], src_v)

            @pl.loop(0, iblk // 2)
            def _(i):
                cpa = issue(2 * i, gd_a, gs_a, sem_ad, sem_as)
                cpb = issue(2 * i + 1, gd_b, gs_b, sem_bd, sem_bs)
                cpa[0].wait()
                cpa[1].wait()
                combine(gd_a, gs_a)
                sca = scatter(2 * i, gd_a, sem_sa)
                cpb[0].wait()
                cpb[1].wait()
                combine(gd_b, gs_b)
                scb = scatter(2 * i + 1, gd_b, sem_sb)
                sca.wait()
                scb.wait()

            if iblk % 2:
                cpa = issue(iblk - 1, gd_a, gs_a, sem_ad, sem_as)
                cpa[0].wait()
                cpa[1].wait()
                combine(gd_a, gs_a)
                scatter(iblk - 1, gd_a, sem_sa).wait()

        plsc.subcore_barrier()

        pltpu.sync_copy(acc_sh.at[pl.ds(row0, RPS), :],
                        agg_hbm.at[cid].at[pl.ds(row0, RPS), :])

    return k(t, dst4, src4, zeros)


def _edge_split_call(p, q, dst3, src3, zeros):
    hh = p.shape[2]
    nblk, iblk, chunk = dst3.shape[1], dst3.shape[2], dst3.shape[3]
    mesh = plsc.VectorSubcoreMesh(core_axis_name="c", subcore_axis_name="s")

    @functools.partial(
        pl.kernel,
        out_type=jax.ShapeDtypeStruct((NC, NPAD, hh), jnp.float32),
        mesh=mesh,
        scratch_types=[
            pltpu.VMEM((iblk, chunk), jnp.int32),
            pltpu.VMEM((iblk, chunk), jnp.int32),
            pltpu.VMEM((chunk, hh), jnp.float32),
            pltpu.VMEM((chunk, hh), jnp.float32),
            pltpu.VMEM((chunk, hh), jnp.float32),
            pltpu.VMEM((chunk, hh), jnp.float32),
            pltpu.VMEM_SHARED((NPAD, hh), jnp.float32),
            pltpu.SemaphoreType.DMA,
            pltpu.SemaphoreType.DMA,
            pltpu.SemaphoreType.DMA,
            pltpu.SemaphoreType.DMA,
            pltpu.SemaphoreType.DMA,
            pltpu.SemaphoreType.DMA,
        ],
    )
    def k(p_hbm, q_hbm, dst_hbm, src_hbm, z_hbm, agg_hbm,
          dst_v, src_v, gp_a, gq_a, gp_b, gq_b, acc_sh,
          sem_ad, sem_as, sem_bd, sem_bs, sem_sa, sem_sb):
        cid = lax.axis_index("c")
        sid = lax.axis_index("s")
        row0 = sid * RPS

        pltpu.sync_copy(z_hbm.at[pl.ds(row0, RPS), :],
                        acc_sh.at[pl.ds(row0, RPS), :])
        plsc.subcore_barrier()

        def issue(ch, gp, gq, semd, sems):
            return (pltpu.async_copy(p_hbm.at[cid].at[dst_v.at[ch]], gp,
                                     semd),
                    pltpu.async_copy(q_hbm.at[cid].at[src_v.at[ch]], gq,
                                     sems))

        def combine(gp, gq):
            @pl.loop(0, chunk)
            def _(r):
                for c in range(hh // LANES):
                    sl = pl.ds(c * LANES, LANES)
                    gp[r, sl] = jnp.maximum(gp[r, sl] + gq[r, sl], 0.0)

        def scatter(ch, gp, sem):
            return pltpu.async_copy(gp, acc_sh.at[dst_v.at[ch]], sem,
                                    add=True)

        @pl.loop(0, nblk)
        def _(blk):
            pltpu.sync_copy(dst_hbm.at[sid].at[blk], dst_v)
            pltpu.sync_copy(src_hbm.at[sid].at[blk], src_v)

            @pl.loop(0, iblk // 2)
            def _(i):
                cpa = issue(2 * i, gp_a, gq_a, sem_ad, sem_as)
                cpb = issue(2 * i + 1, gp_b, gq_b, sem_bd, sem_bs)
                cpa[0].wait()
                cpa[1].wait()
                combine(gp_a, gq_a)
                sca = scatter(2 * i, gp_a, sem_sa)
                cpb[0].wait()
                cpb[1].wait()
                combine(gp_b, gq_b)
                scb = scatter(2 * i + 1, gp_b, sem_sb)
                sca.wait()
                scb.wait()

            if iblk % 2:
                cpa = issue(iblk - 1, gp_a, gq_a, sem_ad, sem_as)
                cpa[0].wait()
                cpa[1].wait()
                combine(gp_a, gq_a)
                scatter(iblk - 1, gp_a, sem_sa).wait()

        plsc.subcore_barrier()

        pltpu.sync_copy(acc_sh.at[pl.ds(row0, RPS), :],
                        agg_hbm.at[cid].at[pl.ds(row0, RPS), :])

    return k(p, q, dst3, src3, zeros)


def _head_call(h_parts, deg_parts, wf1, bf1_2d, wf2_row, bf2_2d):
    bn = 1024

    def body(h_ref, deg_ref, w1_ref, b1_ref, w2_ref, b2_ref, o_ref):
        xb = jnp.concatenate([h_ref[0], h_ref[1]], axis=1)
        d = deg_ref[0][:, :1] + deg_ref[1][:, :1]
        xb = xb * (1.0 / jnp.maximum(d, 1.0))
        a = jnp.maximum(
            jnp.dot(xb, w1_ref[...], preferred_element_type=jnp.float32)
            + b1_ref[...],
            0.0,
        )
        z = jnp.sum(a * w2_ref[...], axis=1, keepdims=True) + b2_ref[0, 0]
        o_ref[...] = 1.0 / (1.0 + jnp.exp(-z))

    return pl.pallas_call(
        body,
        grid=(NPAD // bn,),
        in_specs=[
            pl.BlockSpec((NC, bn, H3 // 2), lambda i: (0, i, 0)),
            pl.BlockSpec((NC, bn, DEG_W), lambda i: (0, i, 0)),
            pl.BlockSpec((H3, H_FC), lambda i: (0, 0)),
            pl.BlockSpec((1, H_FC), lambda i: (0, 0)),
            pl.BlockSpec((1, H_FC), lambda i: (0, 0)),
            pl.BlockSpec((1, 1), lambda i: (0, 0)),
        ],
        out_specs=pl.BlockSpec((bn, 1), lambda i: (i, 0)),
        out_shape=jax.ShapeDtypeStruct((NPAD, 1), jnp.float32),
    )(h_parts, deg_parts, wf1, bf1_2d, wf2_row, bf2_2d)


def _bcat(b, h):
    return jnp.concatenate([b, jnp.zeros_like(b)]).reshape(1, 2 * h)


def kernel(X, edge_index, W1, b1, W2, b2, W3, b3, Wf1, bf1, Wf2, bf2):
    ei = edge_index.astype(jnp.int32)
    d32 = ei[1].reshape(NC * NS, 5, 25, 80)
    s32 = ei[0].reshape(NC * NS, 5, 25, 80)
    d16 = ei[1].reshape(NS, 10, 25, 80)
    s16 = ei[0].reshape(NS, 10, 25, 80)
    z128 = jnp.zeros((NPAD, ACC_W), jnp.float32)
    xpad = jnp.pad(X, ((0, NPAD - N), (0, 0)))

    t = _table_call(xpad, W1, _bcat(b1, H1), None, 128, H1)
    agg = _edge_combined_call(t, d32, s32, z128, H1, 80, 25, 5,
                              feature_split=False, with_ones=True)
    deg = agg[:, :, H1:H1 + DEG_W]

    t2 = _table_call(agg, W2, _bcat(b2, H2), deg, H1, H2, out_mode="pc64")
    agg = _edge_combined_call(t2, d16, s16, z128, H1, 80, 25, 10,
                              feature_split=True, with_ones=False)

    p3, q3 = _table_call(agg, W3, _bcat(b3, H3), deg, H2, H3,
                         out_mode="pc128", x_mode="cat")
    agg = _edge_split_call(p3, q3, d16, s16, z128)

    out = _head_call(
        agg, deg, Wf1, bf1.reshape(1, -1),
        Wf2.reshape(1, -1), bf2.reshape(1, 1),
    )
    return out[:N, 0]

# --- scband reference (transcript-rebuilt; emitter-appended) ---
"""Pipeline reference for scband-lcgraph-net-11587821764949 (READ-ONLY COPY).

The authoritative reference and input builder live on the scoring server;
editing this copy changes nothing except your own understanding.
"""

import jax, jax.numpy as jnp
import numpy as np

N_NODES = 10000
N_EDGES = 320000
D_IN = 128
H1, H2, H3, H_FC = 64, 128, 256, 256


def _glorot(key, shape):
    fan_in, fan_out = shape[0], shape[1]
    lim = jnp.sqrt(6.0 / (fan_in + fan_out))
    return jax.random.uniform(key, shape, jnp.float32, -lim, lim)


def setup_inputs(seed: int = 0) -> dict:
    key = jax.random.key(seed)
    ks = jax.random.split(key, 12)
    X = jax.random.normal(ks[0], (N_NODES, D_IN), dtype=jnp.float32)
    edge_index = jax.random.randint(ks[1], (2, N_EDGES), 0, N_NODES, dtype=jnp.int64)
    # EdgeConvBlock params: Linear(2*in, out) + ReLU, mean aggregation over incoming edges
    W1 = _glorot(ks[2], (2 * D_IN, H1)); b1 = jnp.zeros((H1,), jnp.float32)
    W2 = _glorot(ks[3], (2 * H1, H2)); b2 = jnp.zeros((H2,), jnp.float32)
    W3 = _glorot(ks[4], (2 * H2, H3)); b3 = jnp.zeros((H3,), jnp.float32)
    # edgenetwork: Linear(H3, H_FC) -> ReLU -> (Dropout, eval no-op) -> Linear(H_FC, 1) -> Sigmoid
    Wf1 = _glorot(ks[5], (H3, H_FC)); bf1 = jnp.zeros((H_FC,), jnp.float32)
    Wf2 = _glorot(ks[6], (H_FC, 1)); bf2 = jnp.zeros((1,), jnp.float32)
    return {"X": X, "edge_index": edge_index,
            "W1": W1, "b1": b1, "W2": W2, "b2": b2, "W3": W3, "b3": b3,
            "Wf1": Wf1, "bf1": bf1, "Wf2": Wf2, "bf2": bf2}


def _edge_conv_block(x, edge_index, W, b):
    src = edge_index[0]
    dst = edge_index[1]
    x_i = jnp.take(x, dst, axis=0)          # gather dst features
    x_j = jnp.take(x, src, axis=0)          # gather src features
    m = jnp.concatenate([x_i, x_j - x_i], axis=-1)
    m = jax.nn.relu(m @ W + b)
    n = x.shape[0]
    agg = jax.ops.segment_sum(m, dst, num_segments=n)   # scatter-add
    deg = jax.ops.segment_sum(jnp.ones((edge_index.shape[1],), m.dtype), dst, num_segments=n)
    return agg / jnp.clip(deg, 1.0, None)[:, None]       # mean aggregation


def reference(X, edge_index, W1, b1, W2, b2, W3, b3, Wf1, bf1, Wf2, bf2):
    H = _edge_conv_block(X, edge_index, W1, b1)
    H = _edge_conv_block(H, edge_index, W2, b2)
    H = _edge_conv_block(H, edge_index, W3, b3)
    out = jax.nn.relu(H @ Wf1 + bf1)
    out = jax.nn.sigmoid(out @ Wf2 + bf2)
    return jnp.squeeze(out, axis=-1)

if __name__ == "__main__":
    import jax
    _d = setup_inputs()
    print(jax.jit(kernel)(*tuple(_d.values())))

</pallas_src>

<mosaic_0001>
#map = affine_map<(d0, d1) -> (0, 0)>
#map1 = affine_map<(d0, d1) -> (0, 0, 0, 0)>
#map2 = affine_map<(d0, d1) -> (0, 0, 0)>
module attributes {stable_mosaic.version = 14 : i64} {
  func.func @k(%arg0: i32, %arg1: i32, %arg2: memref<10240x128xf32, #tpu.memory_space<hbm>>, %arg3: memref<32x5x25x80xi32, #tpu.memory_space<hbm>>, %arg4: memref<32x5x25x80xi32, #tpu.memory_space<hbm>>, %arg5: memref<10240x128xf32, #tpu.memory_space<hbm>>, %arg6: memref<2x10240x128xf32, #tpu.memory_space<hbm>>, %arg7: memref<25x80xi32, #tpu.memory_space<vmem>>, %arg8: memref<25x80xi32, #tpu.memory_space<vmem>>, %arg9: memref<80x128xf32, #tpu.memory_space<vmem>>, %arg10: memref<80x128xf32, #tpu.memory_space<vmem>>, %arg11: memref<80x128xf32, #tpu.memory_space<vmem>>, %arg12: memref<80x128xf32, #tpu.memory_space<vmem>>, %arg13: memref<10240x128xf32, #tpu.memory_space<vmem_shared>>, %arg14: memref<!tpu.dma_semaphore, #tpu.memory_space<semaphore_mem>>, %arg15: memref<!tpu.dma_semaphore, #tpu.memory_space<semaphore_mem>>, %arg16: memref<!tpu.dma_semaphore, #tpu.memory_space<semaphore_mem>>, %arg17: memref<!tpu.dma_semaphore, #tpu.memory_space<semaphore_mem>>, %arg18: memref<!tpu.dma_semaphore, #tpu.memory_space<semaphore_mem>>, %arg19: memref<!tpu.dma_semaphore, #tpu.memory_space<semaphore_mem>>) attributes {dimension_semantics = [#tpu.dimension_semantics<core_parallel>, #tpu.dimension_semantics<subcore_parallel>], iteration_bounds = array<i64: 2, 16>, scalar_prefetch = 0 : i64, scratch_operands = 13 : i64, tpu.core_type = #tpu.core_type<sc_vector_subcore>, window_params = [{transform_indices = #map}, {transform_indices = #map1}, {transform_indices = #map1}, {transform_indices = #map}, {transform_indices = #map2}]} {
    %mul3A = arith.constant 16 : i32
    %mul3A_0 = arith.muli %arg0, %mul3A : i32
    %add3A = arith.addi %mul3A_0, %arg1 : i32
    %mul3A_1 = arith.constant 640 : i32
    %mul3A_2 = arith.muli %arg1, %mul3A_1 : i32
    "tpu.region"() ({
      %run_scoped3A = tpu.sem_alloc : memref<!tpu.dma_semaphore, #tpu.memory_space<semaphore_mem>>
      %dma_start3A = arith.constant 0 : i32
      %dma_start3A_8 = tpu.memref_slice %arg13[%mul3A_2, %dma_start3A] : memref<10240x128xf32, #tpu.memory_space<vmem_shared>> -> memref<640x128xf32, #tpu.memory_space<vmem_shared>>
      %dma_start3A_9 = arith.constant 0 : i32
      %dma_start3A_10 = tpu.memref_slice %arg5[%mul3A_2, %dma_start3A_9] : memref<10240x128xf32, #tpu.memory_space<hbm>> -> memref<640x128xf32, #tpu.memory_space<hbm>>
      tpu.enqueue_dma source(%dma_start3A_10 : memref<640x128xf32, #tpu.memory_space<hbm>>) target(%dma_start3A_8 : memref<640x128xf32, #tpu.memory_space<vmem_shared>>) target_semaphore(%run_scoped3A : memref<!tpu.dma_semaphore, #tpu.memory_space<semaphore_mem>>)
      %dma_wait3A = arith.constant 0 : i32
      %dma_wait3A_11 = tpu.memref_slice %arg13[%mul3A_2, %dma_wait3A] : memref<10240x128xf32, #tpu.memory_space<vmem_shared>> -> memref<640x128xf32, #tpu.memory_space<vmem_shared>>
      %dma_wait3A_12 = arith.constant 0 : i32
      %dma_wait3A_13 = tpu.memref_slice %arg5[%mul3A_2, %dma_wait3A_12] : memref<10240x128xf32, #tpu.memory_space<hbm>> -> memref<640x128xf32, #tpu.memory_space<hbm>>
      tpu.wait_dma2 semaphore(%run_scoped3A : memref<!tpu.dma_semaphore, #tpu.memory_space<semaphore_mem>>) src(%dma_wait3A_13 : memref<640x128xf32, #tpu.memory_space<hbm>>) dst(%dma_wait3A_11 : memref<640x128xf32, #tpu.memory_space<vmem_shared>>)
      tpu.yield
    }) : () -> ()
    %barrier3A = arith.constant 0 : index
    tpu.barrier barrier_id(%barrier3A)
    %scan3A = arith.constant 0 : i32
    %scan3A_3 = arith.constant 5 : i32
    %scan3A_4 = arith.addi %scan3A, %scan3A_3 : i32
    %scan3A_5 = arith.constant 1 : i32
    scf.for %scan3A_8 = %scan3A to %scan3A_4 step %scan3A_5  : i32 {
      %mul3A_9 = arith.constant 1 : i32
      %mul3A_10 = arith.muli %scan3A_8, %mul3A_9 : i32
      %add3A_11 = arith.constant 0 : i32
      %add3A_12 = arith.addi %add3A_11, %mul3A_10 : i32
      "tpu.region"() ({
        %run_scoped3A = tpu.sem_alloc : memref<!tpu.dma_semaphore, #tpu.memory_space<semaphore_mem>>
        %dma_start3A_63 = arith.constant 0 : i32
        %dma_start3A_64 = arith.constant 0 : i32
        %dma_start3A_65 = arith.constant 0 : i32
        %dma_start3A_66 = tpu.memref_slice %arg3[%add3A, %dma_start3A_63, %dma_start3A_64, %dma_start3A_65] : memref<32x5x25x80xi32, #tpu.memory_space<hbm>> -> memref<1x5x25x80xi32, #tpu.memory_space<hbm>>
        %dma_start3A_67 = tpu.memref_squeeze %dma_start3A_66 : memref<1x5x25x80xi32, #tpu.memory_space<hbm>> -> memref<5x25x80xi32, #tpu.memory_space<hbm>>
        %dma_start3A_68 = arith.constant 0 : i32
        %dma_start3A_69 = arith.constant 0 : i32
        %dma_start3A_70 = tpu.memref_slice %dma_start3A_67[%add3A_12, %dma_start3A_68, %dma_start3A_69] : memref<5x25x80xi32, #tpu.memory_space<hbm>> -> memref<1x25x80xi32, #tpu.memory_space<hbm>>
        %dma_start3A_71 = tpu.memref_squeeze %dma_start3A_70 : memref<1x25x80xi32, #tpu.memory_space<hbm>> -> memref<25x80xi32, #tpu.memory_space<hbm>>
        %dma_start3A_72 = arith.constant 0 : i32
        %dma_start3A_73 = arith.constant 0 : i32
        %dma_start3A_74 = arith.constant 0 : i32
        %dma_start3A_75 = tpu.memref_slice %arg3[%add3A, %dma_start3A_72, %dma_start3A_73, %dma_start3A_74] : memref<32x5x25x80xi32, #tpu.memory_space<hbm>> -> memref<1x5x25x80xi32, #tpu.memory_space<hbm>>
        %dma_start3A_76 = tpu.memref_squeeze %dma_start3A_75 : memref<1x5x25x80xi32, #tpu.memory_space<hbm>> -> memref<5x25x80xi32, #tpu.memory_space<hbm>>
        %dma_start3A_77 = arith.constant 0 : i32
        %dma_start3A_78 = arith.constant 0 : i32
        %dma_start3A_79 = tpu.memref_slice %dma_start3A_76[%add3A_12, %dma_start3A_77, %dma_start3A_78] : memref<5x25x80xi32, #tpu.memory_space<hbm>> -> memref<1x25x80xi32, #tpu.memory_space<hbm>>
        %dma_start3A_80 = tpu.memref_squeeze %dma_start3A_79 : memref<1x25x80xi32, #tpu.memory_space<hbm>> -> memref<25x80xi32, #tpu.memory_space<hbm>>
        tpu.enqueue_dma source(%dma_start3A_80 : memref<25x80xi32, #tpu.memory_space<hbm>>) target(%arg7 : memref<25x80xi32, #tpu.memory_space<vmem>>) target_semaphore(%run_scoped3A : memref<!tpu.dma_semaphore, #tpu.memory_space<semaphore_mem>>)
        %dma_wait3A_81 = arith.constant 0 : i32
        %dma_wait3A_82 = arith.constant 0 : i32
        %dma_wait3A_83 = arith.constant 0 : i32
        %dma_wait3A_84 = tpu.memref_slice %arg3[%add3A, %dma_wait3A_81, %dma_wait3A_82, %dma_wait3A_83] : memref<32x5x25x80xi32, #tpu.memory_space<hbm>> -> memref<1x5x25x80xi32, #tpu.memory_space<hbm>>
        %dma_wait3A_85 = tpu.memref_squeeze %dma_wait3A_84 : memref<1x5x25x80xi32, #tpu.memory_space<hbm>> -> memref<5x25x80xi32, #tpu.memory_space<hbm>>
        %dma_wait3A_86 = arith.constant 0 : i32
        %dma_wait3A_87 = arith.constant 0 : i32
        %dma_wait3A_88 = tpu.memref_slice %dma_wait3A_85[%add3A_12, %dma_wait3A_86, %dma_wait3A_87] : memref<5x25x80xi32, #tpu.memory_space<hbm>> -> memref<1x25x80xi32, #tpu.memory_space<hbm>>
        %dma_wait3A_89 = tpu.memref_squeeze %dma_wait3A_88 : memref<1x25x80xi32, #tpu.memory_space<hbm>> -> memref<25x80xi32, #tpu.memory_space<hbm>>
        %dma_wait3A_90 = arith.constant 0 : i32
        %dma_wait3A_91 = arith.constant 0 : i32
        %dma_wait3A_92 = arith.constant 0 : i32
        %dma_wait3A_93 = tpu.memref_slice %arg3[%add3A, %dma_wait3A_90, %dma_wait3A_91, %dma_wait3A_92] : memref<32x5x25x80xi32, #tpu.memory_space<hbm>> -> memref<1x5x25x80xi32, #tpu.memory_space<hbm>>
        %dma_wait3A_94 = tpu.memref_squeeze %dma_wait3A_93 : memref<1x5x25x80xi32, #tpu.memory_space<hbm>> -> memref<5x25x80xi32, #tpu.memory_space<hbm>>
        %dma_wait3A_95 = arith.constant 0 : i32
        %dma_wait3A_96 = arith.constant 0 : i32
        %dma_wait3A_97 = tpu.memref_slice %dma_wait3A_94[%add3A_12, %dma_wait3A_95, %dma_wait3A_96] : memref<5x25x80xi32, #tpu.memory_space<hbm>> -> memref<1x25x80xi32, #tpu.memory_space<hbm>>
        %dma_wait3A_98 = tpu.memref_squeeze %dma_wait3A_97 : memref<1x25x80xi32, #tpu.memory_space<hbm>> -> memref<25x80xi32, #tpu.memory_space<hbm>>
        tpu.wait_dma2 semaphore(%run_scoped3A : memref<!tpu.dma_semaphore, #tpu.memory_space<semaphore_mem>>) src(%dma_wait3A_98 : memref<25x80xi32, #tpu.memory_space<hbm>>) dst(%arg7 : memref<25x80xi32, #tpu.memory_space<vmem>>)
        tpu.yield
      }) : () -> ()
      "tpu.region"() ({
        %run_scoped3A = tpu.sem_alloc : memref<!tpu.dma_semaphore, #tpu.memory_space<semaphore_mem>>
        %dma_start3A_63 = arith.constant 0 : i32
        %dma_start3A_64 = arith.constant 0 : i32
        %dma_start3A_65 = arith.constant 0 : i32
        %dma_start3A_66 = tpu.memref_slice %arg4[%add3A, %dma_start3A_63, %dma_start3A_64, %dma_start3A_65] : memref<32x5x25x80xi32, #tpu.memory_space<hbm>> -> memref<1x5x25x80xi32, #tpu.memory_space<hbm>>
        %dma_start3A_67 = tpu.memref_squeeze %dma_start3A_66 : memref<1x5x25x80xi32, #tpu.memory_space<hbm>> -> memref<5x25x80xi32, #tpu.memory_space<hbm>>
        %dma_start3A_68 = arith.constant 0 : i32
        %dma_start3A_69 = arith.constant 0 : i32
        %dma_start3A_70 = tpu.memref_slice %dma_start3A_67[%add3A_12, %dma_start3A_68, %dma_start3A_69] : memref<5x25x80xi32, #tpu.memory_space<hbm>> -> memref<1x25x80xi32, #tpu.memory_space<hbm>>
        %dma_start3A_71 = tpu.memref_squeeze %dma_start3A_70 : memref<1x25x80xi32, #tpu.memory_space<hbm>> -> memref<25x80xi32, #tpu.memory_space<hbm>>
        %dma_start3A_72 = arith.constant 0 : i32
        %dma_start3A_73 = arith.constant 0 : i32
        %dma_start3A_74 = arith.constant 0 : i32
        %dma_start3A_75 = tpu.memref_slice %arg4[%add3A, %dma_start3A_72, %dma_start3A_73, %dma_start3A_74] : memref<32x5x25x80xi32, #tpu.memory_space<hbm>> -> memref<1x5x25x80xi32, #tpu.memory_space<hbm>>
        %dma_start3A_76 = tpu.memref_squeeze %dma_start3A_75 : memref<1x5x25x80xi32, #tpu.memory_space<hbm>> -> memref<5x25x80xi32, #tpu.memory_space<hbm>>
        %dma_start3A_77 = arith.constant 0 : i32
        %dma_start3A_78 = arith.constant 0 : i32
        %dma_start3A_79 = tpu.memref_slice %dma_start3A_76[%add3A_12, %dma_start3A_77, %dma_start3A_78] : memref<5x25x80xi32, #tpu.memory_space<hbm>> -> memref<1x25x80xi32, #tpu.memory_space<hbm>>
        %dma_start3A_80 = tpu.memref_squeeze %dma_start3A_79 : memref<1x25x80xi32, #tpu.memory_space<hbm>> -> memref<25x80xi32, #tpu.memory_space<hbm>>
        tpu.enqueue_dma source(%dma_start3A_80 : memref<25x80xi32, #tpu.memory_space<hbm>>) target(%arg8 : memref<25x80xi32, #tpu.memory_space<vmem>>) target_semaphore(%run_scoped3A : memref<!tpu.dma_semaphore, #tpu.memory_space<semaphore_mem>>)
        %dma_wait3A_81 = arith.constant 0 : i32
        %dma_wait3A_82 = arith.constant 0 : i32
        %dma_wait3A_83 = arith.constant 0 : i32
        %dma_wait3A_84 = tpu.memref_slice %arg4[%add3A, %dma_wait3A_81, %dma_wait3A_82, %dma_wait3A_83] : memref<32x5x25x80xi32, #tpu.memory_space<hbm>> -> memref<1x5x25x80xi32, #tpu.memory_space<hbm>>
        %dma_wait3A_85 = tpu.memref_squeeze %dma_wait3A_84 : memref<1x5x25x80xi32, #tpu.memory_space<hbm>> -> memref<5x25x80xi32, #tpu.memory_space<hbm>>
        %dma_wait3A_86 = arith.constant 0 : i32
        %dma_wait3A_87 = arith.constant 0 : i32
        %dma_wait3A_88 = tpu.memref_slice %dma_wait3A_85[%add3A_12, %dma_wait3A_86, %dma_wait3A_87] : memref<5x25x80xi32, #tpu.memory_space<hbm>> -> memref<1x25x80xi32, #tpu.memory_space<hbm>>
        %dma_wait3A_89 = tpu.memref_squeeze %dma_wait3A_88 : memref<1x25x80xi32, #tpu.memory_space<hbm>> -> memref<25x80xi32, #tpu.memory_space<hbm>>
        %dma_wait3A_90 = arith.constant 0 : i32
        %dma_wait3A_91 = arith.constant 0 : i32
        %dma_wait3A_92 = arith.constant 0 : i32
        %dma_wait3A_93 = tpu.memref_slice %arg4[%add3A, %dma_wait3A_90, %dma_wait3A_91, %dma_wait3A_92] : memref<32x5x25x80xi32, #tpu.memory_space<hbm>> -> memref<1x5x25x80xi32, #tpu.memory_space<hbm>>
        %dma_wait3A_94 = tpu.memref_squeeze %dma_wait3A_93 : memref<1x5x25x80xi32, #tpu.memory_space<hbm>> -> memref<5x25x80xi32, #tpu.memory_space<hbm>>
        %dma_wait3A_95 = arith.constant 0 : i32
        %dma_wait3A_96 = arith.constant 0 : i32
        %dma_wait3A_97 = tpu.memref_slice %dma_wait3A_94[%add3A_12, %dma_wait3A_95, %dma_wait3A_96] : memref<5x25x80xi32, #tpu.memory_space<hbm>> -> memref<1x25x80xi32, #tpu.memory_space<hbm>>
        %dma_wait3A_98 = tpu.memref_squeeze %dma_wait3A_97 : memref<1x25x80xi32, #tpu.memory_space<hbm>> -> memref<25x80xi32, #tpu.memory_space<hbm>>
        tpu.wait_dma2 semaphore(%run_scoped3A : memref<!tpu.dma_semaphore, #tpu.memory_space<semaphore_mem>>) src(%dma_wait3A_98 : memref<25x80xi32, #tpu.memory_space<hbm>>) dst(%arg8 : memref<25x80xi32, #tpu.memory_space<vmem>>)
        tpu.yield
      }) : () -> ()
      %scan3A_13 = arith.constant 0 : i32
      %scan3A_14 = arith.constant 12 : i32
      %scan3A_15 = arith.addi %scan3A_13, %scan3A_14 : i32
      %scan3A_16 = arith.constant 1 : i32
      scf.for %scan3A_63 = %scan3A_13 to %scan3A_15 step %scan3A_16  : i32 {
        %mul3A_64 = arith.constant 1 : i32
        %mul3A_65 = arith.muli %scan3A_63, %mul3A_64 : i32
        %add3A_66 = arith.constant 0 : i32
        %add3A_67 = arith.addi %add3A_66, %mul3A_65 : i32
        %mul3A_68 = arith.constant 2 : i32
        %mul3A_69 = arith.muli %mul3A_68, %add3A_67 : i32
        %dma_start3A_70 = arith.constant 0 : i32
        %dma_start3A_71 = tpu.memref_slice %arg7[%mul3A_69, %dma_start3A_70] : memref<25x80xi32, #tpu.memory_space<vmem>> -> memref<1x80xi32, #tpu.memory_space<vmem>>
        %dma_start3A_72 = tpu.memref_squeeze %dma_start3A_71 : memref<1x80xi32, #tpu.memory_space<vmem>> -> memref<80xi32, #tpu.memory_space<vmem>>
        %dma_start3A_73 = arith.constant 0 : i32
        %dma_start3A_74 = arith.constant 0 : i32
        %dma_start3A_75 = tpu.memref_slice %arg2[%dma_start3A_73, %dma_start3A_74] : memref<10240x128xf32, #tpu.memory_space<hbm>> -> memref<10240x128xf32, #tpu.memory_space<hbm>>
        tpu.enqueue_indirect_dma source(%dma_start3A_75 : memref<10240x128xf32, #tpu.memory_space<hbm>>) target(%arg9 : memref<80x128xf32, #tpu.memory_space<vmem>>) offsets(%dma_start3A_72 : memref<80xi32, #tpu.memory_space<vmem>>) semaphore(%arg14 : memref<!tpu.dma_semaphore, #tpu.memory_space<semaphore_mem>>)
        %dma_start3A_76 = arith.constant 0 : i32
        %dma_start3A_77 = tpu.memref_slice %arg8[%mul3A_69, %dma_start3A_76] : memref<25x80xi32, #tpu.memory_space<vmem>> -> memref<1x80xi32, #tpu.memory_space<vmem>>
        %dma_start3A_78 = tpu.memref_squeeze %dma_start3A_77 : memref<1x80xi32, #tpu.memory_space<vmem>> -> memref<80xi32, #tpu.memory_space<vmem>>
        %dma_start3A_79 = arith.constant 0 : i32
        %dma_start3A_80 = arith.constant 0 : i32
        %dma_start3A_81 = tpu.memref_slice %arg2[%dma_start3A_79, %dma_start3A_80] : memref<10240x128xf32, #tpu.memory_space<hbm>> -> memref<10240x128xf32, #tpu.memory_space<hbm>>
        tpu.enqueue_indirect_dma source(%dma_start3A_81 : memref<10240x128xf32, #tpu.memory_space<hbm>>) target(%arg10 : memref<80x128xf32, #tpu.memory_space<vmem>>) offsets(%dma_start3A_78 : memref<80xi32, #tpu.memory_space<vmem>>) semaphore(%arg15 : memref<!tpu.dma_semaphore, #tpu.memory_space<semaphore_mem>>)
        %mul3A_82 = arith.constant 2 : i32
        %mul3A_83 = arith.muli %mul3A_82, %add3A_67 : i32
        %add3A_84 = arith.constant 1 : i32
        %add3A_85 = arith.addi %mul3A_83, %add3A_84 : i32
        %dma_start3A_86 = arith.constant 0 : i32
        %dma_start3A_87 = tpu.memref_slice %arg7[%add3A_85, %dma_start3A_86] : memref<25x80xi32, #tpu.memory_space<vmem>> -> memref<1x80xi32, #tpu.memory_space<vmem>>
        %dma_start3A_88 = tpu.memref_squeeze %dma_start3A_87 : memref<1x80xi32, #tpu.memory_space<vmem>> -> memref<80xi32, #tpu.memory_space<vmem>>
        %dma_start3A_89 = arith.constant 0 : i32
        %dma_start3A_90 = arith.constant 0 : i32
        %dma_start3A_91 = tpu.memref_slice %arg2[%dma_start3A_89, %dma_start3A_90] : memref<10240x128xf32, #tpu.memory_space<hbm>> -> memref<10240x128xf32, #tpu.memory_space<hbm>>
        tpu.enqueue_indirect_dma source(%dma_start3A_91 : memref<10240x128xf32, #tpu.memory_space<hbm>>) target(%arg11 : memref<80x128xf32, #tpu.memory_space<vmem>>) offsets(%dma_start3A_88 : memref<80xi32, #tpu.memory_space<vmem>>) semaphore(%arg16 : memref<!tpu.dma_semaphore, #tpu.memory_space<semaphore_mem>>)
        %dma_start3A_92 = arith.constant 0 : i32
        %dma_start3A_93 = tpu.memref_slice %arg8[%add3A_85, %dma_start3A_92] : memref<25x80xi32, #tpu.memory_space<vmem>> -> memref<1x80xi32, #tpu.memory_space<vmem>>
        %dma_start3A_94 = tpu.memref_squeeze %dma_start3A_93 : memref<1x80xi32, #tpu.memory_space<vmem>> -> memref<80xi32, #tpu.memory_space<vmem>>
        %dma_start3A_95 = arith.constant 0 : i32
        %dma_start3A_96 = arith.constant 0 : i32
        %dma_start3A_97 = tpu.memref_slice %arg2[%dma_start3A_95, %dma_start3A_96] : memref<10240x128xf32, #tpu.memory_space<hbm>> -> memref<10240x128xf32, #tpu.memory_space<hbm>>
        tpu.enqueue_indirect_dma source(%dma_start3A_97 : memref<10240x128xf32, #tpu.memory_space<hbm>>) target(%arg12 : memref<80x128xf32, #tpu.memory_space<vmem>>) offsets(%dma_start3A_94 : memref<80xi32, #tpu.memory_space<vmem>>) semaphore(%arg17 : memref<!tpu.dma_semaphore, #tpu.memory_space<semaphore_mem>>)
        %dma_wait3A_98 = arith.constant 0 : i32
        %dma_wait3A_99 = tpu.memref_slice %arg7[%mul3A_69, %dma_wait3A_98] : memref<25x80xi32, #tpu.memory_space<vmem>> -> memref<1x80xi32, #tpu.memory_space<vmem>>
        %dma_wait3A_100 = tpu.memref_squeeze %dma_wait3A_99 : memref<1x80xi32, #tpu.memory_space<vmem>> -> memref<80xi32, #tpu.memory_space<vmem>>
        %dma_wait3A_101 = arith.constant 0 : i32
        %dma_wait3A_102 = arith.constant 0 : i32
        %dma_wait3A_103 = tpu.memref_slice %arg2[%dma_wait3A_101, %dma_wait3A_102] : memref<10240x128xf32, #tpu.memory_space<hbm>> -> memref<10240x128xf32, #tpu.memory_space<hbm>>
        tpu.wait_indirect_dma semaphore(%arg14 : memref<!tpu.dma_semaphore, #tpu.memory_space<semaphore_mem>>) src(%dma_wait3A_103 : memref<10240x128xf32, #tpu.memory_space<hbm>>) dst(%arg9 : memref<80x128xf32, #tpu.memory_space<vmem>>)
        %dma_wait3A_104 = arith.constant 0 : i32
        %dma_wait3A_105 = tpu.memref_slice %arg8[%mul3A_69, %dma_wait3A_104] : memref<25x80xi32, #tpu.memory_space<vmem>> -> memref<1x80xi32, #tpu.memory_space<vmem>>
        %dma_wait3A_106 = tpu.memref_squeeze %dma_wait3A_105 : memref<1x80xi32, #tpu.memory_space<vmem>> -> memref<80xi32, #tpu.memory_space<vmem>>
        %dma_wait3A_107 = arith.constant 0 : i32
        %dma_wait3A_108 = arith.constant 0 : i32
        %dma_wait3A_109 = tpu.memref_slice %arg2[%dma_wait3A_107, %dma_wait3A_108] : memref<10240x128xf32, #tpu.memory_space<hbm>> -> memref<10240x128xf32, #tpu.memory_space<hbm>>
        tpu.wait_indirect_dma semaphore(%arg15 : memref<!tpu.dma_semaphore, #tpu.memory_space<semaphore_mem>>) src(%dma_wait3A_109 : memref<10240x128xf32, #tpu.memory_space<hbm>>) dst(%arg10 : memref<80x128xf32, #tpu.memory_space<vmem>>)
        %scan3A_110 = arith.constant 0 : i32
        %scan3A_111 = arith.constant 80 : i32
        %scan3A_112 = arith.addi %scan3A_110, %scan3A_111 : i32
        %scan3A_113 = arith.constant 1 : i32
        scf.for %scan3A_162 = %scan3A_110 to %scan3A_112 step %scan3A_113  : i32 {
          %mul3A_163 = arith.constant 1 : i32
          %mul3A_164 = arith.muli %scan3A_162, %mul3A_163 : i32
          %add3A_165 = arith.constant 0 : i32
          %add3A_166 = arith.addi %add3A_165, %mul3A_164 : i32
          %get3A = arith.index_cast %add3A_166 : i32 to index
          %get3A_167 = arith.constant 0 : index
          %get3A_168 = tpu.vector_load %arg9[%get3A, %get3A_167] {strides = array<i32>} : memref<80x128xf32, #tpu.memory_space<vmem>>, vector<1x16xf32>,
          %get3A_169 = vector.shape_cast %get3A_168 : vector<1x16xf32> to vector<16xf32>
          %get3A_170 = arith.index_cast %add3A_166 : i32 to index
          %get3A_171 = arith.constant 64 : index
          %get3A_172 = tpu.vector_load %arg10[%get3A_170, %get3A_171] {strides = array<i32>} : memref<80x128xf32, #tpu.memory_space<vmem>>, vector<1x16xf32>,
          %get3A_173 = vector.shape_cast %get3A_172 : vector<1x16xf32> to vector<16xf32>
          %add3A_174 = arith.addf %get3A_169, %get3A_173 : vector<16xf32>
          %max3A = arith.constant 0.000000e+00 : f32
          %max3A_175 = vector.broadcast %max3A : f32 to vector<16xf32>
          %max3A_176 = arith.maximumf %add3A_174, %max3A_175 : vector<16xf32>
          %swap3A = arith.index_cast %add3A_166 : i32 to index
          %swap3A_177 = arith.constant 0 : index
          %swap3A_178 = tpu.vector_load %arg9[%swap3A, %swap3A_177] {strides = array<i32>} : memref<80x128xf32, #tpu.memory_space<vmem>>, vector<1x16xf32>,
          %swap3A_179 = vector.shape_cast %swap3A_178 : vector<1x16xf32> to vector<16xf32>
          %swap3A_180 = vector.shape_cast %max3A_176 : vector<16xf32> to vector<1x16xf32>
          tpu.vector_store %arg9[%swap3A, %swap3A_177], %swap3A_180 {strides = array<i32>} : memref<80x128xf32, #tpu.memory_space<vmem>>, vector<1x16xf32>,
          %get3A_181 = arith.index_cast %add3A_166 : i32 to index
          %get3A_182 = arith.constant 16 : index
          %get3A_183 = tpu.vector_load %arg9[%get3A_181, %get3A_182] {strides = array<i32>} : memref<80x128xf32, #tpu.memory_space<vmem>>, vector<1x16xf32>,
          %get3A_184 = vector.shape_cast %get3A_183 : vector<1x16xf32> to vector<16xf32>
          %get3A_185 = arith.index_cast %add3A_166 : i32 to index
          %get3A_186 = arith.constant 80 : index
          %get3A_187 = tpu.vector_load %arg10[%get3A_185, %get3A_186] {strides = array<i32>} : memref<80x128xf32, #tpu.memory_space<vmem>>, vector<1x16xf32>,
          %get3A_188 = vector.shape_cast %get3A_187 : vector<1x16xf32> to vector<16xf32>
          %add3A_189 = arith.addf %get3A_184, %get3A_188 : vector<16xf32>
          %max3A_190 = arith.constant 0.000000e+00 : f32
          %max3A_191 = vector.broadcast %max3A_190 : f32 to vector<16xf32>
          %max3A_192 = arith.maximumf %add3A_189, %max3A_191 : vector<16xf32>
          %swap3A_193 = arith.index_cast %add3A_166 : i32 to index
          %swap3A_194 = arith.constant 16 : index
          %swap3A_195 = tpu.vector_load %arg9[%swap3A_193, %swap3A_194] {strides = array<i32>} : memref<80x128xf32, #tpu.memory_space<vmem>>, vector<1x16xf32>,
          %swap3A_196 = vector.shape_cast %swap3A_195 : vector<1x16xf32> to vector<16xf32>
          %swap3A_197 = vector.shape_cast %max3A_192 : vector<16xf32> to vector<1x16xf32>
          tpu.vector_store %arg9[%swap3A_193, %swap3A_194], %swap3A_197 {strides = array<i32>} : memref<80x128xf32, #tpu.memory_space<vmem>>, vector<1x16xf32>,
          %get3A_198 = arith.index_cast %add3A_166 : i32 to index
          %get3A_199 = arith.constant 32 : index
          %get3A_200 = tpu.vector_load %arg9[%get3A_198, %get3A_199] {strides = array<i32>} : memref<80x128xf32, #tpu.memory_space<vmem>>, vector<1x16xf32>,
          %get3A_201 = vector.shape_cast %get3A_200 : vector<1x16xf32> to vector<16xf32>
          %get3A_202 = arith.index_cast %add3A_166 : i32 to index
          %get3A_203 = arith.constant 96 : index
          %get3A_204 = tpu.vector_load %arg10[%get3A_202, %get3A_203] {strides = array<i32>} : memref<80x128xf32, #tpu.memory_space<vmem>>, vector<1x16xf32>,
          %get3A_205 = vector.shape_cast %get3A_204 : vector<1x16xf32> to vector<16xf32>
          %add3A_206 = arith.addf %get3A_201, %get3A_205 : vector<16xf32>
          %max3A_207 = arith.constant 0.000000e+00 : f32
          %max3A_208 = vector.broadcast %max3A_207 : f32 to vector<16xf32>
          %max3A_209 = arith.maximumf %add3A_206, %max3A_208 : vector<16xf32>
          %swap3A_210 = arith.index_cast %add3A_166 : i32 to index
          %swap3A_211 = arith.constant 32 : index
          %swap3A_212 = tpu.vector_load %arg9[%swap3A_210, %swap3A_211] {strides = array<i32>} : memref<80x128xf32, #tpu.memory_space<vmem>>, vector<1x16xf32>,
          %swap3A_213 = vector.shape_cast %swap3A_212 : vector<1x16xf32> to vector<16xf32>
          %swap3A_214 = vector.shape_cast %max3A_209 : vector<16xf32> to vector<1x16xf32>
          tpu.vector_store %arg9[%swap3A_210, %swap3A_211], %swap3A_214 {strides = array<i32>} : memref<80x128xf32, #tpu.memory_space<vmem>>, vector<1x16xf32>,
          %get3A_215 = arith.index_cast %add3A_166 : i32 to index
          %get3A_216 = arith.constant 48 : index
          %get3A_217 = tpu.vector_load %arg9[%get3A_215, %get3A_216] {strides = array<i32>} : memref<80x128xf32, #tpu.memory_space<vmem>>, vector<1x16xf32>,
          %get3A_218 = vector.shape_cast %get3A_217 : vector<1x16xf32> to vector<16xf32>
          %get3A_219 = arith.index_cast %add3A_166 : i32 to index
          %get3A_220 = arith.constant 112 : index
          %get3A_221 = tpu.vector_load %arg10[%get3A_219, %get3A_220] {strides = array<i32>} : memref<80x128xf32, #tpu.memory_space<vmem>>, vector<1x16xf32>,
          %get3A_222 = vector.shape_cast %get3A_221 : vector<1x16xf32> to vector<16xf32>
          %add3A_223 = arith.addf %get3A_218, %get3A_222 : vector<16xf32>
          %max3A_224 = arith.constant 0.000000e+00 : f32
          %max3A_225 = vector.broadcast %max3A_224 : f32 to vector<16xf32>
          %max3A_226 = arith.maximumf %add3A_223, %max3A_225 : vector<16xf32>
          %swap3A_227 = arith.index_cast %add3A_166 : i32 to index
          %swap3A_228 = arith.constant 48 : index
          %swap3A_229 = tpu.vector_load %arg9[%swap3A_227, %swap3A_228] {strides = array<i32>} : memref<80x128xf32, #tpu.memory_space<vmem>>, vector<1x16xf32>,
          %swap3A_230 = vector.shape_cast %swap3A_229 : vector<1x16xf32> to vector<16xf32>
          %swap3A_231 = vector.shape_cast %max3A_226 : vector<16xf32> to vector<1x16xf32>
          tpu.vector_store %arg9[%swap3A_227, %swap3A_228], %swap3A_231 {strides = array<i32>} : memref<80x128xf32, #tpu.memory_space<vmem>>, vector<1x16xf32>,
          %broadcast_in_dim3A = arith.constant 1.000000e+00 : f32
          %broadcast_in_dim3A_232 = vector.broadcast %broadcast_in_dim3A : f32 to vector<16xf32>
          %swap3A_233 = arith.index_cast %add3A_166 : i32 to index
          %swap3A_234 = arith.constant 64 : index
          %swap3A_235 = tpu.vector_load %arg9[%swap3A_233, %swap3A_234] {strides = array<i32>} : memref<80x128xf32, #tpu.memory_space<vmem>>, vector<1x16xf32>,
          %swap3A_236 = vector.shape_cast %swap3A_235 : vector<1x16xf32> to vector<16xf32>
          %swap3A_237 = vector.shape_cast %broadcast_in_dim3A_232 : vector<16xf32> to vector<1x16xf32>
          tpu.vector_store %arg9[%swap3A_233, %swap3A_234], %swap3A_237 {strides = array<i32>} : memref<80x128xf32, #tpu.memory_space<vmem>>, vector<1x16xf32>,
        }
        %scan3A_114 = arith.constant 80 : i32
        %mul3A_115 = arith.constant 2 : i32
        %mul3A_116 = arith.muli %mul3A_115, %add3A_67 : i32
        %dma_start3A_117 = arith.constant 0 : i32
        %dma_start3A_118 = tpu.memref_slice %arg7[%mul3A_116, %dma_start3A_117] : memref<25x80xi32, #tpu.memory_space<vmem>> -> memref<1x80xi32, #tpu.memory_space<vmem>>
        %dma_start3A_119 = tpu.memref_squeeze %dma_start3A_118 : memref<1x80xi32, #tpu.memory_space<vmem>> -> memref<80xi32, #tpu.memory_space<vmem>>
        %dma_start3A_120 = arith.constant 0 : i32
        %dma_start3A_121 = arith.constant 0 : i32
        %dma_start3A_122 = tpu.memref_slice %arg13[%dma_start3A_120, %dma_start3A_121] : memref<10240x128xf32, #tpu.memory_space<vmem_shared>> -> memref<10240x128xf32, #tpu.memory_space<vmem_shared>>
        tpu.enqueue_indirect_dma source(%arg9 : memref<80x128xf32, #tpu.memory_space<vmem>>) target(%dma_start3A_122 : memref<10240x128xf32, #tpu.memory_space<vmem_shared>>) offsets(%dma_start3A_119 : memref<80xi32, #tpu.memory_space<vmem>>) semaphore(%arg18 : memref<!tpu.dma_semaphore, #tpu.memory_space<semaphore_mem>>) {add = true}
        %dma_wait3A_123 = arith.constant 0 : i32
        %dma_wait3A_124 = tpu.memref_slice %arg7[%add3A_85, %dma_wait3A_123] : memref<25x80xi32, #tpu.memory_space<vmem>> -> memref<1x80xi32, #tpu.memory_space<vmem>>
        %dma_wait3A_125 = tpu.memref_squeeze %dma_wait3A_124 : memref<1x80xi32, #tpu.memory_space<vmem>> -> memref<80xi32, #tpu.memory_space<vmem>>
        %dma_wait3A_126 = arith.constant 0 : i32
        %dma_wait3A_127 = arith.constant 0 : i32
        %dma_wait3A_128 = tpu.memref_slice %arg2[%dma_wait3A_126, %dma_wait3A_127] : memref<10240x128xf32, #tpu.memory_space<hbm>> -> memref<10240x128xf32, #tpu.memory_space<hbm>>
        tpu.wait_indirect_dma semaphore(%arg16 : memref<!tpu.dma_semaphore, #tpu.memory_space<semaphore_mem>>) src(%dma_wait3A_128 : memref<10240x128xf32, #tpu.memory_space<hbm>>) dst(%arg11 : memref<80x128xf32, #tpu.memory_space<vmem>>)
        %dma_wait3A_129 = arith.constant 0 : i32
        %dma_wait3A_130 = tpu.memref_slice %arg8[%add3A_85, %dma_wait3A_129] : memref<25x80xi32, #tpu.memory_space<vmem>> -> memref<1x80xi32, #tpu.memory_space<vmem>>
        %dma_wait3A_131 = tpu.memref_squeeze %dma_wait3A_130 : memref<1x80xi32, #tpu.memory_space<vmem>> -> memref<80xi32, #tpu.memory_space<vmem>>
        %dma_wait3A_132 = arith.constant 0 : i32
        %dma_wait3A_133 = arith.constant 0 : i32
        %dma_wait3A_134 = tpu.memref_slice %arg2[%dma_wait3A_132, %dma_wait3A_133] : memref<10240x128xf32, #tpu.memory_space<hbm>> -> memref<10240x128xf32, #tpu.memory_space<hbm>>
        tpu.wait_indirect_dma semaphore(%arg17 : memref<!tpu.dma_semaphore, #tpu.memory_space<semaphore_mem>>) src(%dma_wait3A_134 : memref<10240x128xf32, #tpu.memory_space<hbm>>) dst(%arg12 : memref<80x128xf32, #tpu.memory_space<vmem>>)
        %scan3A_135 = arith.constant 0 : i32
        %scan3A_136 = arith.constant 80 : i32
        %scan3A_137 = arith.addi %scan3A_135, %scan3A_136 : i32
        %scan3A_138 = arith.constant 1 : i32
        scf.for %scan3A_162 = %scan3A_135 to %scan3A_137 step %scan3A_138  : i32 {
          %mul3A_163 = arith.constant 1 : i32
          %mul3A_164 = arith.muli %scan3A_162, %mul3A_163 : i32
          %add3A_165 = arith.constant 0 : i32
          %add3A_166 = arith.addi %add3A_165, %mul3A_164 : i32
          %get3A = arith.index_cast %add3A_166 : i32 to index
          %get3A_167 = arith.constant 0 : index
          %get3A_168 = tpu.vector_load %arg11[%get3A, %get3A_167] {strides = array<i32>} : memref<80x128xf32, #tpu.memory_space<vmem>>, vector<1x16xf32>,
          %get3A_169 = vector.shape_cast %get3A_168 : vector<1x16xf32> to vector<16xf32>
          %get3A_170 = arith.index_cast %add3A_166 : i32 to index
          %get3A_171 = arith.constant 64 : index
          %get3A_172 = tpu.vector_load %arg12[%get3A_170, %get3A_171] {strides = array<i32>} : memref<80x128xf32, #tpu.memory_space<vmem>>, vector<1x16xf32>,
          %get3A_173 = vector.shape_cast %get3A_172 : vector<1x16xf32> to vector<16xf32>
          %add3A_174 = arith.addf %get3A_169, %get3A_173 : vector<16xf32>
          %max3A = arith.constant 0.000000e+00 : f32
          %max3A_175 = vector.broadcast %max3A : f32 to vector<16xf32>
          %max3A_176 = arith.maximumf %add3A_174, %max3A_175 : vector<16xf32>
          %swap3A = arith.index_cast %add3A_166 : i32 to index
          %swap3A_177 = arith.constant 0 : index
          %swap3A_178 = tpu.vector_load %arg11[%swap3A, %swap3A_177] {strides = array<i32>} : memref<80x128xf32, #tpu.memory_space<vmem>>, vector<1x16xf32>,
          %swap3A_179 = vector.shape_cast %swap3A_178 : vector<1x16xf32> to vector<16xf32>
          %swap3A_180 = vector.shape_cast %max3A_176 : vector<16xf32> to vector<1x16xf32>
          tpu.vector_store %arg11[%swap3A, %swap3A_177], %swap3A_180 {strides = array<i32>} : memref<80x128xf32, #tpu.memory_space<vmem>>, vector<1x16xf32>,
          %get3A_181 = arith.index_cast %add3A_166 : i32 to index
          %get3A_182 = arith.constant 16 : index
          %get3A_183 = tpu.vector_load %arg11[%get3A_181, %get3A_182] {strides = array<i32>} : memref<80x128xf32, #tpu.memory_space<vmem>>, vector<1x16xf32>,
          %get3A_184 = vector.shape_cast %get3A_183 : vector<1x16xf32> to vector<16xf32>
          %get3A_185 = arith.index_cast %add3A_166 : i32 to index
          %get3A_186 = arith.constant 80 : index
          %get3A_187 = tpu.vector_load %arg12[%get3A_185, %get3A_186] {strides = array<i32>} : memref<80x128xf32, #tpu.memory_space<vmem>>, vector<1x16xf32>,
          %get3A_188 = vector.shape_cast %get3A_187 : vector<1x16xf32> to vector<16xf32>
          %add3A_189 = arith.addf %get3A_184, %get3A_188 : vector<16xf32>
          %max3A_190 = arith.constant 0.000000e+00 : f32
          %max3A_191 = vector.broadcast %max3A_190 : f32 to vector<16xf32>
          %max3A_192 = arith.maximumf %add3A_189, %max3A_191 : vector<16xf32>
          %swap3A_193 = arith.index_cast %add3A_166 : i32 to index
          %swap3A_194 = arith.constant 16 : index
          %swap3A_195 = tpu.vector_load %arg11[%swap3A_193, %swap3A_194] {strides = array<i32>} : memref<80x128xf32, #tpu.memory_space<vmem>>, vector<1x16xf32>,
          %swap3A_196 = vector.shape_cast %swap3A_195 : vector<1x16xf32> to vector<16xf32>
          %swap3A_197 = vector.shape_cast %max3A_192 : vector<16xf32> to vector<1x16xf32>
          tpu.vector_store %arg11[%swap3A_193, %swap3A_194], %swap3A_197 {strides = array<i32>} : memref<80x128xf32, #tpu.memory_space<vmem>>, vector<1x16xf32>,
          %get3A_198 = arith.index_cast %add3A_166 : i32 to index
          %get3A_199 = arith.constant 32 : index
          %get3A_200 = tpu.vector_load %arg11[%get3A_198, %get3A_199] {strides = array<i32>} : memref<80x128xf32, #tpu.memory_space<vmem>>, vector<1x16xf32>,
          %get3A_201 = vector.shape_cast %get3A_200 : vector<1x16xf32> to vector<16xf32>
          %get3A_202 = arith.index_cast %add3A_166 : i32 to index
          %get3A_203 = arith.constant 96 : index
          %get3A_204 = tpu.vector_load %arg12[%get3A_202, %get3A_203] {strides = array<i32>} : memref<80x128xf32, #tpu.memory_space<vmem>>, vector<1x16xf32>,
          %get3A_205 = vector.shape_cast %get3A_204 : vector<1x16xf32> to vector<16xf32>
          %add3A_206 = arith.addf %get3A_201, %get3A_205 : vector<16xf32>
          %max3A_207 = arith.constant 0.000000e+00 : f32
          %max3A_208 = vector.broadcast %max3A_207 : f32 to vector<16xf32>
          %max3A_209 = arith.maximumf %add3A_206, %max3A_208 : vector<16xf32>
          %swap3A_210 = arith.index_cast %add3A_166 : i32 to index
          %swap3A_211 = arith.constant 32 : index
          %swap3A_212 = tpu.vector_load %arg11[%swap3A_210, %swap3A_211] {strides = array<i32>} : memref<80x128xf32, #tpu.memory_space<vmem>>, vector<1x16xf32>,
          %swap3A_213 = vector.shape_cast %swap3A_212 : vector<1x16xf32> to vector<16xf32>
          %swap3A_214 = vector.shape_cast %max3A_209 : vector<16xf32> to vector<1x16xf32>
          tpu.vector_store %arg11[%swap3A_210, %swap3A_211], %swap3A_214 {strides = array<i32>} : memref<80x128xf32, #tpu.memory_space<vmem>>, vector<1x16xf32>,
          %get3A_215 = arith.index_cast %add3A_166 : i32 to index
          %get3A_216 = arith.constant 48 : index
          %get3A_217 = tpu.vector_load %arg11[%get3A_215, %get3A_216] {strides = array<i32>} : memref<80x128xf32, #tpu.memory_space<vmem>>, vector<1x16xf32>,
          %get3A_218 = vector.shape_cast %get3A_217 : vector<1x16xf32> to vector<16xf32>
          %get3A_219 = arith.index_cast %add3A_166 : i32 to index
          %get3A_220 = arith.constant 112 : index
          %get3A_221 = tpu.vector_load %arg12[%get3A_219, %get3A_220] {strides = array<i32>} : memref<80x128xf32, #tpu.memory_space<vmem>>, vector<1x16xf32>,
          %get3A_222 = vector.shape_cast %get3A_221 : vector<1x16xf32> to vector<16xf32>
          %add3A_223 = arith.addf %get3A_218, %get3A_222 : vector<16xf32>
          %max3A_224 = arith.constant 0.000000e+00 : f32
          %max3A_225 = vector.broadcast %max3A_224 : f32 to vector<16xf32>
          %max3A_226 = arith.maximumf %add3A_223, %max3A_225 : vector<16xf32>
          %swap3A_227 = arith.index_cast %add3A_166 : i32 to index
          %swap3A_228 = arith.constant 48 : index
          %swap3A_229 = tpu.vector_load %arg11[%swap3A_227, %swap3A_228] {strides = array<i32>} : memref<80x128xf32, #tpu.memory_space<vmem>>, vector<1x16xf32>,
          %swap3A_230 = vector.shape_cast %swap3A_229 : vector<1x16xf32> to vector<16xf32>
          %swap3A_231 = vector.shape_cast %max3A_226 : vector<16xf32> to vector<1x16xf32>
          tpu.vector_store %arg11[%swap3A_227, %swap3A_228], %swap3A_231 {strides = array<i32>} : memref<80x128xf32, #tpu.memory_space<vmem>>, vector<1x16xf32>,
          %broadcast_in_dim3A = arith.constant 1.000000e+00 : f32
          %broadcast_in_dim3A_232 = vector.broadcast %broadcast_in_dim3A : f32 to vector<16xf32>
          %swap3A_233 = arith.index_cast %add3A_166 : i32 to index
          %swap3A_234 = arith.constant 64 : index
          %swap3A_235 = tpu.vector_load %arg11[%swap3A_233, %swap3A_234] {strides = array<i32>} : memref<80x128xf32, #tpu.memory_space<vmem>>, vector<1x16xf32>,
          %swap3A_236 = vector.shape_cast %swap3A_235 : vector<1x16xf32> to vector<16xf32>
          %swap3A_237 = vector.shape_cast %broadcast_in_dim3A_232 : vector<16xf32> to vector<1x16xf32>
          tpu.vector_store %arg11[%swap3A_233, %swap3A_234], %swap3A_237 {strides = array<i32>} : memref<80x128xf32, #tpu.memory_space<vmem>>, vector<1x16xf32>,
        }
        %scan3A_139 = arith.constant 80 : i32
        %mul3A_140 = arith.constant 2 : i32
        %mul3A_141 = arith.muli %mul3A_140, %add3A_67 : i32
        %add3A_142 = arith.constant 1 : i32
        %add3A_143 = arith.addi %mul3A_141, %add3A_142 : i32
        %dma_start3A_144 = arith.constant 0 : i32
        %dma_start3A_145 = tpu.memref_slice %arg7[%add3A_143, %dma_start3A_144] : memref<25x80xi32, #tpu.memory_space<vmem>> -> memref<1x80xi32, #tpu.memory_space<vmem>>
        %dma_start3A_146 = tpu.memref_squeeze %dma_start3A_145 : memref<1x80xi32, #tpu.memory_space<vmem>> -> memref<80xi32, #tpu.memory_space<vmem>>
        %dma_start3A_147 = arith.constant 0 : i32
        %dma_start3A_148 = arith.constant 0 : i32
        %dma_start3A_149 = tpu.memref_slice %arg13[%dma_start3A_147, %dma_start3A_148] : memref<10240x128xf32, #tpu.memory_space<vmem_shared>> -> memref<10240x128xf32, #tpu.memory_space<vmem_shared>>
        tpu.enqueue_indirect_dma source(%arg11 : memref<80x128xf32, #tpu.memory_space<vmem>>) target(%dma_start3A_149 : memref<10240x128xf32, #tpu.memory_space<vmem_shared>>) offsets(%dma_start3A_146 : memref<80xi32, #tpu.memory_space<vmem>>) semaphore(%arg19 : memref<!tpu.dma_semaphore, #tpu.memory_space<semaphore_mem>>) {add = true}
        %dma_wait3A_150 = arith.constant 0 : i32
        %dma_wait3A_151 = tpu.memref_slice %arg7[%mul3A_116, %dma_wait3A_150] : memref<25x80xi32, #tpu.memory_space<vmem>> -> memref<1x80xi32, #tpu.memory_space<vmem>>
        %dma_wait3A_152 = tpu.memref_squeeze %dma_wait3A_151 : memref<1x80xi32, #tpu.memory_space<vmem>> -> memref<80xi32, #tpu.memory_space<vmem>>
        %dma_wait3A_153 = arith.constant 0 : i32
        %dma_wait3A_154 = arith.constant 0 : i32
        %dma_wait3A_155 = tpu.memref_slice %arg13[%dma_wait3A_153, %dma_wait3A_154] : memref<10240x128xf32, #tpu.memory_space<vmem_shared>> -> memref<10240x128xf32, #tpu.memory_space<vmem_shared>>
        tpu.wait_indirect_dma semaphore(%arg18 : memref<!tpu.dma_semaphore, #tpu.memory_space<semaphore_mem>>) src(%arg9 : memref<80x128xf32, #tpu.memory_space<vmem>>) dst(%dma_wait3A_155 : memref<10240x128xf32, #tpu.memory_space<vmem_shared>>)
        %dma_wait3A_156 = arith.constant 0 : i32
        %dma_wait3A_157 = tpu.memref_slice %arg7[%add3A_143, %dma_wait3A_156] : memref<25x80xi32, #tpu.memory_space<vmem>> -> memref<1x80xi32, #tpu.memory_space<vmem>>
        %dma_wait3A_158 = tpu.memref_squeeze %dma_wait3A_157 : memref<1x80xi32, #tpu.memory_space<vmem>> -> memref<80xi32, #tpu.memory_space<vmem>>
        %dma_wait3A_159 = arith.constant 0 : i32
        %dma_wait3A_160 = arith.constant 0 : i32
        %dma_wait3A_161 = tpu.memref_slice %arg13[%dma_wait3A_159, %dma_wait3A_160] : memref<10240x128xf32, #tpu.memory_space<vmem_shared>> -> memref<10240x128xf32, #tpu.memory_space<vmem_shared>>
        tpu.wait_indirect_dma semaphore(%arg19 : memref<!tpu.dma_semaphore, #tpu.memory_space<semaphore_mem>>) src(%arg11 : memref<80x128xf32, #tpu.memory_space<vmem>>) dst(%dma_wait3A_161 : memref<10240x128xf32, #tpu.memory_space<vmem_shared>>)
      }
      %scan3A_17 = arith.constant 12 : i32
      %dma_start3A = arith.constant 24 : i32
      %dma_start3A_18 = arith.constant 0 : i32
      %dma_start3A_19 = tpu.memref_slice %arg7[%dma_start3A, %dma_start3A_18] : memref<25x80xi32, #tpu.memory_space<vmem>> -> memref<1x80xi32, #tpu.memory_space<vmem>>
      %dma_start3A_20 = tpu.memref_squeeze %dma_start3A_19 : memref<1x80xi32, #tpu.memory_space<vmem>> -> memref<80xi32, #tpu.memory_space<vmem>>
      %dma_start3A_21 = arith.constant 0 : i32
      %dma_start3A_22 = arith.constant 0 : i32
      %dma_start3A_23 = tpu.memref_slice %arg2[%dma_start3A_21, %dma_start3A_22] : memref<10240x128xf32, #tpu.memory_space<hbm>> -> memref<10240x128xf32, #tpu.memory_space<hbm>>
      tpu.enqueue_indirect_dma source(%dma_start3A_23 : memref<10240x128xf32, #tpu.memory_space<hbm>>) target(%arg9 : memref<80x128xf32, #tpu.memory_space<vmem>>) offsets(%dma_start3A_20 : memref<80xi32, #tpu.memory_space<vmem>>) semaphore(%arg14 : memref<!tpu.dma_semaphore, #tpu.memory_space<semaphore_mem>>)
      %dma_start3A_24 = arith.constant 24 : i32
      %dma_start3A_25 = arith.constant 0 : i32
      %dma_start3A_26 = tpu.memref_slice %arg8[%dma_start3A_24, %dma_start3A_25] : memref<25x80xi32, #tpu.memory_space<vmem>> -> memref<1x80xi32, #tpu.memory_space<vmem>>
      %dma_start3A_27 = tpu.memref_squeeze %dma_start3A_26 : memref<1x80xi32, #tpu.memory_space<vmem>> -> memref<80xi32, #tpu.memory_space<vmem>>
      %dma_start3A_28 = arith.constant 0 : i32
      %dma_start3A_29 = arith.constant 0 : i32
      %dma_start3A_30 = tpu.memref_slice %arg2[%dma_start3A_28, %dma_start3A_29] : memref<10240x128xf32, #tpu.memory_space<hbm>> -> memref<10240x128xf32, #tpu.memory_space<hbm>>
      tpu.enqueue_indirect_dma source(%dma_start3A_30 : memref<10240x128xf32, #tpu.memory_space<hbm>>) target(%arg10 : memref<80x128xf32, #tpu.memory_space<vmem>>) offsets(%dma_start3A_27 : memref<80xi32, #tpu.memory_space<vmem>>) semaphore(%arg15 : memref<!tpu.dma_semaphore, #tpu.memory_space<semaphore_mem>>)
      %dma_wait3A = arith.constant 24 : i32
      %dma_wait3A_31 = arith.constant 0 : i32
      %dma_wait3A_32 = tpu.memref_slice %arg7[%dma_wait3A, %dma_wait3A_31] : memref<25x80xi32, #tpu.memory_space<vmem>> -> memref<1x80xi32, #tpu.memory_space<vmem>>
      %dma_wait3A_33 = tpu.memref_squeeze %dma_wait3A_32 : memref<1x80xi32, #tpu.memory_space<vmem>> -> memref<80xi32, #tpu.memory_space<vmem>>
      %dma_wait3A_34 = arith.constant 0 : i32
      %dma_wait3A_35 = arith.constant 0 : i32
      %dma_wait3A_36 = tpu.memref_slice %arg2[%dma_wait3A_34, %dma_wait3A_35] : memref<10240x128xf32, #tpu.memory_space<hbm>> -> memref<10240x128xf32, #tpu.memory_space<hbm>>
      tpu.wait_indirect_dma semaphore(%arg14 : memref<!tpu.dma_semaphore, #tpu.memory_space<semaphore_mem>>) src(%dma_wait3A_36 : memref<10240x128xf32, #tpu.memory_space<hbm>>) dst(%arg9 : memref<80x128xf32, #tpu.memory_space<vmem>>)
      %dma_wait3A_37 = arith.constant 24 : i32
      %dma_wait3A_38 = arith.constant 0 : i32
      %dma_wait3A_39 = tpu.memref_slice %arg8[%dma_wait3A_37, %dma_wait3A_38] : memref<25x80xi32, #tpu.memory_space<vmem>> -> memref<1x80xi32, #tpu.memory_space<vmem>>
      %dma_wait3A_40 = tpu.memref_squeeze %dma_wait3A_39 : memref<1x80xi32, #tpu.memory_space<vmem>> -> memref<80xi32, #tpu.memory_space<vmem>>
      %dma_wait3A_41 = arith.constant 0 : i32
      %dma_wait3A_42 = arith.constant 0 : i32
      %dma_wait3A_43 = tpu.memref_slice %arg2[%dma_wait3A_41, %dma_wait3A_42] : memref<10240x128xf32, #tpu.memory_space<hbm>> -> memref<10240x128xf32, #tpu.memory_space<hbm>>
      tpu.wait_indirect_dma semaphore(%arg15 : memref<!tpu.dma_semaphore, #tpu.memory_space<semaphore_mem>>) src(%dma_wait3A_43 : memref<10240x128xf32, #tpu.memory_space<hbm>>) dst(%arg10 : memref<80x128xf32, #tpu.memory_space<vmem>>)
      %scan3A_44 = arith.constant 0 : i32
      %scan3A_45 = arith.constant 80 : i32
      %scan3A_46 = arith.addi %scan3A_44, %scan3A_45 : i32
      %scan3A_47 = arith.constant 1 : i32
      scf.for %scan3A_63 = %scan3A_44 to %scan3A_46 step %scan3A_47  : i32 {
        %mul3A_64 = arith.constant 1 : i32
        %mul3A_65 = arith.muli %scan3A_63, %mul3A_64 : i32
        %add3A_66 = arith.constant 0 : i32
        %add3A_67 = arith.addi %add3A_66, %mul3A_65 : i32
        %get3A = arith.index_cast %add3A_67 : i32 to index
        %get3A_68 = arith.constant 0 : index
        %get3A_69 = tpu.vector_load %arg9[%get3A, %get3A_68] {strides = array<i32>} : memref<80x128xf32, #tpu.memory_space<vmem>>, vector<1x16xf32>,
        %get3A_70 = vector.shape_cast %get3A_69 : vector<1x16xf32> to vector<16xf32>
        %get3A_71 = arith.index_cast %add3A_67 : i32 to index
        %get3A_72 = arith.constant 64 : index
        %get3A_73 = tpu.vector_load %arg10[%get3A_71, %get3A_72] {strides = array<i32>} : memref<80x128xf32, #tpu.memory_space<vmem>>, vector<1x16xf32>,
        %get3A_74 = vector.shape_cast %get3A_73 : vector<1x16xf32> to vector<16xf32>
        %add3A_75 = arith.addf %get3A_70, %get3A_74 : vector<16xf32>
        %max3A = arith.constant 0.000000e+00 : f32
        %max3A_76 = vector.broadcast %max3A : f32 to vector<16xf32>
        %max3A_77 = arith.maximumf %add3A_75, %max3A_76 : vector<16xf32>
        %swap3A = arith.index_cast %add3A_67 : i32 to index
        %swap3A_78 = arith.constant 0 : index
        %swap3A_79 = tpu.vector_load %arg9[%swap3A, %swap3A_78] {strides = array<i32>} : memref<80x128xf32, #tpu.memory_space<vmem>>, vector<1x16xf32>,
        %swap3A_80 = vector.shape_cast %swap3A_79 : vector<1x16xf32> to vector<16xf32>
        %swap3A_81 = vector.shape_cast %max3A_77 : vector<16xf32> to vector<1x16xf32>
        tpu.vector_store %arg9[%swap3A, %swap3A_78], %swap3A_81 {strides = array<i32>} : memref<80x128xf32, #tpu.memory_space<vmem>>, vector<1x16xf32>,
        %get3A_82 = arith.index_cast %add3A_67 : i32 to index
        %get3A_83 = arith.constant 16 : index
        %get3A_84 = tpu.vector_load %arg9[%get3A_82, %get3A_83] {strides = array<i32>} : memref<80x128xf32, #tpu.memory_space<vmem>>, vector<1x16xf32>,
        %get3A_85 = vector.shape_cast %get3A_84 : vector<1x16xf32> to vector<16xf32>
        %get3A_86 = arith.index_cast %add3A_67 : i32 to index
        %get3A_87 = arith.constant 80 : index
        %get3A_88 = tpu.vector_load %arg10[%get3A_86, %get3A_87] {strides = array<i32>} : memref<80x128xf32, #tpu.memory_space<vmem>>, vector<1x16xf32>,
        %get3A_89 = vector.shape_cast %get3A_88 : vector<1x16xf32> to vector<16xf32>
        %add3A_90 = arith.addf %get3A_85, %get3A_89 : vector<16xf32>
        %max3A_91 = arith.constant 0.000000e+00 : f32
        %max3A_92 = vector.broadcast %max3A_91 : f32 to vector<16xf32>
        %max3A_93 = arith.maximumf %add3A_90, %max3A_92 : vector<16xf32>
        %swap3A_94 = arith.index_cast %add3A_67 : i32 to index
        %swap3A_95 = arith.constant 16 : index
        %swap3A_96 = tpu.vector_load %arg9[%swap3A_94, %swap3A_95] {strides = array<i32>} : memref<80x128xf32, #tpu.memory_space<vmem>>, vector<1x16xf32>,
        %swap3A_97 = vector.shape_cast %swap3A_96 : vector<1x16xf32> to vector<16xf32>
        %swap3A_98 = vector.shape_cast %max3A_93 : vector<16xf32> to vector<1x16xf32>
        tpu.vector_store %arg9[%swap3A_94, %swap3A_95], %swap3A_98 {strides = array<i32>} : memref<80x128xf32, #tpu.memory_space<vmem>>, vector<1x16xf32>,
        %get3A_99 = arith.index_cast %add3A_67 : i32 to index
        %get3A_100 = arith.constant 32 : index
        %get3A_101 = tpu.vector_load %arg9[%get3A_99, %get3A_100] {strides = array<i32>} : memref<80x128xf32, #tpu.memory_space<vmem>>, vector<1x16xf32>,
        %get3A_102 = vector.shape_cast %get3A_101 : vector<1x16xf32> to vector<16xf32>
        %get3A_103 = arith.index_cast %add3A_67 : i32 to index
        %get3A_104 = arith.constant 96 : index
        %get3A_105 = tpu.vector_load %arg10[%get3A_103, %get3A_104] {strides = array<i32>} : memref<80x128xf32, #tpu.memory_space<vmem>>, vector<1x16xf32>,
        %get3A_106 = vector.shape_cast %get3A_105 : vector<1x16xf32> to vector<16xf32>
        %add3A_107 = arith.addf %get3A_102, %get3A_106 : vector<16xf32>
        %max3A_108 = arith.constant 0.000000e+00 : f32
        %max3A_109 = vector.broadcast %max3A_108 : f32 to vector<16xf32>
        %max3A_110 = arith.maximumf %add3A_107, %max3A_109 : vector<16xf32>
        %swap3A_111 = arith.index_cast %add3A_67 : i32 to index
        %swap3A_112 = arith.constant 32 : index
        %swap3A_113 = tpu.vector_load %arg9[%swap3A_111, %swap3A_112] {strides = array<i32>} : memref<80x128xf32, #tpu.memory_space<vmem>>, vector<1x16xf32>,
        %swap3A_114 = vector.shape_cast %swap3A_113 : vector<1x16xf32> to vector<16xf32>
        %swap3A_115 = vector.shape_cast %max3A_110 : vector<16xf32> to vector<1x16xf32>
        tpu.vector_store %arg9[%swap3A_111, %swap3A_112], %swap3A_115 {strides = array<i32>} : memref<80x128xf32, #tpu.memory_space<vmem>>, vector<1x16xf32>,
        %get3A_116 = arith.index_cast %add3A_67 : i32 to index
        %get3A_117 = arith.constant 48 : index
        %get3A_118 = tpu.vector_load %arg9[%get3A_116, %get3A_117] {strides = array<i32>} : memref<80x128xf32, #tpu.memory_space<vmem>>, vector<1x16xf32>,
        %get3A_119 = vector.shape_cast %get3A_118 : vector<1x16xf32> to vector<16xf32>
        %get3A_120 = arith.index_cast %add3A_67 : i32 to index
        %get3A_121 = arith.constant 112 : index
        %get3A_122 = tpu.vector_load %arg10[%get3A_120, %get3A_121] {strides = array<i32>} : memref<80x128xf32, #tpu.memory_space<vmem>>, vector<1x16xf32>,
        %get3A_123 = vector.shape_cast %get3A_122 : vector<1x16xf32> to vector<16xf32>
        %add3A_124 = arith.addf %get3A_119, %get3A_123 : vector<16xf32>
        %max3A_125 = arith.constant 0.000000e+00 : f32
        %max3A_126 = vector.broadcast %max3A_125 : f32 to vector<16xf32>
        %max3A_127 = arith.maximumf %add3A_124, %max3A_126 : vector<16xf32>
        %swap3A_128 = arith.index_cast %add3A_67 : i32 to index
        %swap3A_129 = arith.constant 48 : index
        %swap3A_130 = tpu.vector_load %arg9[%swap3A_128, %swap3A_129] {strides = array<i32>} : memref<80x128xf32, #tpu.memory_space<vmem>>, vector<1x16xf32>,
        %swap3A_131 = vector.shape_cast %swap3A_130 : vector<1x16xf32> to vector<16xf32>
        %swap3A_132 = vector.shape_cast %max3A_127 : vector<16xf32> to vector<1x16xf32>
        tpu.vector_store %arg9[%swap3A_128, %swap3A_129], %swap3A_132 {strides = array<i32>} : memref<80x128xf32, #tpu.memory_space<vmem>>, vector<1x16xf32>,
        %broadcast_in_dim3A = arith.constant 1.000000e+00 : f32
        %broadcast_in_dim3A_133 = vector.broadcast %broadcast_in_dim3A : f32 to vector<16xf32>
        %swap3A_134 = arith.index_cast %add3A_67 : i32 to index
        %swap3A_135 = arith.constant 64 : index
        %swap3A_136 = tpu.vector_load %arg9[%swap3A_134, %swap3A_135] {strides = array<i32>} : memref<80x128xf32, #tpu.memory_space<vmem>>, vector<1x16xf32>,
        %swap3A_137 = vector.shape_cast %swap3A_136 : vector<1x16xf32> to vector<16xf32>
        %swap3A_138 = vector.shape_cast %broadcast_in_dim3A_133 : vector<16xf32> to vector<1x16xf32>
        tpu.vector_store %arg9[%swap3A_134, %swap3A_135], %swap3A_138 {strides = array<i32>} : memref<80x128xf32, #tpu.memory_space<vmem>>, vector<1x16xf32>,
      }
      %scan3A_48 = arith.constant 80 : i32
      %dma_start3A_49 = arith.constant 24 : i32
      %dma_start3A_50 = arith.constant 0 : i32
      %dma_start3A_51 = tpu.memref_slice %arg7[%dma_start3A_49, %dma_start3A_50] : memref<25x80xi32, #tpu.memory_space<vmem>> -> memref<1x80xi32, #tpu.memory_space<vmem>>
      %dma_start3A_52 = tpu.memref_squeeze %dma_start3A_51 : memref<1x80xi32, #tpu.memory_space<vmem>> -> memref<80xi32, #tpu.memory_space<vmem>>
      %dma_start3A_53 = arith.constant 0 : i32
      %dma_start3A_54 = arith.constant 0 : i32
      %dma_start3A_55 = tpu.memref_slice %arg13[%dma_start3A_53, %dma_start3A_54] : memref<10240x128xf32, #tpu.memory_space<vmem_shared>> -> memref<10240x128xf32, #tpu.memory_space<vmem_shared>>
      tpu.enqueue_indirect_dma source(%arg9 : memref<80x128xf32, #tpu.memory_space<vmem>>) target(%dma_start3A_55 : memref<10240x128xf32, #tpu.memory_space<vmem_shared>>) offsets(%dma_start3A_52 : memref<80xi32, #tpu.memory_space<vmem>>) semaphore(%arg18 : memref<!tpu.dma_semaphore, #tpu.memory_space<semaphore_mem>>) {add = true}
      %dma_wait3A_56 = arith.constant 24 : i32
      %dma_wait3A_57 = arith.constant 0 : i32
      %dma_wait3A_58 = tpu.memref_slice %arg7[%dma_wait3A_56, %dma_wait3A_57] : memref<25x80xi32, #tpu.memory_space<vmem>> -> memref<1x80xi32, #tpu.memory_space<vmem>>
      %dma_wait3A_59 = tpu.memref_squeeze %dma_wait3A_58 : memref<1x80xi32, #tpu.memory_space<vmem>> -> memref<80xi32, #tpu.memory_space<vmem>>
      %dma_wait3A_60 = arith.constant 0 : i32
      %dma_wait3A_61 = arith.constant 0 : i32
      %dma_wait3A_62 = tpu.memref_slice %arg13[%dma_wait3A_60, %dma_wait3A_61] : memref<10240x128xf32, #tpu.memory_space<vmem_shared>> -> memref<10240x128xf32, #tpu.memory_space<vmem_shared>>
      tpu.wait_indirect_dma semaphore(%arg18 : memref<!tpu.dma_semaphore, #tpu.memory_space<semaphore_mem>>) src(%arg9 : memref<80x128xf32, #tpu.memory_space<vmem>>) dst(%dma_wait3A_62 : memref<10240x128xf32, #tpu.memory_space<vmem_shared>>)
    }
    %scan3A_6 = arith.constant 5 : i32
    %barrier3A_7 = arith.constant 0 : index
    tpu.barrier barrier_id(%barrier3A_7)
    "tpu.region"() ({
      %run_scoped3A = tpu.sem_alloc : memref<!tpu.dma_semaphore, #tpu.memory_space<semaphore_mem>>
      %dma_start3A = arith.constant 0 : i32
      %dma_start3A_8 = arith.constant 0 : i32
      %dma_start3A_9 = tpu.memref_slice %arg6[%arg0, %dma_start3A, %dma_start3A_8] : memref<2x10240x128xf32, #tpu.memory_space<hbm>> -> memref<1x10240x128xf32, #tpu.memory_space<hbm>>
      %dma_start3A_10 = tpu.memref_squeeze %dma_start3A_9 : memref<1x10240x128xf32, #tpu.memory_space<hbm>> -> memref<10240x128xf32, #tpu.memory_space<hbm>>
      %dma_start3A_11 = arith.constant 0 : i32
      %dma_start3A_12 = tpu.memref_slice %dma_start3A_10[%mul3A_2, %dma_start3A_11] : memref<10240x128xf32, #tpu.memory_space<hbm>> -> memref<640x128xf32, #tpu.memory_space<hbm>>
      %dma_start3A_13 = arith.constant 0 : i32
      %dma_start3A_14 = tpu.memref_slice %arg13[%mul3A_2, %dma_start3A_13] : memref<10240x128xf32, #tpu.memory_space<vmem_shared>> -> memref<640x128xf32, #tpu.memory_space<vmem_shared>>
      tpu.enqueue_dma source(%dma_start3A_14 : memref<640x128xf32, #tpu.memory_space<vmem_shared>>) target(%dma_start3A_12 : memref<640x128xf32, #tpu.memory_space<hbm>>) target_semaphore(%run_scoped3A : memref<!tpu.dma_semaphore, #tpu.memory_space<semaphore_mem>>)
      %dma_wait3A = arith.constant 0 : i32
      %dma_wait3A_15 = arith.constant 0 : i32
      %dma_wait3A_16 = tpu.memref_slice %arg6[%arg0, %dma_wait3A, %dma_wait3A_15] : memref<2x10240x128xf32, #tpu.memory_space<hbm>> -> memref<1x10240x128xf32, #tpu.memory_space<hbm>>
      %dma_wait3A_17 = tpu.memref_squeeze %dma_wait3A_16 : memref<1x10240x128xf32, #tpu.memory_space<hbm>> -> memref<10240x128xf32, #tpu.memory_space<hbm>>
      %dma_wait3A_18 = arith.constant 0 : i32
      %dma_wait3A_19 = tpu.memref_slice %dma_wait3A_17[%mul3A_2, %dma_wait3A_18] : memref<10240x128xf32, #tpu.memory_space<hbm>> -> memref<640x128xf32, #tpu.memory_space<hbm>>
      %dma_wait3A_20 = arith.constant 0 : i32
      %dma_wait3A_21 = tpu.memref_slice %arg13[%mul3A_2, %dma_wait3A_20] : memref<10240x128xf32, #tpu.memory_space<vmem_shared>> -> memref<640x128xf32, #tpu.memory_space<vmem_shared>>
      tpu.wait_dma2 semaphore(%run_scoped3A : memref<!tpu.dma_semaphore, #tpu.memory_space<semaphore_mem>>) src(%dma_wait3A_21 : memref<640x128xf32, #tpu.memory_space<vmem_shared>>) dst(%dma_wait3A_19 : memref<640x128xf32, #tpu.memory_space<hbm>>)
      tpu.yield
    }) : () -> ()
    return
  }
}

#map = affine_map<(d0, d1) -> (0, 0, 0)>
#map1 = affine_map<(d0, d1) -> (0, 0, 0, 0)>
#map2 = affine_map<(d0, d1) -> (0, 0)>
module attributes {stable_mosaic.version = 14 : i64} {
  func.func @k(%arg0: i32, %arg1: i32, %arg2: memref<2x10240x128xf32, #tpu.memory_space<hbm>>, %arg3: memref<16x10x25x80xi32, #tpu.memory_space<hbm>>, %arg4: memref<16x10x25x80xi32, #tpu.memory_space<hbm>>, %arg5: memref<10240x128xf32, #tpu.memory_space<hbm>>, %arg6: memref<2x10240x128xf32, #tpu.memory_space<hbm>>, %arg7: memref<25x80xi32, #tpu.memory_space<vmem>>, %arg8: memref<25x80xi32, #tpu.memory_space<vmem>>, %arg9: memref<80x128xf32, #tpu.memory_space<vmem>>, %arg10: memref<80x128xf32, #tpu.memory_space<vmem>>, %arg11: memref<80x128xf32, #tpu.memory_space<vmem>>, %arg12: memref<80x128xf32, #tpu.memory_space<vmem>>, %arg13: memref<10240x128xf32, #tpu.memory_space<vmem_shared>>, %arg14: memref<!tpu.dma_semaphore, #tpu.memory_space<semaphore_mem>>, %arg15: memref<!tpu.dma_semaphore, #tpu.memory_space<semaphore_mem>>, %arg16: memref<!tpu.dma_semaphore, #tpu.memory_space<semaphore_mem>>, %arg17: memref<!tpu.dma_semaphore, #tpu.memory_space<semaphore_mem>>, %arg18: memref<!tpu.dma_semaphore, #tpu.memory_space<semaphore_mem>>, %arg19: memref<!tpu.dma_semaphore, #tpu.memory_space<semaphore_mem>>) attributes {dimension_semantics = [#tpu.dimension_semantics<core_parallel>, #tpu.dimension_semantics<subcore_parallel>], iteration_bounds = array<i64: 2, 16>, scalar_prefetch = 0 : i64, scratch_operands = 13 : i64, tpu.core_type = #tpu.core_type<sc_vector_subcore>, window_params = [{transform_indices = #map}, {transform_indices = #map1}, {transform_indices = #map1}, {transform_indices = #map2}, {transform_indices = #map}]} {
    %mul3A = arith.constant 640 : i32
    %mul3A_0 = arith.muli %arg1, %mul3A : i32
    "tpu.region"() ({
      %run_scoped3A = tpu.sem_alloc : memref<!tpu.dma_semaphore, #tpu.memory_space<semaphore_mem>>
      %dma_start3A = arith.constant 0 : i32
      %dma_start3A_6 = tpu.memref_slice %arg13[%mul3A_0, %dma_start3A] : memref<10240x128xf32, #tpu.memory_space<vmem_shared>> -> memref<640x128xf32, #tpu.memory_space<vmem_shared>>
      %dma_start3A_7 = arith.constant 0 : i32
      %dma_start3A_8 = tpu.memref_slice %arg5[%mul3A_0, %dma_start3A_7] : memref<10240x128xf32, #tpu.memory_space<hbm>> -> memref<640x128xf32, #tpu.memory_space<hbm>>
      tpu.enqueue_dma source(%dma_start3A_8 : memref<640x128xf32, #tpu.memory_space<hbm>>) target(%dma_start3A_6 : memref<640x128xf32, #tpu.memory_space<vmem_shared>>) target_semaphore(%run_scoped3A : memref<!tpu.dma_semaphore, #tpu.memory_space<semaphore_mem>>)
      %dma_wait3A = arith.constant 0 : i32
      %dma_wait3A_9 = tpu.memref_slice %arg13[%mul3A_0, %dma_wait3A] : memref<10240x128xf32, #tpu.memory_space<vmem_shared>> -> memref<640x128xf32, #tpu.memory_space<vmem_shared>>
      %dma_wait3A_10 = arith.constant 0 : i32
      %dma_wait3A_11 = tpu.memref_slice %arg5[%mul3A_0, %dma_wait3A_10] : memref<10240x128xf32, #tpu.memory_space<hbm>> -> memref<640x128xf32, #tpu.memory_space<hbm>>
      tpu.wait_dma2 semaphore(%run_scoped3A : memref<!tpu.dma_semaphore, #tpu.memory_space<semaphore_mem>>) src(%dma_wait3A_11 : memref<640x128xf32, #tpu.memory_space<hbm>>) dst(%dma_wait3A_9 : memref<640x128xf32, #tpu.memory_space<vmem_shared>>)
      tpu.yield
    }) : () -> ()
    %barrier3A = arith.constant 0 : index
    tpu.barrier barrier_id(%barrier3A)
    %scan3A = arith.constant 0 : i32
    %scan3A_1 = arith.constant 10 : i32
    %scan3A_2 = arith.addi %scan3A, %scan3A_1 : i32
    %scan3A_3 = arith.constant 1 : i32
    scf.for %scan3A_6 = %scan3A to %scan3A_2 step %scan3A_3  : i32 {
      %mul3A_7 = arith.constant 1 : i32
      %mul3A_8 = arith.muli %scan3A_6, %mul3A_7 : i32
      %add3A = arith.constant 0 : i32
      %add3A_9 = arith.addi %add3A, %mul3A_8 : i32
      "tpu.region"() ({
        %run_scoped3A = tpu.sem_alloc : memref<!tpu.dma_semaphore, #tpu.memory_space<semaphore_mem>>
        %dma_start3A_76 = arith.constant 0 : i32
        %dma_start3A_77 = arith.constant 0 : i32
        %dma_start3A_78 = arith.constant 0 : i32
        %dma_start3A_79 = tpu.memref_slice %arg3[%arg1, %dma_start3A_76, %dma_start3A_77, %dma_start3A_78] : memref<16x10x25x80xi32, #tpu.memory_space<hbm>> -> memref<1x10x25x80xi32, #tpu.memory_space<hbm>>
        %dma_start3A_80 = tpu.memref_squeeze %dma_start3A_79 : memref<1x10x25x80xi32, #tpu.memory_space<hbm>> -> memref<10x25x80xi32, #tpu.memory_space<hbm>>
        %dma_start3A_81 = arith.constant 0 : i32
        %dma_start3A_82 = arith.constant 0 : i32
        %dma_start3A_83 = tpu.memref_slice %dma_start3A_80[%add3A_9, %dma_start3A_81, %dma_start3A_82] : memref<10x25x80xi32, #tpu.memory_space<hbm>> -> memref<1x25x80xi32, #tpu.memory_space<hbm>>
        %dma_start3A_84 = tpu.memref_squeeze %dma_start3A_83 : memref<1x25x80xi32, #tpu.memory_space<hbm>> -> memref<25x80xi32, #tpu.memory_space<hbm>>
        %dma_start3A_85 = arith.constant 0 : i32
        %dma_start3A_86 = arith.constant 0 : i32
        %dma_start3A_87 = arith.constant 0 : i32
        %dma_start3A_88 = tpu.memref_slice %arg3[%arg1, %dma_start3A_85, %dma_start3A_86, %dma_start3A_87] : memref<16x10x25x80xi32, #tpu.memory_space<hbm>> -> memref<1x10x25x80xi32, #tpu.memory_space<hbm>>
        %dma_start3A_89 = tpu.memref_squeeze %dma_start3A_88 : memref<1x10x25x80xi32, #tpu.memory_space<hbm>> -> memref<10x25x80xi32, #tpu.memory_space<hbm>>
        %dma_start3A_90 = arith.constant 0 : i32
        %dma_start3A_91 = arith.constant 0 : i32
        %dma_start3A_92 = tpu.memref_slice %dma_start3A_89[%add3A_9, %dma_start3A_90, %dma_start3A_91] : memref<10x25x80xi32, #tpu.memory_space<hbm>> -> memref<1x25x80xi32, #tpu.memory_space<hbm>>
        %dma_start3A_93 = tpu.memref_squeeze %dma_start3A_92 : memref<1x25x80xi32, #tpu.memory_space<hbm>> -> memref<25x80xi32, #tpu.memory_space<hbm>>
        tpu.enqueue_dma source(%dma_start3A_93 : memref<25x80xi32, #tpu.memory_space<hbm>>) target(%arg7 : memref<25x80xi32, #tpu.memory_space<vmem>>) target_semaphore(%run_scoped3A : memref<!tpu.dma_semaphore, #tpu.memory_space<semaphore_mem>>)
        %dma_wait3A_94 = arith.constant 0 : i32
        %dma_wait3A_95 = arith.constant 0 : i32
        %dma_wait3A_96 = arith.constant 0 : i32
        %dma_wait3A_97 = tpu.memref_slice %arg3[%arg1, %dma_wait3A_94, %dma_wait3A_95, %dma_wait3A_96] : memref<16x10x25x80xi32, #tpu.memory_space<hbm>> -> memref<1x10x25x80xi32, #tpu.memory_space<hbm>>
        %dma_wait3A_98 = tpu.memref_squeeze %dma_wait3A_97 : memref<1x10x25x80xi32, #tpu.memory_space<hbm>> -> memref<10x25x80xi32, #tpu.memory_space<hbm>>
        %dma_wait3A_99 = arith.constant 0 : i32
        %dma_wait3A_100 = arith.constant 0 : i32
        %dma_wait3A_101 = tpu.memref_slice %dma_wait3A_98[%add3A_9, %dma_wait3A_99, %dma_wait3A_100] : memref<10x25x80xi32, #tpu.memory_space<hbm>> -> memref<1x25x80xi32, #tpu.memory_space<hbm>>
        %dma_wait3A_102 = tpu.memref_squeeze %dma_wait3A_101 : memref<1x25x80xi32, #tpu.memory_space<hbm>> -> memref<25x80xi32, #tpu.memory_space<hbm>>
        %dma_wait3A_103 = arith.constant 0 : i32
        %dma_wait3A_104 = arith.constant 0 : i32
        %dma_wait3A_105 = arith.constant 0 : i32
        %dma_wait3A_106 = tpu.memref_slice %arg3[%arg1, %dma_wait3A_103, %dma_wait3A_104, %dma_wait3A_105] : memref<16x10x25x80xi32, #tpu.memory_space<hbm>> -> memref<1x10x25x80xi32, #tpu.memory_space<hbm>>
        %dma_wait3A_107 = tpu.memref_squeeze %dma_wait3A_106 : memref<1x10x25x80xi32, #tpu.memory_space<hbm>> -> memref<10x25x80xi32, #tpu.memory_space<hbm>>
        %dma_wait3A_108 = arith.constant 0 : i32
        %dma_wait3A_109 = arith.constant 0 : i32
        %dma_wait3A_110 = tpu.memref_slice %dma_wait3A_107[%add3A_9, %dma_wait3A_108, %dma_wait3A_109] : memref<10x25x80xi32, #tpu.memory_space<hbm>> -> memref<1x25x80xi32, #tpu.memory_space<hbm>>
        %dma_wait3A_111 = tpu.memref_squeeze %dma_wait3A_110 : memref<1x25x80xi32, #tpu.memory_space<hbm>> -> memref<25x80xi32, #tpu.memory_space<hbm>>
        tpu.wait_dma2 semaphore(%run_scoped3A : memref<!tpu.dma_semaphore, #tpu.memory_space<semaphore_mem>>) src(%dma_wait3A_111 : memref<25x80xi32, #tpu.memory_space<hbm>>) dst(%arg7 : memref<25x80xi32, #tpu.memory_space<vmem>>)
        tpu.yield
      }) : () -> ()
      "tpu.region"() ({
        %run_scoped3A = tpu.sem_alloc : memref<!tpu.dma_semaphore, #tpu.memory_space<semaphore_mem>>
        %dma_start3A_76 = arith.constant 0 : i32
        %dma_start3A_77 = arith.constant 0 : i32
        %dma_start3A_78 = arith.constant 0 : i32
        %dma_start3A_79 = tpu.memref_slice %arg4[%arg1, %dma_start3A_76, %dma_start3A_77, %dma_start3A_78] : memref<16x10x25x80xi32, #tpu.memory_space<hbm>> -> memref<1x10x25x80xi32, #tpu.memory_space<hbm>>
        %dma_start3A_80 = tpu.memref_squeeze %dma_start3A_79 : memref<1x10x25x80xi32, #tpu.memory_space<hbm>> -> memref<10x25x80xi32, #tpu.memory_space<hbm>>
        %dma_start3A_81 = arith.constant 0 : i32
        %dma_start3A_82 = arith.constant 0 : i32
        %dma_start3A_83 = tpu.memref_slice %dma_start3A_80[%add3A_9, %dma_start3A_81, %dma_start3A_82] : memref<10x25x80xi32, #tpu.memory_space<hbm>> -> memref<1x25x80xi32, #tpu.memory_space<hbm>>
        %dma_start3A_84 = tpu.memref_squeeze %dma_start3A_83 : memref<1x25x80xi32, #tpu.memory_space<hbm>> -> memref<25x80xi32, #tpu.memory_space<hbm>>
        %dma_start3A_85 = arith.constant 0 : i32
        %dma_start3A_86 = arith.constant 0 : i32
        %dma_start3A_87 = arith.constant 0 : i32
        %dma_start3A_88 = tpu.memref_slice %arg4[%arg1, %dma_start3A_85, %dma_start3A_86, %dma_start3A_87] : memref<16x10x25x80xi32, #tpu.memory_space<hbm>> -> memref<1x10x25x80xi32, #tpu.memory_space<hbm>>
        %dma_start3A_89 = tpu.memref_squeeze %dma_start3A_88 : memref<1x10x25x80xi32, #tpu.memory_space<hbm>> -> memref<10x25x80xi32, #tpu.memory_space<hbm>>
        %dma_start3A_90 = arith.constant 0 : i32
        %dma_start3A_91 = arith.constant 0 : i32
        %dma_start3A_92 = tpu.memref_slice %dma_start3A_89[%add3A_9, %dma_start3A_90, %dma_start3A_91] : memref<10x25x80xi32, #tpu.memory_space<hbm>> -> memref<1x25x80xi32, #tpu.memory_space<hbm>>
        %dma_start3A_93 = tpu.memref_squeeze %dma_start3A_92 : memref<1x25x80xi32, #tpu.memory_space<hbm>> -> memref<25x80xi32, #tpu.memory_space<hbm>>
        tpu.enqueue_dma source(%dma_start3A_93 : memref<25x80xi32, #tpu.memory_space<hbm>>) target(%arg8 : memref<25x80xi32, #tpu.memory_space<vmem>>) target_semaphore(%run_scoped3A : memref<!tpu.dma_semaphore, #tpu.memory_space<semaphore_mem>>)
        %dma_wait3A_94 = arith.constant 0 : i32
        %dma_wait3A_95 = arith.constant 0 : i32
        %dma_wait3A_96 = arith.constant 0 : i32
        %dma_wait3A_97 = tpu.memref_slice %arg4[%arg1, %dma_wait3A_94, %dma_wait3A_95, %dma_wait3A_96] : memref<16x10x25x80xi32, #tpu.memory_space<hbm>> -> memref<1x10x25x80xi32, #tpu.memory_space<hbm>>
        %dma_wait3A_98 = tpu.memref_squeeze %dma_wait3A_97 : memref<1x10x25x80xi32, #tpu.memory_space<hbm>> -> memref<10x25x80xi32, #tpu.memory_space<hbm>>
        %dma_wait3A_99 = arith.constant 0 : i32
        %dma_wait3A_100 = arith.constant 0 : i32
        %dma_wait3A_101 = tpu.memref_slice %dma_wait3A_98[%add3A_9, %dma_wait3A_99, %dma_wait3A_100] : memref<10x25x80xi32, #tpu.memory_space<hbm>> -> memref<1x25x80xi32, #tpu.memory_space<hbm>>
        %dma_wait3A_102 = tpu.memref_squeeze %dma_wait3A_101 : memref<1x25x80xi32, #tpu.memory_space<hbm>> -> memref<25x80xi32, #tpu.memory_space<hbm>>
        %dma_wait3A_103 = arith.constant 0 : i32
        %dma_wait3A_104 = arith.constant 0 : i32
        %dma_wait3A_105 = arith.constant 0 : i32
        %dma_wait3A_106 = tpu.memref_slice %arg4[%arg1, %dma_wait3A_103, %dma_wait3A_104, %dma_wait3A_105] : memref<16x10x25x80xi32, #tpu.memory_space<hbm>> -> memref<1x10x25x80xi32, #tpu.memory_space<hbm>>
        %dma_wait3A_107 = tpu.memref_squeeze %dma_wait3A_106 : memref<1x10x25x80xi32, #tpu.memory_space<hbm>> -> memref<10x25x80xi32, #tpu.memory_space<hbm>>
        %dma_wait3A_108 = arith.constant 0 : i32
        %dma_wait3A_109 = arith.constant 0 : i32
        %dma_wait3A_110 = tpu.memref_slice %dma_wait3A_107[%add3A_9, %dma_wait3A_108, %dma_wait3A_109] : memref<10x25x80xi32, #tpu.memory_space<hbm>> -> memref<1x25x80xi32, #tpu.memory_space<hbm>>
        %dma_wait3A_111 = tpu.memref_squeeze %dma_wait3A_110 : memref<1x25x80xi32, #tpu.memory_space<hbm>> -> memref<25x80xi32, #tpu.memory_space<hbm>>
        tpu.wait_dma2 semaphore(%run_scoped3A : memref<!tpu.dma_semaphore, #tpu.memory_space<semaphore_mem>>) src(%dma_wait3A_111 : memref<25x80xi32, #tpu.memory_space<hbm>>) dst(%arg8 : memref<25x80xi32, #tpu.memory_space<vmem>>)
        tpu.yield
      }) : () -> ()
      %scan3A_10 = arith.constant 0 : i32
      %scan3A_11 = arith.constant 12 : i32
      %scan3A_12 = arith.addi %scan3A_10, %scan3A_11 : i32
      %scan3A_13 = arith.constant 1 : i32
      scf.for %scan3A_76 = %scan3A_10 to %scan3A_12 step %scan3A_13  : i32 {
        %mul3A_77 = arith.constant 1 : i32
        %mul3A_78 = arith.muli %scan3A_76, %mul3A_77 : i32
        %add3A_79 = arith.constant 0 : i32
        %add3A_80 = arith.addi %add3A_79, %mul3A_78 : i32
        %mul3A_81 = arith.constant 2 : i32
        %mul3A_82 = arith.muli %mul3A_81, %add3A_80 : i32
        %dma_start3A_83 = arith.constant 0 : i32
        %dma_start3A_84 = tpu.memref_slice %arg7[%mul3A_82, %dma_start3A_83] : memref<25x80xi32, #tpu.memory_space<vmem>> -> memref<1x80xi32, #tpu.memory_space<vmem>>
        %dma_start3A_85 = tpu.memref_squeeze %dma_start3A_84 : memref<1x80xi32, #tpu.memory_space<vmem>> -> memref<80xi32, #tpu.memory_space<vmem>>
        %dma_start3A_86 = arith.constant 0 : i32
        %dma_start3A_87 = arith.constant 0 : i32
        %dma_start3A_88 = tpu.memref_slice %arg2[%arg0, %dma_start3A_86, %dma_start3A_87] : memref<2x10240x128xf32, #tpu.memory_space<hbm>> -> memref<1x10240x128xf32, #tpu.memory_space<hbm>>
        %dma_start3A_89 = tpu.memref_squeeze %dma_start3A_88 : memref<1x10240x128xf32, #tpu.memory_space<hbm>> -> memref<10240x128xf32, #tpu.memory_space<hbm>>
        %dma_start3A_90 = arith.constant 0 : i32
        %dma_start3A_91 = arith.constant 0 : i32
        %dma_start3A_92 = tpu.memref_slice %dma_start3A_89[%dma_start3A_90, %dma_start3A_91] : memref<10240x128xf32, #tpu.memory_space<hbm>> -> memref<10240x128xf32, #tpu.memory_space<hbm>>
        tpu.enqueue_indirect_dma source(%dma_start3A_92 : memref<10240x128xf32, #tpu.memory_space<hbm>>) target(%arg9 : memref<80x128xf32, #tpu.memory_space<vmem>>) offsets(%dma_start3A_85 : memref<80xi32, #tpu.memory_space<vmem>>) semaphore(%arg14 : memref<!tpu.dma_semaphore, #tpu.memory_space<semaphore_mem>>)
        %dma_start3A_93 = arith.constant 0 : i32
        %dma_start3A_94 = tpu.memref_slice %arg8[%mul3A_82, %dma_start3A_93] : memref<25x80xi32, #tpu.memory_space<vmem>> -> memref<1x80xi32, #tpu.memory_space<vmem>>
        %dma_start3A_95 = tpu.memref_squeeze %dma_start3A_94 : memref<1x80xi32, #tpu.memory_space<vmem>> -> memref<80xi32, #tpu.memory_space<vmem>>
        %dma_start3A_96 = arith.constant 0 : i32
        %dma_start3A_97 = arith.constant 0 : i32
        %dma_start3A_98 = tpu.memref_slice %arg2[%arg0, %dma_start3A_96, %dma_start3A_97] : memref<2x10240x128xf32, #tpu.memory_space<hbm>> -> memref<1x10240x128xf32, #tpu.memory_space<hbm>>
        %dma_start3A_99 = tpu.memref_squeeze %dma_start3A_98 : memref<1x10240x128xf32, #tpu.memory_space<hbm>> -> memref<10240x128xf32, #tpu.memory_space<hbm>>
        %dma_start3A_100 = arith.constant 0 : i32
        %dma_start3A_101 = arith.constant 0 : i32
        %dma_start3A_102 = tpu.memref_slice %dma_start3A_99[%dma_start3A_100, %dma_start3A_101] : memref<10240x128xf32, #tpu.memory_space<hbm>> -> memref<10240x128xf32, #tpu.memory_space<hbm>>
        tpu.enqueue_indirect_dma source(%dma_start3A_102 : memref<10240x128xf32, #tpu.memory_space<hbm>>) target(%arg10 : memref<80x128xf32, #tpu.memory_space<vmem>>) offsets(%dma_start3A_95 : memref<80xi32, #tpu.memory_space<vmem>>) semaphore(%arg15 : memref<!tpu.dma_semaphore, #tpu.memory_space<semaphore_mem>>)
        %mul3A_103 = arith.constant 2 : i32
        %mul3A_104 = arith.muli %mul3A_103, %add3A_80 : i32
        %add3A_105 = arith.constant 1 : i32
        %add3A_106 = arith.addi %mul3A_104, %add3A_105 : i32
        %dma_start3A_107 = arith.constant 0 : i32
        %dma_start3A_108 = tpu.memref_slice %arg7[%add3A_106, %dma_start3A_107] : memref<25x80xi32, #tpu.memory_space<vmem>> -> memref<1x80xi32, #tpu.memory_space<vmem>>
        %dma_start3A_109 = tpu.memref_squeeze %dma_start3A_108 : memref<1x80xi32, #tpu.memory_space<vmem>> -> memref<80xi32, #tpu.memory_space<vmem>>
        %dma_start3A_110 = arith.constant 0 : i32
        %dma_start3A_111 = arith.constant 0 : i32
        %dma_start3A_112 = tpu.memref_slice %arg2[%arg0, %dma_start3A_110, %dma_start3A_111] : memref<2x10240x128xf32, #tpu.memory_space<hbm>> -> memref<1x10240x128xf32, #tpu.memory_space<hbm>>
        %dma_start3A_113 = tpu.memref_squeeze %dma_start3A_112 : memref<1x10240x128xf32, #tpu.memory_space<hbm>> -> memref<10240x128xf32, #tpu.memory_space<hbm>>
        %dma_start3A_114 = arith.constant 0 : i32
        %dma_start3A_115 = arith.constant 0 : i32
        %dma_start3A_116 = tpu.memref_slice %dma_start3A_113[%dma_start3A_114, %dma_start3A_115] : memref<10240x128xf32, #tpu.memory_space<hbm>> -> memref<10240x128xf32, #tpu.memory_space<hbm>>
        tpu.enqueue_indirect_dma source(%dma_start3A_116 : memref<10240x128xf32, #tpu.memory_space<hbm>>) target(%arg11 : memref<80x128xf32, #tpu.memory_space<vmem>>) offsets(%dma_start3A_109 : memref<80xi32, #tpu.memory_space<vmem>>) semaphore(%arg16 : memref<!tpu.dma_semaphore, #tpu.memory_space<semaphore_mem>>)
        %dma_start3A_117 = arith.constant 0 : i32
        %dma_start3A_118 = tpu.memref_slice %arg8[%add3A_106, %dma_start3A_117] : memref<25x80xi32, #tpu.memory_space<vmem>> -> memref<1x80xi32, #tpu.memory_space<vmem>>
        %dma_start3A_119 = tpu.memref_squeeze %dma_start3A_118 : memref<1x80xi32, #tpu.memory_space<vmem>> -> memref<80xi32, #tpu.memory_space<vmem>>
        %dma_start3A_120 = arith.constant 0 : i32
        %dma_start3A_121 = arith.constant 0 : i32
        %dma_start3A_122 = tpu.memref_slice %arg2[%arg0, %dma_start3A_120, %dma_start3A_121] : memref<2x10240x128xf32, #tpu.memory_space<hbm>> -> memref<1x10240x128xf32, #tpu.memory_space<hbm>>
        %dma_start3A_123 = tpu.memref_squeeze %dma_start3A_122 : memref<1x10240x128xf32, #tpu.memory_space<hbm>> -> memref<10240x128xf32, #tpu.memory_space<hbm>>
        %dma_start3A_124 = arith.constant 0 : i32
        %dma_start3A_125 = arith.constant 0 : i32
        %dma_start3A_126 = tpu.memref_slice %dma_start3A_123[%dma_start3A_124, %dma_start3A_125] : memref<10240x128xf32, #tpu.memory_space<hbm>> -> memref<10240x128xf32, #tpu.memory_space<hbm>>
        tpu.enqueue_indirect_dma source(%dma_start3A_126 : memref<10240x128xf32, #tpu.memory_space<hbm>>) target(%arg12 : memref<80x128xf32, #tpu.memory_space<vmem>>) offsets(%dma_start3A_119 : memref<80xi32, #tpu.memory_space<vmem>>) semaphore(%arg17 : memref<!tpu.dma_semaphore, #tpu.memory_space<semaphore_mem>>)
        %dma_wait3A_127 = arith.constant 0 : i32
        %dma_wait3A_128 = tpu.memref_slice %arg7[%mul3A_82, %dma_wait3A_127] : memref<25x80xi32, #tpu.memory_space<vmem>> -> memref<1x80xi32, #tpu.memory_space<vmem>>
        %dma_wait3A_129 = tpu.memref_squeeze %dma_wait3A_128 : memref<1x80xi32, #tpu.memory_space<vmem>> -> memref<80xi32, #tpu.memory_space<vmem>>
        %dma_wait3A_130 = arith.constant 0 : i32
        %dma_wait3A_131 = arith.constant 0 : i32
        %dma_wait3A_132 = tpu.memref_slice %arg2[%arg0, %dma_wait3A_130, %dma_wait3A_131] : memref<2x10240x128xf32, #tpu.memory_space<hbm>> -> memref<1x10240x128xf32, #tpu.memory_space<hbm>>
        %dma_wait3A_133 = tpu.memref_squeeze %dma_wait3A_132 : memref<1x10240x128xf32, #tpu.memory_space<hbm>> -> memref<10240x128xf32, #tpu.memory_space<hbm>>
        %dma_wait3A_134 = arith.constant 0 : i32
        %dma_wait3A_135 = arith.constant 0 : i32
        %dma_wait3A_136 = tpu.memref_slice %dma_wait3A_133[%dma_wait3A_134, %dma_wait3A_135] : memref<10240x128xf32, #tpu.memory_space<hbm>> -> memref<10240x128xf32, #tpu.memory_space<hbm>>
        tpu.wait_indirect_dma semaphore(%arg14 : memref<!tpu.dma_semaphore, #tpu.memory_space<semaphore_mem>>) src(%dma_wait3A_136 : memref<10240x128xf32, #tpu.memory_space<hbm>>) dst(%arg9 : memref<80x128xf32, #tpu.memory_space<vmem>>)
        %dma_wait3A_137 = arith.constant 0 : i32
        %dma_wait3A_138 = tpu.memref_slice %arg8[%mul3A_82, %dma_wait3A_137] : memref<25x80xi32, #tpu.memory_space<vmem>> -> memref<1x80xi32, #tpu.memory_space<vmem>>
        %dma_wait3A_139 = tpu.memref_squeeze %dma_wait3A_138 : memref<1x80xi32, #tpu.memory_space<vmem>> -> memref<80xi32, #tpu.memory_space<vmem>>
        %dma_wait3A_140 = arith.constant 0 : i32
        %dma_wait3A_141 = arith.constant 0 : i32
        %dma_wait3A_142 = tpu.memref_slice %arg2[%arg0, %dma_wait3A_140, %dma_wait3A_141] : memref<2x10240x128xf32, #tpu.memory_space<hbm>> -> memref<1x10240x128xf32, #tpu.memory_space<hbm>>
        %dma_wait3A_143 = tpu.memref_squeeze %dma_wait3A_142 : memref<1x10240x128xf32, #tpu.memory_space<hbm>> -> memref<10240x128xf32, #tpu.memory_space<hbm>>
        %dma_wait3A_144 = arith.constant 0 : i32
        %dma_wait3A_145 = arith.constant 0 : i32
        %dma_wait3A_146 = tpu.memref_slice %dma_wait3A_143[%dma_wait3A_144, %dma_wait3A_145] : memref<10240x128xf32, #tpu.memory_space<hbm>> -> memref<10240x128xf32, #tpu.memory_space<hbm>>
        tpu.wait_indirect_dma semaphore(%arg15 : memref<!tpu.dma_semaphore, #tpu.memory_space<semaphore_mem>>) src(%dma_wait3A_146 : memref<10240x128xf32, #tpu.memory_space<hbm>>) dst(%arg10 : memref<80x128xf32, #tpu.memory_space<vmem>>)
        %scan3A_147 = arith.constant 0 : i32
        %scan3A_148 = arith.constant 80 : i32
        %scan3A_149 = arith.addi %scan3A_147, %scan3A_148 : i32
        %scan3A_150 = arith.constant 1 : i32
        scf.for %scan3A_207 = %scan3A_147 to %scan3A_149 step %scan3A_150  : i32 {
          %mul3A_208 = arith.constant 1 : i32
          %mul3A_209 = arith.muli %scan3A_207, %mul3A_208 : i32
          %add3A_210 = arith.constant 0 : i32
          %add3A_211 = arith.addi %add3A_210, %mul3A_209 : i32
          %get3A = arith.index_cast %add3A_211 : i32 to index
          %get3A_212 = arith.constant 0 : index
          %get3A_213 = tpu.vector_load %arg9[%get3A, %get3A_212] {strides = array<i32>} : memref<80x128xf32, #tpu.memory_space<vmem>>, vector<1x16xf32>,
          %get3A_214 = vector.shape_cast %get3A_213 : vector<1x16xf32> to vector<16xf32>
          %get3A_215 = arith.index_cast %add3A_211 : i32 to index
          %get3A_216 = arith.constant 64 : index
          %get3A_217 = tpu.vector_load %arg10[%get3A_215, %get3A_216] {strides = array<i32>} : memref<80x128xf32, #tpu.memory_space<vmem>>, vector<1x16xf32>,
          %get3A_218 = vector.shape_cast %get3A_217 : vector<1x16xf32> to vector<16xf32>
          %add3A_219 = arith.addf %get3A_214, %get3A_218 : vector<16xf32>
          %max3A = arith.constant 0.000000e+00 : f32
          %max3A_220 = vector.broadcast %max3A : f32 to vector<16xf32>
          %max3A_221 = arith.maximumf %add3A_219, %max3A_220 : vector<16xf32>
          %swap3A = arith.index_cast %add3A_211 : i32 to index
          %swap3A_222 = arith.constant 0 : index
          %swap3A_223 = tpu.vector_load %arg9[%swap3A, %swap3A_222] {strides = array<i32>} : memref<80x128xf32, #tpu.memory_space<vmem>>, vector<1x16xf32>,
          %swap3A_224 = vector.shape_cast %swap3A_223 : vector<1x16xf32> to vector<16xf32>
          %swap3A_225 = vector.shape_cast %max3A_221 : vector<16xf32> to vector<1x16xf32>
          tpu.vector_store %arg9[%swap3A, %swap3A_222], %swap3A_225 {strides = array<i32>} : memref<80x128xf32, #tpu.memory_space<vmem>>, vector<1x16xf32>,
          %get3A_226 = arith.index_cast %add3A_211 : i32 to index
          %get3A_227 = arith.constant 16 : index
          %get3A_228 = tpu.vector_load %arg9[%get3A_226, %get3A_227] {strides = array<i32>} : memref<80x128xf32, #tpu.memory_space<vmem>>, vector<1x16xf32>,
          %get3A_229 = vector.shape_cast %get3A_228 : vector<1x16xf32> to vector<16xf32>
          %get3A_230 = arith.index_cast %add3A_211 : i32 to index
          %get3A_231 = arith.constant 80 : index
          %get3A_232 = tpu.vector_load %arg10[%get3A_230, %get3A_231] {strides = array<i32>} : memref<80x128xf32, #tpu.memory_space<vmem>>, vector<1x16xf32>,
          %get3A_233 = vector.shape_cast %get3A_232 : vector<1x16xf32> to vector<16xf32>
          %add3A_234 = arith.addf %get3A_229, %get3A_233 : vector<16xf32>
          %max3A_235 = arith.constant 0.000000e+00 : f32
          %max3A_236 = vector.broadcast %max3A_235 : f32 to vector<16xf32>
          %max3A_237 = arith.maximumf %add3A_234, %max3A_236 : vector<16xf32>
          %swap3A_238 = arith.index_cast %add3A_211 : i32 to index
          %swap3A_239 = arith.constant 16 : index
          %swap3A_240 = tpu.vector_load %arg9[%swap3A_238, %swap3A_239] {strides = array<i32>} : memref<80x128xf32, #tpu.memory_space<vmem>>, vector<1x16xf32>,
          %swap3A_241 = vector.shape_cast %swap3A_240 : vector<1x16xf32> to vector<16xf32>
          %swap3A_242 = vector.shape_cast %max3A_237 : vector<16xf32> to vector<1x16xf32>
          tpu.vector_store %arg9[%swap3A_238, %swap3A_239], %swap3A_242 {strides = array<i32>} : memref<80x128xf32, #tpu.memory_space<vmem>>, vector<1x16xf32>,
          %get3A_243 = arith.index_cast %add3A_211 : i32 to index
          %get3A_244 = arith.constant 32 : index
          %get3A_245 = tpu.vector_load %arg9[%get3A_243, %get3A_244] {strides = array<i32>} : memref<80x128xf32, #tpu.memory_space<vmem>>, vector<1x16xf32>,
          %get3A_246 = vector.shape_cast %get3A_245 : vector<1x16xf32> to vector<16xf32>
          %get3A_247 = arith.index_cast %add3A_211 : i32 to index
          %get3A_248 = arith.constant 96 : index
          %get3A_249 = tpu.vector_load %arg10[%get3A_247, %get3A_248] {strides = array<i32>} : memref<80x128xf32, #tpu.memory_space<vmem>>, vector<1x16xf32>,
          %get3A_250 = vector.shape_cast %get3A_249 : vector<1x16xf32> to vector<16xf32>
          %add3A_251 = arith.addf %get3A_246, %get3A_250 : vector<16xf32>
          %max3A_252 = arith.constant 0.000000e+00 : f32
          %max3A_253 = vector.broadcast %max3A_252 : f32 to vector<16xf32>
          %max3A_254 = arith.maximumf %add3A_251, %max3A_253 : vector<16xf32>
          %swap3A_255 = arith.index_cast %add3A_211 : i32 to index
          %swap3A_256 = arith.constant 32 : index
          %swap3A_257 = tpu.vector_load %arg9[%swap3A_255, %swap3A_256] {strides = array<i32>} : memref<80x128xf32, #tpu.memory_space<vmem>>, vector<1x16xf32>,
          %swap3A_258 = vector.shape_cast %swap3A_257 : vector<1x16xf32> to vector<16xf32>
          %swap3A_259 = vector.shape_cast %max3A_254 : vector<16xf32> to vector<1x16xf32>
          tpu.vector_store %arg9[%swap3A_255, %swap3A_256], %swap3A_259 {strides = array<i32>} : memref<80x128xf32, #tpu.memory_space<vmem>>, vector<1x16xf32>,
          %get3A_260 = arith.index_cast %add3A_211 : i32 to index
          %get3A_261 = arith.constant 48 : index
          %get3A_262 = tpu.vector_load %arg9[%get3A_260, %get3A_261] {strides = array<i32>} : memref<80x128xf32, #tpu.memory_space<vmem>>, vector<1x16xf32>,
          %get3A_263 = vector.shape_cast %get3A_262 : vector<1x16xf32> to vector<16xf32>
          %get3A_264 = arith.index_cast %add3A_211 : i32 to index
          %get3A_265 = arith.constant 112 : index
          %get3A_266 = tpu.vector_load %arg10[%get3A_264, %get3A_265] {strides = array<i32>} : memref<80x128xf32, #tpu.memory_space<vmem>>, vector<1x16xf32>,
          %get3A_267 = vector.shape_cast %get3A_266 : vector<1x16xf32> to vector<16xf32>
          %add3A_268 = arith.addf %get3A_263, %get3A_267 : vector<16xf32>
          %max3A_269 = arith.constant 0.000000e+00 : f32
          %max3A_270 = vector.broadcast %max3A_269 : f32 to vector<16xf32>
          %max3A_271 = arith.maximumf %add3A_268, %max3A_270 : vector<16xf32>
          %swap3A_272 = arith.index_cast %add3A_211 : i32 to index
          %swap3A_273 = arith.constant 48 : index
          %swap3A_274 = tpu.vector_load %arg9[%swap3A_272, %swap3A_273] {strides = array<i32>} : memref<80x128xf32, #tpu.memory_space<vmem>>, vector<1x16xf32>,
          %swap3A_275 = vector.shape_cast %swap3A_274 : vector<1x16xf32> to vector<16xf32>
          %swap3A_276 = vector.shape_cast %max3A_271 : vector<16xf32> to vector<1x16xf32>
          tpu.vector_store %arg9[%swap3A_272, %swap3A_273], %swap3A_276 {strides = array<i32>} : memref<80x128xf32, #tpu.memory_space<vmem>>, vector<1x16xf32>,
        }
        %scan3A_151 = arith.constant 80 : i32
        %mul3A_152 = arith.constant 2 : i32
        %mul3A_153 = arith.muli %mul3A_152, %add3A_80 : i32
        %dma_start3A_154 = arith.constant 0 : i32
        %dma_start3A_155 = tpu.memref_slice %arg7[%mul3A_153, %dma_start3A_154] : memref<25x80xi32, #tpu.memory_space<vmem>> -> memref<1x80xi32, #tpu.memory_space<vmem>>
        %dma_start3A_156 = tpu.memref_squeeze %dma_start3A_155 : memref<1x80xi32, #tpu.memory_space<vmem>> -> memref<80xi32, #tpu.memory_space<vmem>>
        %dma_start3A_157 = arith.constant 0 : i32
        %dma_start3A_158 = arith.constant 0 : i32
        %dma_start3A_159 = tpu.memref_slice %arg13[%dma_start3A_157, %dma_start3A_158] : memref<10240x128xf32, #tpu.memory_space<vmem_shared>> -> memref<10240x128xf32, #tpu.memory_space<vmem_shared>>
        tpu.enqueue_indirect_dma source(%arg9 : memref<80x128xf32, #tpu.memory_space<vmem>>) target(%dma_start3A_159 : memref<10240x128xf32, #tpu.memory_space<vmem_shared>>) offsets(%dma_start3A_156 : memref<80xi32, #tpu.memory_space<vmem>>) semaphore(%arg18 : memref<!tpu.dma_semaphore, #tpu.memory_space<semaphore_mem>>) {add = true}
        %dma_wait3A_160 = arith.constant 0 : i32
        %dma_wait3A_161 = tpu.memref_slice %arg7[%add3A_106, %dma_wait3A_160] : memref<25x80xi32, #tpu.memory_space<vmem>> -> memref<1x80xi32, #tpu.memory_space<vmem>>
        %dma_wait3A_162 = tpu.memref_squeeze %dma_wait3A_161 : memref<1x80xi32, #tpu.memory_space<vmem>> -> memref<80xi32, #tpu.memory_space<vmem>>
        %dma_wait3A_163 = arith.constant 0 : i32
        %dma_wait3A_164 = arith.constant 0 : i32
        %dma_wait3A_165 = tpu.memref_slice %arg2[%arg0, %dma_wait3A_163, %dma_wait3A_164] : memref<2x10240x128xf32, #tpu.memory_space<hbm>> -> memref<1x10240x128xf32, #tpu.memory_space<hbm>>
        %dma_wait3A_166 = tpu.memref_squeeze %dma_wait3A_165 : memref<1x10240x128xf32, #tpu.memory_space<hbm>> -> memref<10240x128xf32, #tpu.memory_space<hbm>>
        %dma_wait3A_167 = arith.constant 0 : i32
        %dma_wait3A_168 = arith.constant 0 : i32
        %dma_wait3A_169 = tpu.memref_slice %dma_wait3A_166[%dma_wait3A_167, %dma_wait3A_168] : memref<10240x128xf32, #tpu.memory_space<hbm>> -> memref<10240x128xf32, #tpu.memory_space<hbm>>
        tpu.wait_indirect_dma semaphore(%arg16 : memref<!tpu.dma_semaphore, #tpu.memory_space<semaphore_mem>>) src(%dma_wait3A_169 : memref<10240x128xf32, #tpu.memory_space<hbm>>) dst(%arg11 : memref<80x128xf32, #tpu.memory_space<vmem>>)
        %dma_wait3A_170 = arith.constant 0 : i32
        %dma_wait3A_171 = tpu.memref_slice %arg8[%add3A_106, %dma_wait3A_170] : memref<25x80xi32, #tpu.memory_space<vmem>> -> memref<1x80xi32, #tpu.memory_space<vmem>>
        %dma_wait3A_172 = tpu.memref_squeeze %dma_wait3A_171 : memref<1x80xi32, #tpu.memory_space<vmem>> -> memref<80xi32, #tpu.memory_space<vmem>>
        %dma_wait3A_173 = arith.constant 0 : i32
        %dma_wait3A_174 = arith.constant 0 : i32
        %dma_wait3A_175 = tpu.memref_slice %arg2[%arg0, %dma_wait3A_173, %dma_wait3A_174] : memref<2x10240x128xf32, #tpu.memory_space<hbm>> -> memref<1x10240x128xf32, #tpu.memory_space<hbm>>
        %dma_wait3A_176 = tpu.memref_squeeze %dma_wait3A_175 : memref<1x10240x128xf32, #tpu.memory_space<hbm>> -> memref<10240x128xf32, #tpu.memory_space<hbm>>
        %dma_wait3A_177 = arith.constant 0 : i32
        %dma_wait3A_178 = arith.constant 0 : i32
        %dma_wait3A_179 = tpu.memref_slice %dma_wait3A_176[%dma_wait3A_177, %dma_wait3A_178] : memref<10240x128xf32, #tpu.memory_space<hbm>> -> memref<10240x128xf32, #tpu.memory_space<hbm>>
        tpu.wait_indirect_dma semaphore(%arg17 : memref<!tpu.dma_semaphore, #tpu.memory_space<semaphore_mem>>) src(%dma_wait3A_179 : memref<10240x128xf32, #tpu.memory_space<hbm>>) dst(%arg12 : memref<80x128xf32, #tpu.memory_space<vmem>>)
        %scan3A_180 = arith.constant 0 : i32
        %scan3A_181 = arith.constant 80 : i32
        %scan3A_182 = arith.addi %scan3A_180, %scan3A_181 : i32
        %scan3A_183 = arith.constant 1 : i32
        scf.for %scan3A_207 = %scan3A_180 to %scan3A_182 step %scan3A_183  : i32 {
          %mul3A_208 = arith.constant 1 : i32
          %mul3A_209 = arith.muli %scan3A_207, %mul3A_208 : i32
          %add3A_210 = arith.constant 0 : i32
          %add3A_211 = arith.addi %add3A_210, %mul3A_209 : i32
          %get3A = arith.index_cast %add3A_211 : i32 to index
          %get3A_212 = arith.constant 0 : index
          %get3A_213 = tpu.vector_load %arg11[%get3A, %get3A_212] {strides = array<i32>} : memref<80x128xf32, #tpu.memory_space<vmem>>, vector<1x16xf32>,
          %get3A_214 = vector.shape_cast %get3A_213 : vector<1x16xf32> to vector<16xf32>
          %get3A_215 = arith.index_cast %add3A_211 : i32 to index
          %get3A_216 = arith.constant 64 : index
          %get3A_217 = tpu.vector_load %arg12[%get3A_215, %get3A_216] {strides = array<i32>} : memref<80x128xf32, #tpu.memory_space<vmem>>, vector<1x16xf32>,
          %get3A_218 = vector.shape_cast %get3A_217 : vector<1x16xf32> to vector<16xf32>
          %add3A_219 = arith.addf %get3A_214, %get3A_218 : vector<16xf32>
          %max3A = arith.constant 0.000000e+00 : f32
          %max3A_220 = vector.broadcast %max3A : f32 to vector<16xf32>
          %max3A_221 = arith.maximumf %add3A_219, %max3A_220 : vector<16xf32>
          %swap3A = arith.index_cast %add3A_211 : i32 to index
          %swap3A_222 = arith.constant 0 : index
          %swap3A_223 = tpu.vector_load %arg11[%swap3A, %swap3A_222] {strides = array<i32>} : memref<80x128xf32, #tpu.memory_space<vmem>>, vector<1x16xf32>,
          %swap3A_224 = vector.shape_cast %swap3A_223 : vector<1x16xf32> to vector<16xf32>
          %swap3A_225 = vector.shape_cast %max3A_221 : vector<16xf32> to vector<1x16xf32>
          tpu.vector_store %arg11[%swap3A, %swap3A_222], %swap3A_225 {strides = array<i32>} : memref<80x128xf32, #tpu.memory_space<vmem>>, vector<1x16xf32>,
          %get3A_226 = arith.index_cast %add3A_211 : i32 to index
          %get3A_227 = arith.constant 16 : index
          %get3A_228 = tpu.vector_load %arg11[%get3A_226, %get3A_227] {strides = array<i32>} : memref<80x128xf32, #tpu.memory_space<vmem>>, vector<1x16xf32>,
          %get3A_229 = vector.shape_cast %get3A_228 : vector<1x16xf32> to vector<16xf32>
          %get3A_230 = arith.index_cast %add3A_211 : i32 to index
          %get3A_231 = arith.constant 80 : index
          %get3A_232 = tpu.vector_load %arg12[%get3A_230, %get3A_231] {strides = array<i32>} : memref<80x128xf32, #tpu.memory_space<vmem>>, vector<1x16xf32>,
          %get3A_233 = vector.shape_cast %get3A_232 : vector<1x16xf32> to vector<16xf32>
          %add3A_234 = arith.addf %get3A_229, %get3A_233 : vector<16xf32>
          %max3A_235 = arith.constant 0.000000e+00 : f32
          %max3A_236 = vector.broadcast %max3A_235 : f32 to vector<16xf32>
          %max3A_237 = arith.maximumf %add3A_234, %max3A_236 : vector<16xf32>
          %swap3A_238 = arith.index_cast %add3A_211 : i32 to index
          %swap3A_239 = arith.constant 16 : index
          %swap3A_240 = tpu.vector_load %arg11[%swap3A_238, %swap3A_239] {strides = array<i32>} : memref<80x128xf32, #tpu.memory_space<vmem>>, vector<1x16xf32>,
          %swap3A_241 = vector.shape_cast %swap3A_240 : vector<1x16xf32> to vector<16xf32>
          %swap3A_242 = vector.shape_cast %max3A_237 : vector<16xf32> to vector<1x16xf32>
          tpu.vector_store %arg11[%swap3A_238, %swap3A_239], %swap3A_242 {strides = array<i32>} : memref<80x128xf32, #tpu.memory_space<vmem>>, vector<1x16xf32>,
          %get3A_243 = arith.index_cast %add3A_211 : i32 to index
          %get3A_244 = arith.constant 32 : index
          %get3A_245 = tpu.vector_load %arg11[%get3A_243, %get3A_244] {strides = array<i32>} : memref<80x128xf32, #tpu.memory_space<vmem>>, vector<1x16xf32>,
          %get3A_246 = vector.shape_cast %get3A_245 : vector<1x16xf32> to vector<16xf32>
          %get3A_247 = arith.index_cast %add3A_211 : i32 to index
          %get3A_248 = arith.constant 96 : index
          %get3A_249 = tpu.vector_load %arg12[%get3A_247, %get3A_248] {strides = array<i32>} : memref<80x128xf32, #tpu.memory_space<vmem>>, vector<1x16xf32>,
          %get3A_250 = vector.shape_cast %get3A_249 : vector<1x16xf32> to vector<16xf32>
          %add3A_251 = arith.addf %get3A_246, %get3A_250 : vector<16xf32>
          %max3A_252 = arith.constant 0.000000e+00 : f32
          %max3A_253 = vector.broadcast %max3A_252 : f32 to vector<16xf32>
          %max3A_254 = arith.maximumf %add3A_251, %max3A_253 : vector<16xf32>
          %swap3A_255 = arith.index_cast %add3A_211 : i32 to index
          %swap3A_256 = arith.constant 32 : index
          %swap3A_257 = tpu.vector_load %arg11[%swap3A_255, %swap3A_256] {strides = array<i32>} : memref<80x128xf32, #tpu.memory_space<vmem>>, vector<1x16xf32>,
          %swap3A_258 = vector.shape_cast %swap3A_257 : vector<1x16xf32> to vector<16xf32>
          %swap3A_259 = vector.shape_cast %max3A_254 : vector<16xf32> to vector<1x16xf32>
          tpu.vector_store %arg11[%swap3A_255, %swap3A_256], %swap3A_259 {strides = array<i32>} : memref<80x128xf32, #tpu.memory_space<vmem>>, vector<1x16xf32>,
          %get3A_260 = arith.index_cast %add3A_211 : i32 to index
          %get3A_261 = arith.constant 48 : index
          %get3A_262 = tpu.vector_load %arg11[%get3A_260, %get3A_261] {strides = array<i32>} : memref<80x128xf32, #tpu.memory_space<vmem>>, vector<1x16xf32>,
          %get3A_263 = vector.shape_cast %get3A_262 : vector<1x16xf32> to vector<16xf32>
          %get3A_264 = arith.index_cast %add3A_211 : i32 to index
          %get3A_265 = arith.constant 112 : index
          %get3A_266 = tpu.vector_load %arg12[%get3A_264, %get3A_265] {strides = array<i32>} : memref<80x128xf32, #tpu.memory_space<vmem>>, vector<1x16xf32>,
          %get3A_267 = vector.shape_cast %get3A_266 : vector<1x16xf32> to vector<16xf32>
          %add3A_268 = arith.addf %get3A_263, %get3A_267 : vector<16xf32>
          %max3A_269 = arith.constant 0.000000e+00 : f32
          %max3A_270 = vector.broadcast %max3A_269 : f32 to vector<16xf32>
          %max3A_271 = arith.maximumf %add3A_268, %max3A_270 : vector<16xf32>
          %swap3A_272 = arith.index_cast %add3A_211 : i32 to index
          %swap3A_273 = arith.constant 48 : index
          %swap3A_274 = tpu.vector_load %arg11[%swap3A_272, %swap3A_273] {strides = array<i32>} : memref<80x128xf32, #tpu.memory_space<vmem>>, vector<1x16xf32>,
          %swap3A_275 = vector.shape_cast %swap3A_274 : vector<1x16xf32> to vector<16xf32>
          %swap3A_276 = vector.shape_cast %max3A_271 : vector<16xf32> to vector<1x16xf32>
          tpu.vector_store %arg11[%swap3A_272, %swap3A_273], %swap3A_276 {strides = array<i32>} : memref<80x128xf32, #tpu.memory_space<vmem>>, vector<1x16xf32>,
        }
        %scan3A_184 = arith.constant 80 : i32
        %mul3A_185 = arith.constant 2 : i32
        %mul3A_186 = arith.muli %mul3A_185, %add3A_80 : i32
        %add3A_187 = arith.constant 1 : i32
        %add3A_188 = arith.addi %mul3A_186, %add3A_187 : i32
        %dma_start3A_189 = arith.constant 0 : i32
        %dma_start3A_190 = tpu.memref_slice %arg7[%add3A_188, %dma_start3A_189] : memref<25x80xi32, #tpu.memory_space<vmem>> -> memref<1x80xi32, #tpu.memory_space<vmem>>
        %dma_start3A_191 = tpu.memref_squeeze %dma_start3A_190 : memref<1x80xi32, #tpu.memory_space<vmem>> -> memref<80xi32, #tpu.memory_space<vmem>>
        %dma_start3A_192 = arith.constant 0 : i32
        %dma_start3A_193 = arith.constant 0 : i32
        %dma_start3A_194 = tpu.memref_slice %arg13[%dma_start3A_192, %dma_start3A_193] : memref<10240x128xf32, #tpu.memory_space<vmem_shared>> -> memref<10240x128xf32, #tpu.memory_space<vmem_shared>>
        tpu.enqueue_indirect_dma source(%arg11 : memref<80x128xf32, #tpu.memory_space<vmem>>) target(%dma_start3A_194 : memref<10240x128xf32, #tpu.memory_space<vmem_shared>>) offsets(%dma_start3A_191 : memref<80xi32, #tpu.memory_space<vmem>>) semaphore(%arg19 : memref<!tpu.dma_semaphore, #tpu.memory_space<semaphore_mem>>) {add = true}
        %dma_wait3A_195 = arith.constant 0 : i32
        %dma_wait3A_196 = tpu.memref_slice %arg7[%mul3A_153, %dma_wait3A_195] : memref<25x80xi32, #tpu.memory_space<vmem>> -> memref<1x80xi32, #tpu.memory_space<vmem>>
        %dma_wait3A_197 = tpu.memref_squeeze %dma_wait3A_196 : memref<1x80xi32, #tpu.memory_space<vmem>> -> memref<80xi32, #tpu.memory_space<vmem>>
        %dma_wait3A_198 = arith.constant 0 : i32
        %dma_wait3A_199 = arith.constant 0 : i32
        %dma_wait3A_200 = tpu.memref_slice %arg13[%dma_wait3A_198, %dma_wait3A_199] : memref<10240x128xf32, #tpu.memory_space<vmem_shared>> -> memref<10240x128xf32, #tpu.memory_space<vmem_shared>>
        tpu.wait_indirect_dma semaphore(%arg18 : memref<!tpu.dma_semaphore, #tpu.memory_space<semaphore_mem>>) src(%arg9 : memref<80x128xf32, #tpu.memory_space<vmem>>) dst(%dma_wait3A_200 : memref<10240x128xf32, #tpu.memory_space<vmem_shared>>)
        %dma_wait3A_201 = arith.constant 0 : i32
        %dma_wait3A_202 = tpu.memref_slice %arg7[%add3A_188, %dma_wait3A_201] : memref<25x80xi32, #tpu.memory_space<vmem>> -> memref<1x80xi32, #tpu.memory_space<vmem>>
        %dma_wait3A_203 = tpu.memref_squeeze %dma_wait3A_202 : memref<1x80xi32, #tpu.memory_space<vmem>> -> memref<80xi32, #tpu.memory_space<vmem>>
        %dma_wait3A_204 = arith.constant 0 : i32
        %dma_wait3A_205 = arith.constant 0 : i32
        %dma_wait3A_206 = tpu.memref_slice %arg13[%dma_wait3A_204, %dma_wait3A_205] : memref<10240x128xf32, #tpu.memory_space<vmem_shared>> -> memref<10240x128xf32, #tpu.memory_space<vmem_shared>>
        tpu.wait_indirect_dma semaphore(%arg19 : memref<!tpu.dma_semaphore, #tpu.memory_space<semaphore_mem>>) src(%arg11 : memref<80x128xf32, #tpu.memory_space<vmem>>) dst(%dma_wait3A_206 : memref<10240x128xf32, #tpu.memory_space<vmem_shared>>)
      }
      %scan3A_14 = arith.constant 12 : i32
      %dma_start3A = arith.constant 24 : i32
      %dma_start3A_15 = arith.constant 0 : i32
      %dma_start3A_16 = tpu.memref_slice %arg7[%dma_start3A, %dma_start3A_15] : memref<25x80xi32, #tpu.memory_space<vmem>> -> memref<1x80xi32, #tpu.memory_space<vmem>>
      %dma_start3A_17 = tpu.memref_squeeze %dma_start3A_16 : memref<1x80xi32, #tpu.memory_space<vmem>> -> memref<80xi32, #tpu.memory_space<vmem>>
      %dma_start3A_18 = arith.constant 0 : i32
      %dma_start3A_19 = arith.constant 0 : i32
      %dma_start3A_20 = tpu.memref_slice %arg2[%arg0, %dma_start3A_18, %dma_start3A_19] : memref<2x10240x128xf32, #tpu.memory_space<hbm>> -> memref<1x10240x128xf32, #tpu.memory_space<hbm>>
      %dma_start3A_21 = tpu.memref_squeeze %dma_start3A_20 : memref<1x10240x128xf32, #tpu.memory_space<hbm>> -> memref<10240x128xf32, #tpu.memory_space<hbm>>
      %dma_start3A_22 = arith.constant 0 : i32
      %dma_start3A_23 = arith.constant 0 : i32
      %dma_start3A_24 = tpu.memref_slice %dma_start3A_21[%dma_start3A_22, %dma_start3A_23] : memref<10240x128xf32, #tpu.memory_space<hbm>> -> memref<10240x128xf32, #tpu.memory_space<hbm>>
      tpu.enqueue_indirect_dma source(%dma_start3A_24 : memref<10240x128xf32, #tpu.memory_space<hbm>>) target(%arg9 : memref<80x128xf32, #tpu.memory_space<vmem>>) offsets(%dma_start3A_17 : memref<80xi32, #tpu.memory_space<vmem>>) semaphore(%arg14 : memref<!tpu.dma_semaphore, #tpu.memory_space<semaphore_mem>>)
      %dma_start3A_25 = arith.constant 24 : i32
      %dma_start3A_26 = arith.constant 0 : i32
      %dma_start3A_27 = tpu.memref_slice %arg8[%dma_start3A_25, %dma_start3A_26] : memref<25x80xi32, #tpu.memory_space<vmem>> -> memref<1x80xi32, #tpu.memory_space<vmem>>
      %dma_start3A_28 = tpu.memref_squeeze %dma_start3A_27 : memref<1x80xi32, #tpu.memory_space<vmem>> -> memref<80xi32, #tpu.memory_space<vmem>>
      %dma_start3A_29 = arith.constant 0 : i32
      %dma_start3A_30 = arith.constant 0 : i32
      %dma_start3A_31 = tpu.memref_slice %arg2[%arg0, %dma_start3A_29, %dma_start3A_30] : memref<2x10240x128xf32, #tpu.memory_space<hbm>> -> memref<1x10240x128xf32, #tpu.memory_space<hbm>>
      %dma_start3A_32 = tpu.memref_squeeze %dma_start3A_31 : memref<1x10240x128xf32, #tpu.memory_space<hbm>> -> memref<10240x128xf32, #tpu.memory_space<hbm>>
      %dma_start3A_33 = arith.constant 0 : i32
      %dma_start3A_34 = arith.constant 0 : i32
      %dma_start3A_35 = tpu.memref_slice %dma_start3A_32[%dma_start3A_33, %dma_start3A_34] : memref<10240x128xf32, #tpu.memory_space<hbm>> -> memref<10240x128xf32, #tpu.memory_space<hbm>>
      tpu.enqueue_indirect_dma source(%dma_start3A_35 : memref<10240x128xf32, #tpu.memory_space<hbm>>) target(%arg10 : memref<80x128xf32, #tpu.memory_space<vmem>>) offsets(%dma_start3A_28 : memref<80xi32, #tpu.memory_space<vmem>>) semaphore(%arg15 : memref<!tpu.dma_semaphore, #tpu.memory_space<semaphore_mem>>)
      %dma_wait3A = arith.constant 24 : i32
      %dma_wait3A_36 = arith.constant 0 : i32
      %dma_wait3A_37 = tpu.memref_slice %arg7[%dma_wait3A, %dma_wait3A_36] : memref<25x80xi32, #tpu.memory_space<vmem>> -> memref<1x80xi32, #tpu.memory_space<vmem>>
      %dma_wait3A_38 = tpu.memref_squeeze %dma_wait3A_37 : memref<1x80xi32, #tpu.memory_space<vmem>> -> memref<80xi32, #tpu.memory_space<vmem>>
      %dma_wait3A_39 = arith.constant 0 : i32
      %dma_wait3A_40 = arith.constant 0 : i32
      %dma_wait3A_41 = tpu.memref_slice %arg2[%arg0, %dma_wait3A_39, %dma_wait3A_40] : memref<2x10240x128xf32, #tpu.memory_space<hbm>> -> memref<1x10240x128xf32, #tpu.memory_space<hbm>>
      %dma_wait3A_42 = tpu.memref_squeeze %dma_wait3A_41 : memref<1x10240x128xf32, #tpu.memory_space<hbm>> -> memref<10240x128xf32, #tpu.memory_space<hbm>>
      %dma_wait3A_43 = arith.constant 0 : i32
      %dma_wait3A_44 = arith.constant 0 : i32
      %dma_wait3A_45 = tpu.memref_slice %dma_wait3A_42[%dma_wait3A_43, %dma_wait3A_44] : memref<10240x128xf32, #tpu.memory_space<hbm>> -> memref<10240x128xf32, #tpu.memory_space<hbm>>
      tpu.wait_indirect_dma semaphore(%arg14 : memref<!tpu.dma_semaphore, #tpu.memory_space<semaphore_mem>>) src(%dma_wait3A_45 : memref<10240x128xf32, #tpu.memory_space<hbm>>) dst(%arg9 : memref<80x128xf32, #tpu.memory_space<vmem>>)
      %dma_wait3A_46 = arith.constant 24 : i32
      %dma_wait3A_47 = arith.constant 0 : i32
      %dma_wait3A_48 = tpu.memref_slice %arg8[%dma_wait3A_46, %dma_wait3A_47] : memref<25x80xi32, #tpu.memory_space<vmem>> -> memref<1x80xi32, #tpu.memory_space<vmem>>
      %dma_wait3A_49 = tpu.memref_squeeze %dma_wait3A_48 : memref<1x80xi32, #tpu.memory_space<vmem>> -> memref<80xi32, #tpu.memory_space<vmem>>
      %dma_wait3A_50 = arith.constant 0 : i32
      %dma_wait3A_51 = arith.constant 0 : i32
      %dma_wait3A_52 = tpu.memref_slice %arg2[%arg0, %dma_wait3A_50, %dma_wait3A_51] : memref<2x10240x128xf32, #tpu.memory_space<hbm>> -> memref<1x10240x128xf32, #tpu.memory_space<hbm>>
      %dma_wait3A_53 = tpu.memref_squeeze %dma_wait3A_52 : memref<1x10240x128xf32, #tpu.memory_space<hbm>> -> memref<10240x128xf32, #tpu.memory_space<hbm>>
      %dma_wait3A_54 = arith.constant 0 : i32
      %dma_wait3A_55 = arith.constant 0 : i32
      %dma_wait3A_56 = tpu.memref_slice %dma_wait3A_53[%dma_wait3A_54, %dma_wait3A_55] : memref<10240x128xf32, #tpu.memory_space<hbm>> -> memref<10240x128xf32, #tpu.memory_space<hbm>>
      tpu.wait_indirect_dma semaphore(%arg15 : memref<!tpu.dma_semaphore, #tpu.memory_space<semaphore_mem>>) src(%dma_wait3A_56 : memref<10240x128xf32, #tpu.memory_space<hbm>>) dst(%arg10 : memref<80x128xf32, #tpu.memory_space<vmem>>)
      %scan3A_57 = arith.constant 0 : i32
      %scan3A_58 = arith.constant 80 : i32
      %scan3A_59 = arith.addi %scan3A_57, %scan3A_58 : i32
      %scan3A_60 = arith.constant 1 : i32
      scf.for %scan3A_76 = %scan3A_57 to %scan3A_59 step %scan3A_60  : i32 {
        %mul3A_77 = arith.constant 1 : i32
        %mul3A_78 = arith.muli %scan3A_76, %mul3A_77 : i32
        %add3A_79 = arith.constant 0 : i32
        %add3A_80 = arith.addi %add3A_79, %mul3A_78 : i32
        %get3A = arith.index_cast %add3A_80 : i32 to index
        %get3A_81 = arith.constant 0 : index
        %get3A_82 = tpu.vector_load %arg9[%get3A, %get3A_81] {strides = array<i32>} : memref<80x128xf32, #tpu.memory_space<vmem>>, vector<1x16xf32>,
        %get3A_83 = vector.shape_cast %get3A_82 : vector<1x16xf32> to vector<16xf32>
        %get3A_84 = arith.index_cast %add3A_80 : i32 to index
        %get3A_85 = arith.constant 64 : index
        %get3A_86 = tpu.vector_load %arg10[%get3A_84, %get3A_85] {strides = array<i32>} : memref<80x128xf32, #tpu.memory_space<vmem>>, vector<1x16xf32>,
        %get3A_87 = vector.shape_cast %get3A_86 : vector<1x16xf32> to vector<16xf32>
        %add3A_88 = arith.addf %get3A_83, %get3A_87 : vector<16xf32>
        %max3A = arith.constant 0.000000e+00 : f32
        %max3A_89 = vector.broadcast %max3A : f32 to vector<16xf32>
        %max3A_90 = arith.maximumf %add3A_88, %max3A_89 : vector<16xf32>
        %swap3A = arith.index_cast %add3A_80 : i32 to index
        %swap3A_91 = arith.constant 0 : index
        %swap3A_92 = tpu.vector_load %arg9[%swap3A, %swap3A_91] {strides = array<i32>} : memref<80x128xf32, #tpu.memory_space<vmem>>, vector<1x16xf32>,
        %swap3A_93 = vector.shape_cast %swap3A_92 : vector<1x16xf32> to vector<16xf32>
        %swap3A_94 = vector.shape_cast %max3A_90 : vector<16xf32> to vector<1x16xf32>
        tpu.vector_store %arg9[%swap3A, %swap3A_91], %swap3A_94 {strides = array<i32>} : memref<80x128xf32, #tpu.memory_space<vmem>>, vector<1x16xf32>,
        %get3A_95 = arith.index_cast %add3A_80 : i32 to index
        %get3A_96 = arith.constant 16 : index
        %get3A_97 = tpu.vector_load %arg9[%get3A_95, %get3A_96] {strides = array<i32>} : memref<80x128xf32, #tpu.memory_space<vmem>>, vector<1x16xf32>,
        %get3A_98 = vector.shape_cast %get3A_97 : vector<1x16xf32> to vector<16xf32>
        %get3A_99 = arith.index_cast %add3A_80 : i32 to index
        %get3A_100 = arith.constant 80 : index
        %get3A_101 = tpu.vector_load %arg10[%get3A_99, %get3A_100] {strides = array<i32>} : memref<80x128xf32, #tpu.memory_space<vmem>>, vector<1x16xf32>,
        %get3A_102 = vector.shape_cast %get3A_101 : vector<1x16xf32> to vector<16xf32>
        %add3A_103 = arith.addf %get3A_98, %get3A_102 : vector<16xf32>
        %max3A_104 = arith.constant 0.000000e+00 : f32
        %max3A_105 = vector.broadcast %max3A_104 : f32 to vector<16xf32>
        %max3A_106 = arith.maximumf %add3A_103, %max3A_105 : vector<16xf32>
        %swap3A_107 = arith.index_cast %add3A_80 : i32 to index
        %swap3A_108 = arith.constant 16 : index
        %swap3A_109 = tpu.vector_load %arg9[%swap3A_107, %swap3A_108] {strides = array<i32>} : memref<80x128xf32, #tpu.memory_space<vmem>>, vector<1x16xf32>,
        %swap3A_110 = vector.shape_cast %swap3A_109 : vector<1x16xf32> to vector<16xf32>
        %swap3A_111 = vector.shape_cast %max3A_106 : vector<16xf32> to vector<1x16xf32>
        tpu.vector_store %arg9[%swap3A_107, %swap3A_108], %swap3A_111 {strides = array<i32>} : memref<80x128xf32, #tpu.memory_space<vmem>>, vector<1x16xf32>,
        %get3A_112 = arith.index_cast %add3A_80 : i32 to index
        %get3A_113 = arith.constant 32 : index
        %get3A_114 = tpu.vector_load %arg9[%get3A_112, %get3A_113] {strides = array<i32>} : memref<80x128xf32, #tpu.memory_space<vmem>>, vector<1x16xf32>,
        %get3A_115 = vector.shape_cast %get3A_114 : vector<1x16xf32> to vector<16xf32>
        %get3A_116 = arith.index_cast %add3A_80 : i32 to index
        %get3A_117 = arith.constant 96 : index
        %get3A_118 = tpu.vector_load %arg10[%get3A_116, %get3A_117] {strides = array<i32>} : memref<80x128xf32, #tpu.memory_space<vmem>>, vector<1x16xf32>,
        %get3A_119 = vector.shape_cast %get3A_118 : vector<1x16xf32> to vector<16xf32>
        %add3A_120 = arith.addf %get3A_115, %get3A_119 : vector<16xf32>
        %max3A_121 = arith.constant 0.000000e+00 : f32
        %max3A_122 = vector.broadcast %max3A_121 : f32 to vector<16xf32>
        %max3A_123 = arith.maximumf %add3A_120, %max3A_122 : vector<16xf32>
        %swap3A_124 = arith.index_cast %add3A_80 : i32 to index
        %swap3A_125 = arith.constant 32 : index
        %swap3A_126 = tpu.vector_load %arg9[%swap3A_124, %swap3A_125] {strides = array<i32>} : memref<80x128xf32, #tpu.memory_space<vmem>>, vector<1x16xf32>,
        %swap3A_127 = vector.shape_cast %swap3A_126 : vector<1x16xf32> to vector<16xf32>
        %swap3A_128 = vector.shape_cast %max3A_123 : vector<16xf32> to vector<1x16xf32>
        tpu.vector_store %arg9[%swap3A_124, %swap3A_125], %swap3A_128 {strides = array<i32>} : memref<80x128xf32, #tpu.memory_space<vmem>>, vector<1x16xf32>,
        %get3A_129 = arith.index_cast %add3A_80 : i32 to index
        %get3A_130 = arith.constant 48 : index
        %get3A_131 = tpu.vector_load %arg9[%get3A_129, %get3A_130] {strides = array<i32>} : memref<80x128xf32, #tpu.memory_space<vmem>>, vector<1x16xf32>,
        %get3A_132 = vector.shape_cast %get3A_131 : vector<1x16xf32> to vector<16xf32>
        %get3A_133 = arith.index_cast %add3A_80 : i32 to index
        %get3A_134 = arith.constant 112 : index
        %get3A_135 = tpu.vector_load %arg10[%get3A_133, %get3A_134] {strides = array<i32>} : memref<80x128xf32, #tpu.memory_space<vmem>>, vector<1x16xf32>,
        %get3A_136 = vector.shape_cast %get3A_135 : vector<1x16xf32> to vector<16xf32>
        %add3A_137 = arith.addf %get3A_132, %get3A_136 : vector<16xf32>
        %max3A_138 = arith.constant 0.000000e+00 : f32
        %max3A_139 = vector.broadcast %max3A_138 : f32 to vector<16xf32>
        %max3A_140 = arith.maximumf %add3A_137, %max3A_139 : vector<16xf32>
        %swap3A_141 = arith.index_cast %add3A_80 : i32 to index
        %swap3A_142 = arith.constant 48 : index
        %swap3A_143 = tpu.vector_load %arg9[%swap3A_141, %swap3A_142] {strides = array<i32>} : memref<80x128xf32, #tpu.memory_space<vmem>>, vector<1x16xf32>,
        %swap3A_144 = vector.shape_cast %swap3A_143 : vector<1x16xf32> to vector<16xf32>
        %swap3A_145 = vector.shape_cast %max3A_140 : vector<16xf32> to vector<1x16xf32>
        tpu.vector_store %arg9[%swap3A_141, %swap3A_142], %swap3A_145 {strides = array<i32>} : memref<80x128xf32, #tpu.memory_space<vmem>>, vector<1x16xf32>,
      }
      %scan3A_61 = arith.constant 80 : i32
      %dma_start3A_62 = arith.constant 24 : i32
      %dma_start3A_63 = arith.constant 0 : i32
      %dma_start3A_64 = tpu.memref_slice %arg7[%dma_start3A_62, %dma_start3A_63] : memref<25x80xi32, #tpu.memory_space<vmem>> -> memref<1x80xi32, #tpu.memory_space<vmem>>
      %dma_start3A_65 = tpu.memref_squeeze %dma_start3A_64 : memref<1x80xi32, #tpu.memory_space<vmem>> -> memref<80xi32, #tpu.memory_space<vmem>>
      %dma_start3A_66 = arith.constant 0 : i32
      %dma_start3A_67 = arith.constant 0 : i32
      %dma_start3A_68 = tpu.memref_slice %arg13[%dma_start3A_66, %dma_start3A_67] : memref<10240x128xf32, #tpu.memory_space<vmem_shared>> -> memref<10240x128xf32, #tpu.memory_space<vmem_shared>>
      tpu.enqueue_indirect_dma source(%arg9 : memref<80x128xf32, #tpu.memory_space<vmem>>) target(%dma_start3A_68 : memref<10240x128xf32, #tpu.memory_space<vmem_shared>>) offsets(%dma_start3A_65 : memref<80xi32, #tpu.memory_space<vmem>>) semaphore(%arg18 : memref<!tpu.dma_semaphore, #tpu.memory_space<semaphore_mem>>) {add = true}
      %dma_wait3A_69 = arith.constant 24 : i32
      %dma_wait3A_70 = arith.constant 0 : i32
      %dma_wait3A_71 = tpu.memref_slice %arg7[%dma_wait3A_69, %dma_wait3A_70] : memref<25x80xi32, #tpu.memory_space<vmem>> -> memref<1x80xi32, #tpu.memory_space<vmem>>
      %dma_wait3A_72 = tpu.memref_squeeze %dma_wait3A_71 : memref<1x80xi32, #tpu.memory_space<vmem>> -> memref<80xi32, #tpu.memory_space<vmem>>
      %dma_wait3A_73 = arith.constant 0 : i32
      %dma_wait3A_74 = arith.constant 0 : i32
      %dma_wait3A_75 = tpu.memref_slice %arg13[%dma_wait3A_73, %dma_wait3A_74] : memref<10240x128xf32, #tpu.memory_space<vmem_shared>> -> memref<10240x128xf32, #tpu.memory_space<vmem_shared>>
      tpu.wait_indirect_dma semaphore(%arg18 : memref<!tpu.dma_semaphore, #tpu.memory_space<semaphore_mem>>) src(%arg9 : memref<80x128xf32, #tpu.memory_space<vmem>>) dst(%dma_wait3A_75 : memref<10240x128xf32, #tpu.memory_space<vmem_shared>>)
    }
    %scan3A_4 = arith.constant 10 : i32
    %barrier3A_5 = arith.constant 0 : index
    tpu.barrier barrier_id(%barrier3A_5)
    "tpu.region"() ({
      %run_scoped3A = tpu.sem_alloc : memref<!tpu.dma_semaphore, #tpu.memory_space<semaphore_mem>>
      %dma_start3A = arith.constant 0 : i32
      %dma_start3A_6 = arith.constant 0 : i32
      %dma_start3A_7 = tpu.memref_slice %arg6[%arg0, %dma_start3A, %dma_start3A_6] : memref<2x10240x128xf32, #tpu.memory_space<hbm>> -> memref<1x10240x128xf32, #tpu.memory_space<hbm>>
      %dma_start3A_8 = tpu.memref_squeeze %dma_start3A_7 : memref<1x10240x128xf32, #tpu.memory_space<hbm>> -> memref<10240x128xf32, #tpu.memory_space<hbm>>
      %dma_start3A_9 = arith.constant 0 : i32
      %dma_start3A_10 = tpu.memref_slice %dma_start3A_8[%mul3A_0, %dma_start3A_9] : memref<10240x128xf32, #tpu.memory_space<hbm>> -> memref<640x128xf32, #tpu.memory_space<hbm>>
      %dma_start3A_11 = arith.constant 0 : i32
      %dma_start3A_12 = tpu.memref_slice %arg13[%mul3A_0, %dma_start3A_11] : memref<10240x128xf32, #tpu.memory_space<vmem_shared>> -> memref<640x128xf32, #tpu.memory_space<vmem_shared>>
      tpu.enqueue_dma source(%dma_start3A_12 : memref<640x128xf32, #tpu.memory_space<vmem_shared>>) target(%dma_start3A_10 : memref<640x128xf32, #tpu.memory_space<hbm>>) target_semaphore(%run_scoped3A : memref<!tpu.dma_semaphore, #tpu.memory_space<semaphore_mem>>)
      %dma_wait3A = arith.constant 0 : i32
      %dma_wait3A_13 = arith.constant 0 : i32
      %dma_wait3A_14 = tpu.memref_slice %arg6[%arg0, %dma_wait3A, %dma_wait3A_13] : memref<2x10240x128xf32, #tpu.memory_space<hbm>> -> memref<1x10240x128xf32, #tpu.memory_space<hbm>>
      %dma_wait3A_15 = tpu.memref_squeeze %dma_wait3A_14 : memref<1x10240x128xf32, #tpu.memory_space<hbm>> -> memref<10240x128xf32, #tpu.memory_space<hbm>>
      %dma_wait3A_16 = arith.constant 0 : i32
      %dma_wait3A_17 = tpu.memref_slice %dma_wait3A_15[%mul3A_0, %dma_wait3A_16] : memref<10240x128xf32, #tpu.memory_space<hbm>> -> memref<640x128xf32, #tpu.memory_space<hbm>>
      %dma_wait3A_18 = arith.constant 0 : i32
      %dma_wait3A_19 = tpu.memref_slice %arg13[%mul3A_0, %dma_wait3A_18] : memref<10240x128xf32, #tpu.memory_space<vmem_shared>> -> memref<640x128xf32, #tpu.memory_space<vmem_shared>>
      tpu.wait_dma2 semaphore(%run_scoped3A : memref<!tpu.dma_semaphore, #tpu.memory_space<semaphore_mem>>) src(%dma_wait3A_19 : memref<640x128xf32, #tpu.memory_space<vmem_shared>>) dst(%dma_wait3A_17 : memref<640x128xf32, #tpu.memory_space<hbm>>)
      tpu.yield
    }) : () -> ()
    return
  }
}

#map = affine_map<(d0, d1) -> (0, 0, 0)>
#map1 = affine_map<(d0, d1) -> (0, 0, 0, 0)>
#map2 = affine_map<(d0, d1) -> (0, 0)>
module attributes {stable_mosaic.version = 14 : i64} {
  func.func @k(%arg0: i32, %arg1: i32, %arg2: memref<2x10240x128xf32, #tpu.memory_space<hbm>>, %arg3: memref<2x10240x128xf32, #tpu.memory_space<hbm>>, %arg4: memref<16x10x25x80xi32, #tpu.memory_space<hbm>>, %arg5: memref<16x10x25x80xi32, #tpu.memory_space<hbm>>, %arg6: memref<10240x128xf32, #tpu.memory_space<hbm>>, %arg7: memref<2x10240x128xf32, #tpu.memory_space<hbm>>, %arg8: memref<25x80xi32, #tpu.memory_space<vmem>>, %arg9: memref<25x80xi32, #tpu.memory_space<vmem>>, %arg10: memref<80x128xf32, #tpu.memory_space<vmem>>, %arg11: memref<80x128xf32, #tpu.memory_space<vmem>>, %arg12: memref<80x128xf32, #tpu.memory_space<vmem>>, %arg13: memref<80x128xf32, #tpu.memory_space<vmem>>, %arg14: memref<10240x128xf32, #tpu.memory_space<vmem_shared>>, %arg15: memref<!tpu.dma_semaphore, #tpu.memory_space<semaphore_mem>>, %arg16: memref<!tpu.dma_semaphore, #tpu.memory_space<semaphore_mem>>, %arg17: memref<!tpu.dma_semaphore, #tpu.memory_space<semaphore_mem>>, %arg18: memref<!tpu.dma_semaphore, #tpu.memory_space<semaphore_mem>>, %arg19: memref<!tpu.dma_semaphore, #tpu.memory_space<semaphore_mem>>, %arg20: memref<!tpu.dma_semaphore, #tpu.memory_space<semaphore_mem>>) attributes {dimension_semantics = [#tpu.dimension_semantics<core_parallel>, #tpu.dimension_semantics<subcore_parallel>], iteration_bounds = array<i64: 2, 16>, scalar_prefetch = 0 : i64, scratch_operands = 13 : i64, tpu.core_type = #tpu.core_type<sc_vector_subcore>, window_params = [{transform_indices = #map}, {transform_indices = #map}, {transform_indices = #map1}, {transform_indices = #map1}, {transform_indices = #map2}, {transform_indices = #map}]} {
    %mul3A = arith.constant 640 : i32
    %mul3A_0 = arith.muli %arg1, %mul3A : i32
    "tpu.region"() ({
      %run_scoped3A = tpu.sem_alloc : memref<!tpu.dma_semaphore, #tpu.memory_space<semaphore_mem>>
      %dma_start3A = arith.constant 0 : i32
      %dma_start3A_6 = tpu.memref_slice %arg14[%mul3A_0, %dma_start3A] : memref<10240x128xf32, #tpu.memory_space<vmem_shared>> -> memref<640x128xf32, #tpu.memory_space<vmem_shared>>
      %dma_start3A_7 = arith.constant 0 : i32
      %dma_start3A_8 = tpu.memref_slice %arg6[%mul3A_0, %dma_start3A_7] : memref<10240x128xf32, #tpu.memory_space<hbm>> -> memref<640x128xf32, #tpu.memory_space<hbm>>
      tpu.enqueue_dma source(%dma_start3A_8 : memref<640x128xf32, #tpu.memory_space<hbm>>) target(%dma_start3A_6 : memref<640x128xf32, #tpu.memory_space<vmem_shared>>) target_semaphore(%run_scoped3A : memref<!tpu.dma_semaphore, #tpu.memory_space<semaphore_mem>>)
      %dma_wait3A = arith.constant 0 : i32
      %dma_wait3A_9 = tpu.memref_slice %arg14[%mul3A_0, %dma_wait3A] : memref<10240x128xf32, #tpu.memory_space<vmem_shared>> -> memref<640x128xf32, #tpu.memory_space<vmem_shared>>
      %dma_wait3A_10 = arith.constant 0 : i32
      %dma_wait3A_11 = tpu.memref_slice %arg6[%mul3A_0, %dma_wait3A_10] : memref<10240x128xf32, #tpu.memory_space<hbm>> -> memref<640x128xf32, #tpu.memory_space<hbm>>
      tpu.wait_dma2 semaphore(%run_scoped3A : memref<!tpu.dma_semaphore, #tpu.memory_space<semaphore_mem>>) src(%dma_wait3A_11 : memref<640x128xf32, #tpu.memory_space<hbm>>) dst(%dma_wait3A_9 : memref<640x128xf32, #tpu.memory_space<vmem_shared>>)
      tpu.yield
    }) : () -> ()
    %barrier3A = arith.constant 0 : index
    tpu.barrier barrier_id(%barrier3A)
    %scan3A = arith.constant 0 : i32
    %scan3A_1 = arith.constant 10 : i32
    %scan3A_2 = arith.addi %scan3A, %scan3A_1 : i32
    %scan3A_3 = arith.constant 1 : i32
    scf.for %scan3A_6 = %scan3A to %scan3A_2 step %scan3A_3  : i32 {
      %mul3A_7 = arith.constant 1 : i32
      %mul3A_8 = arith.muli %scan3A_6, %mul3A_7 : i32
      %add3A = arith.constant 0 : i32
      %add3A_9 = arith.addi %add3A, %mul3A_8 : i32
      "tpu.region"() ({
        %run_scoped3A = tpu.sem_alloc : memref<!tpu.dma_semaphore, #tpu.memory_space<semaphore_mem>>
        %dma_start3A_76 = arith.constant 0 : i32
        %dma_start3A_77 = arith.constant 0 : i32
        %dma_start3A_78 = arith.constant 0 : i32
        %dma_start3A_79 = tpu.memref_slice %arg4[%arg1, %dma_start3A_76, %dma_start3A_77, %dma_start3A_78] : memref<16x10x25x80xi32, #tpu.memory_space<hbm>> -> memref<1x10x25x80xi32, #tpu.memory_space<hbm>>
        %dma_start3A_80 = tpu.memref_squeeze %dma_start3A_79 : memref<1x10x25x80xi32, #tpu.memory_space<hbm>> -> memref<10x25x80xi32, #tpu.memory_space<hbm>>
        %dma_start3A_81 = arith.constant 0 : i32
        %dma_start3A_82 = arith.constant 0 : i32
        %dma_start3A_83 = tpu.memref_slice %dma_start3A_80[%add3A_9, %dma_start3A_81, %dma_start3A_82] : memref<10x25x80xi32, #tpu.memory_space<hbm>> -> memref<1x25x80xi32, #tpu.memory_space<hbm>>
        %dma_start3A_84 = tpu.memref_squeeze %dma_start3A_83 : memref<1x25x80xi32, #tpu.memory_space<hbm>> -> memref<25x80xi32, #tpu.memory_space<hbm>>
        %dma_start3A_85 = arith.constant 0 : i32
        %dma_start3A_86 = arith.constant 0 : i32
        %dma_start3A_87 = arith.constant 0 : i32
        %dma_start3A_88 = tpu.memref_slice %arg4[%arg1, %dma_start3A_85, %dma_start3A_86, %dma_start3A_87] : memref<16x10x25x80xi32, #tpu.memory_space<hbm>> -> memref<1x10x25x80xi32, #tpu.memory_space<hbm>>
        %dma_start3A_89 = tpu.memref_squeeze %dma_start3A_88 : memref<1x10x25x80xi32, #tpu.memory_space<hbm>> -> memref<10x25x80xi32, #tpu.memory_space<hbm>>
        %dma_start3A_90 = arith.constant 0 : i32
        %dma_start3A_91 = arith.constant 0 : i32
        %dma_start3A_92 = tpu.memref_slice %dma_start3A_89[%add3A_9, %dma_start3A_90, %dma_start3A_91] : memref<10x25x80xi32, #tpu.memory_space<hbm>> -> memref<1x25x80xi32, #tpu.memory_space<hbm>>
        %dma_start3A_93 = tpu.memref_squeeze %dma_start3A_92 : memref<1x25x80xi32, #tpu.memory_space<hbm>> -> memref<25x80xi32, #tpu.memory_space<hbm>>
        tpu.enqueue_dma source(%dma_start3A_93 : memref<25x80xi32, #tpu.memory_space<hbm>>) target(%arg8 : memref<25x80xi32, #tpu.memory_space<vmem>>) target_semaphore(%run_scoped3A : memref<!tpu.dma_semaphore, #tpu.memory_space<semaphore_mem>>)
        %dma_wait3A_94 = arith.constant 0 : i32
        %dma_wait3A_95 = arith.constant 0 : i32
        %dma_wait3A_96 = arith.constant 0 : i32
        %dma_wait3A_97 = tpu.memref_slice %arg4[%arg1, %dma_wait3A_94, %dma_wait3A_95, %dma_wait3A_96] : memref<16x10x25x80xi32, #tpu.memory_space<hbm>> -> memref<1x10x25x80xi32, #tpu.memory_space<hbm>>
        %dma_wait3A_98 = tpu.memref_squeeze %dma_wait3A_97 : memref<1x10x25x80xi32, #tpu.memory_space<hbm>> -> memref<10x25x80xi32, #tpu.memory_space<hbm>>
        %dma_wait3A_99 = arith.constant 0 : i32
        %dma_wait3A_100 = arith.constant 0 : i32
        %dma_wait3A_101 = tpu.memref_slice %dma_wait3A_98[%add3A_9, %dma_wait3A_99, %dma_wait3A_100] : memref<10x25x80xi32, #tpu.memory_space<hbm>> -> memref<1x25x80xi32, #tpu.memory_space<hbm>>
        %dma_wait3A_102 = tpu.memref_squeeze %dma_wait3A_101 : memref<1x25x80xi32, #tpu.memory_space<hbm>> -> memref<25x80xi32, #tpu.memory_space<hbm>>
        %dma_wait3A_103 = arith.constant 0 : i32
        %dma_wait3A_104 = arith.constant 0 : i32
        %dma_wait3A_105 = arith.constant 0 : i32
        %dma_wait3A_106 = tpu.memref_slice %arg4[%arg1, %dma_wait3A_103, %dma_wait3A_104, %dma_wait3A_105] : memref<16x10x25x80xi32, #tpu.memory_space<hbm>> -> memref<1x10x25x80xi32, #tpu.memory_space<hbm>>
        %dma_wait3A_107 = tpu.memref_squeeze %dma_wait3A_106 : memref<1x10x25x80xi32, #tpu.memory_space<hbm>> -> memref<10x25x80xi32, #tpu.memory_space<hbm>>
        %dma_wait3A_108 = arith.constant 0 : i32
        %dma_wait3A_109 = arith.constant 0 : i32
        %dma_wait3A_110 = tpu.memref_slice %dma_wait3A_107[%add3A_9, %dma_wait3A_108, %dma_wait3A_109] : memref<10x25x80xi32, #tpu.memory_space<hbm>> -> memref<1x25x80xi32, #tpu.memory_space<hbm>>
        %dma_wait3A_111 = tpu.memref_squeeze %dma_wait3A_110 : memref<1x25x80xi32, #tpu.memory_space<hbm>> -> memref<25x80xi32, #tpu.memory_space<hbm>>
        tpu.wait_dma2 semaphore(%run_scoped3A : memref<!tpu.dma_semaphore, #tpu.memory_space<semaphore_mem>>) src(%dma_wait3A_111 : memref<25x80xi32, #tpu.memory_space<hbm>>) dst(%arg8 : memref<25x80xi32, #tpu.memory_space<vmem>>)
        tpu.yield
      }) : () -> ()
      "tpu.region"() ({
        %run_scoped3A = tpu.sem_alloc : memref<!tpu.dma_semaphore, #tpu.memory_space<semaphore_mem>>
        %dma_start3A_76 = arith.constant 0 : i32
        %dma_start3A_77 = arith.constant 0 : i32
        %dma_start3A_78 = arith.constant 0 : i32
        %dma_start3A_79 = tpu.memref_slice %arg5[%arg1, %dma_start3A_76, %dma_start3A_77, %dma_start3A_78] : memref<16x10x25x80xi32, #tpu.memory_space<hbm>> -> memref<1x10x25x80xi32, #tpu.memory_space<hbm>>
        %dma_start3A_80 = tpu.memref_squeeze %dma_start3A_79 : memref<1x10x25x80xi32, #tpu.memory_space<hbm>> -> memref<10x25x80xi32, #tpu.memory_space<hbm>>
        %dma_start3A_81 = arith.constant 0 : i32
        %dma_start3A_82 = arith.constant 0 : i32
        %dma_start3A_83 = tpu.memref_slice %dma_start3A_80[%add3A_9, %dma_start3A_81, %dma_start3A_82] : memref<10x25x80xi32, #tpu.memory_space<hbm>> -> memref<1x25x80xi32, #tpu.memory_space<hbm>>
        %dma_start3A_84 = tpu.memref_squeeze %dma_start3A_83 : memref<1x25x80xi32, #tpu.memory_space<hbm>> -> memref<25x80xi32, #tpu.memory_space<hbm>>
        %dma_start3A_85 = arith.constant 0 : i32
        %dma_start3A_86 = arith.constant 0 : i32
        %dma_start3A_87 = arith.constant 0 : i32
        %dma_start3A_88 = tpu.memref_slice %arg5[%arg1, %dma_start3A_85, %dma_start3A_86, %dma_start3A_87] : memref<16x10x25x80xi32, #tpu.memory_space<hbm>> -> memref<1x10x25x80xi32, #tpu.memory_space<hbm>>
        %dma_start3A_89 = tpu.memref_squeeze %dma_start3A_88 : memref<1x10x25x80xi32, #tpu.memory_space<hbm>> -> memref<10x25x80xi32, #tpu.memory_space<hbm>>
        %dma_start3A_90 = arith.constant 0 : i32
        %dma_start3A_91 = arith.constant 0 : i32
        %dma_start3A_92 = tpu.memref_slice %dma_start3A_89[%add3A_9, %dma_start3A_90, %dma_start3A_91] : memref<10x25x80xi32, #tpu.memory_space<hbm>> -> memref<1x25x80xi32, #tpu.memory_space<hbm>>
        %dma_start3A_93 = tpu.memref_squeeze %dma_start3A_92 : memref<1x25x80xi32, #tpu.memory_space<hbm>> -> memref<25x80xi32, #tpu.memory_space<hbm>>
        tpu.enqueue_dma source(%dma_start3A_93 : memref<25x80xi32, #tpu.memory_space<hbm>>) target(%arg9 : memref<25x80xi32, #tpu.memory_space<vmem>>) target_semaphore(%run_scoped3A : memref<!tpu.dma_semaphore, #tpu.memory_space<semaphore_mem>>)
        %dma_wait3A_94 = arith.constant 0 : i32
        %dma_wait3A_95 = arith.constant 0 : i32
        %dma_wait3A_96 = arith.constant 0 : i32
        %dma_wait3A_97 = tpu.memref_slice %arg5[%arg1, %dma_wait3A_94, %dma_wait3A_95, %dma_wait3A_96] : memref<16x10x25x80xi32, #tpu.memory_space<hbm>> -> memref<1x10x25x80xi32, #tpu.memory_space<hbm>>
        %dma_wait3A_98 = tpu.memref_squeeze %dma_wait3A_97 : memref<1x10x25x80xi32, #tpu.memory_space<hbm>> -> memref<10x25x80xi32, #tpu.memory_space<hbm>>
        %dma_wait3A_99 = arith.constant 0 : i32
        %dma_wait3A_100 = arith.constant 0 : i32
        %dma_wait3A_101 = tpu.memref_slice %dma_wait3A_98[%add3A_9, %dma_wait3A_99, %dma_wait3A_100] : memref<10x25x80xi32, #tpu.memory_space<hbm>> -> memref<1x25x80xi32, #tpu.memory_space<hbm>>
        %dma_wait3A_102 = tpu.memref_squeeze %dma_wait3A_101 : memref<1x25x80xi32, #tpu.memory_space<hbm>> -> memref<25x80xi32, #tpu.memory_space<hbm>>
        %dma_wait3A_103 = arith.constant 0 : i32
        %dma_wait3A_104 = arith.constant 0 : i32
        %dma_wait3A_105 = arith.constant 0 : i32
        %dma_wait3A_106 = tpu.memref_slice %arg5[%arg1, %dma_wait3A_103, %dma_wait3A_104, %dma_wait3A_105] : memref<16x10x25x80xi32, #tpu.memory_space<hbm>> -> memref<1x10x25x80xi32, #tpu.memory_space<hbm>>
        %dma_wait3A_107 = tpu.memref_squeeze %dma_wait3A_106 : memref<1x10x25x80xi32, #tpu.memory_space<hbm>> -> memref<10x25x80xi32, #tpu.memory_space<hbm>>
        %dma_wait3A_108 = arith.constant 0 : i32
        %dma_wait3A_109 = arith.constant 0 : i32
        %dma_wait3A_110 = tpu.memref_slice %dma_wait3A_107[%add3A_9, %dma_wait3A_108, %dma_wait3A_109] : memref<10x25x80xi32, #tpu.memory_space<hbm>> -> memref<1x25x80xi32, #tpu.memory_space<hbm>>
        %dma_wait3A_111 = tpu.memref_squeeze %dma_wait3A_110 : memref<1x25x80xi32, #tpu.memory_space<hbm>> -> memref<25x80xi32, #tpu.memory_space<hbm>>
        tpu.wait_dma2 semaphore(%run_scoped3A : memref<!tpu.dma_semaphore, #tpu.memory_space<semaphore_mem>>) src(%dma_wait3A_111 : memref<25x80xi32, #tpu.memory_space<hbm>>) dst(%arg9 : memref<25x80xi32, #tpu.memory_space<vmem>>)
        tpu.yield
      }) : () -> ()
      %scan3A_10 = arith.constant 0 : i32
      %scan3A_11 = arith.constant 12 : i32
      %scan3A_12 = arith.addi %scan3A_10, %scan3A_11 : i32
      %scan3A_13 = arith.constant 1 : i32
      scf.for %scan3A_76 = %scan3A_10 to %scan3A_12 step %scan3A_13  : i32 {
        %mul3A_77 = arith.constant 1 : i32
        %mul3A_78 = arith.muli %scan3A_76, %mul3A_77 : i32
        %add3A_79 = arith.constant 0 : i32
        %add3A_80 = arith.addi %add3A_79, %mul3A_78 : i32
        %mul3A_81 = arith.constant 2 : i32
        %mul3A_82 = arith.muli %mul3A_81, %add3A_80 : i32
        %dma_start3A_83 = arith.constant 0 : i32
        %dma_start3A_84 = tpu.memref_slice %arg8[%mul3A_82, %dma_start3A_83] : memref<25x80xi32, #tpu.memory_space<vmem>> -> memref<1x80xi32, #tpu.memory_space<vmem>>
        %dma_start3A_85 = tpu.memref_squeeze %dma_start3A_84 : memref<1x80xi32, #tpu.memory_space<vmem>> -> memref<80xi32, #tpu.memory_space<vmem>>
        %dma_start3A_86 = arith.constant 0 : i32
        %dma_start3A_87 = arith.constant 0 : i32
        %dma_start3A_88 = tpu.memref_slice %arg2[%arg0, %dma_start3A_86, %dma_start3A_87] : memref<2x10240x128xf32, #tpu.memory_space<hbm>> -> memref<1x10240x128xf32, #tpu.memory_space<hbm>>
        %dma_start3A_89 = tpu.memref_squeeze %dma_start3A_88 : memref<1x10240x128xf32, #tpu.memory_space<hbm>> -> memref<10240x128xf32, #tpu.memory_space<hbm>>
        %dma_start3A_90 = arith.constant 0 : i32
        %dma_start3A_91 = arith.constant 0 : i32
        %dma_start3A_92 = tpu.memref_slice %dma_start3A_89[%dma_start3A_90, %dma_start3A_91] : memref<10240x128xf32, #tpu.memory_space<hbm>> -> memref<10240x128xf32, #tpu.memory_space<hbm>>
        tpu.enqueue_indirect_dma source(%dma_start3A_92 : memref<10240x128xf32, #tpu.memory_space<hbm>>) target(%arg10 : memref<80x128xf32, #tpu.memory_space<vmem>>) offsets(%dma_start3A_85 : memref<80xi32, #tpu.memory_space<vmem>>) semaphore(%arg15 : memref<!tpu.dma_semaphore, #tpu.memory_space<semaphore_mem>>)
        %dma_start3A_93 = arith.constant 0 : i32
        %dma_start3A_94 = tpu.memref_slice %arg9[%mul3A_82, %dma_start3A_93] : memref<25x80xi32, #tpu.memory_space<vmem>> -> memref<1x80xi32, #tpu.memory_space<vmem>>
        %dma_start3A_95 = tpu.memref_squeeze %dma_start3A_94 : memref<1x80xi32, #tpu.memory_space<vmem>> -> memref<80xi32, #tpu.memory_space<vmem>>
        %dma_start3A_96 = arith.constant 0 : i32
        %dma_start3A_97 = arith.constant 0 : i32
        %dma_start3A_98 = tpu.memref_slice %arg3[%arg0, %dma_start3A_96, %dma_start3A_97] : memref<2x10240x128xf32, #tpu.memory_space<hbm>> -> memref<1x10240x128xf32, #tpu.memory_space<hbm>>
        %dma_start3A_99 = tpu.memref_squeeze %dma_start3A_98 : memref<1x10240x128xf32, #tpu.memory_space<hbm>> -> memref<10240x128xf32, #tpu.memory_space<hbm>>
        %dma_start3A_100 = arith.constant 0 : i32
        %dma_start3A_101 = arith.constant 0 : i32
        %dma_start3A_102 = tpu.memref_slice %dma_start3A_99[%dma_start3A_100, %dma_start3A_101] : memref<10240x128xf32, #tpu.memory_space<hbm>> -> memref<10240x128xf32, #tpu.memory_space<hbm>>
        tpu.enqueue_indirect_dma source(%dma_start3A_102 : memref<10240x128xf32, #tpu.memory_space<hbm>>) target(%arg11 : memref<80x128xf32, #tpu.memory_space<vmem>>) offsets(%dma_start3A_95 : memref<80xi32, #tpu.memory_space<vmem>>) semaphore(%arg16 : memref<!tpu.dma_semaphore, #tpu.memory_space<semaphore_mem>>)
        %mul3A_103 = arith.constant 2 : i32
        %mul3A_104 = arith.muli %mul3A_103, %add3A_80 : i32
        %add3A_105 = arith.constant 1 : i32
        %add3A_106 = arith.addi %mul3A_104, %add3A_105 : i32
        %dma_start3A_107 = arith.constant 0 : i32
        %dma_start3A_108 = tpu.memref_slice %arg8[%add3A_106, %dma_start3A_107] : memref<25x80xi32, #tpu.memory_space<vmem>> -> memref<1x80xi32, #tpu.memory_space<vmem>>
        %dma_start3A_109 = tpu.memref_squeeze %dma_start3A_108 : memref<1x80xi32, #tpu.memory_space<vmem>> -> memref<80xi32, #tpu.memory_space<vmem>>
        %dma_start3A_110 = arith.constant 0 : i32
        %dma_start3A_111 = arith.constant 0 : i32
        %dma_start3A_112 = tpu.memref_slice %arg2[%arg0, %dma_start3A_110, %dma_start3A_111] : memref<2x10240x128xf32, #tpu.memory_space<hbm>> -> memref<1x10240x128xf32, #tpu.memory_space<hbm>>
        %dma_start3A_113 = tpu.memref_squeeze %dma_start3A_112 : memref<1x10240x128xf32, #tpu.memory_space<hbm>> -> memref<10240x128xf32, #tpu.memory_space<hbm>>
        %dma_start3A_114 = arith.constant 0 : i32
        %dma_start3A_115 = arith.constant 0 : i32
        %dma_start3A_116 = tpu.memref_slice %dma_start3A_113[%dma_start3A_114, %dma_start3A_115] : memref<10240x128xf32, #tpu.memory_space<hbm>> -> memref<10240x128xf32, #tpu.memory_space<hbm>>
        tpu.enqueue_indirect_dma source(%dma_start3A_116 : memref<10240x128xf32, #tpu.memory_space<hbm>>) target(%arg12 : memref<80x128xf32, #tpu.memory_space<vmem>>) offsets(%dma_start3A_109 : memref<80xi32, #tpu.memory_space<vmem>>) semaphore(%arg17 : memref<!tpu.dma_semaphore, #tpu.memory_space<semaphore_mem>>)
        %dma_start3A_117 = arith.constant 0 : i32
        %dma_start3A_118 = tpu.memref_slice %arg9[%add3A_106, %dma_start3A_117] : memref<25x80xi32, #tpu.memory_space<vmem>> -> memref<1x80xi32, #tpu.memory_space<vmem>>
        %dma_start3A_119 = tpu.memref_squeeze %dma_start3A_118 : memref<1x80xi32, #tpu.memory_space<vmem>> -> memref<80xi32, #tpu.memory_space<vmem>>
        %dma_start3A_120 = arith.constant 0 : i32
        %dma_start3A_121 = arith.constant 0 : i32
        %dma_start3A_122 = tpu.memref_slice %arg3[%arg0, %dma_start3A_120, %dma_start3A_121] : memref<2x10240x128xf32, #tpu.memory_space<hbm>> -> memref<1x10240x128xf32, #tpu.memory_space<hbm>>
        %dma_start3A_123 = tpu.memref_squeeze %dma_start3A_122 : memref<1x10240x128xf32, #tpu.memory_space<hbm>> -> memref<10240x128xf32, #tpu.memory_space<hbm>>
        %dma_start3A_124 = arith.constant 0 : i32
        %dma_start3A_125 = arith.constant 0 : i32
        %dma_start3A_126 = tpu.memref_slice %dma_start3A_123[%dma_start3A_124, %dma_start3A_125] : memref<10240x128xf32, #tpu.memory_space<hbm>> -> memref<10240x128xf32, #tpu.memory_space<hbm>>
        tpu.enqueue_indirect_dma source(%dma_start3A_126 : memref<10240x128xf32, #tpu.memory_space<hbm>>) target(%arg13 : memref<80x128xf32, #tpu.memory_space<vmem>>) offsets(%dma_start3A_119 : memref<80xi32, #tpu.memory_space<vmem>>) semaphore(%arg18 : memref<!tpu.dma_semaphore, #tpu.memory_space<semaphore_mem>>)
        %dma_wait3A_127 = arith.constant 0 : i32
        %dma_wait3A_128 = tpu.memref_slice %arg8[%mul3A_82, %dma_wait3A_127] : memref<25x80xi32, #tpu.memory_space<vmem>> -> memref<1x80xi32, #tpu.memory_space<vmem>>
        %dma_wait3A_129 = tpu.memref_squeeze %dma_wait3A_128 : memref<1x80xi32, #tpu.memory_space<vmem>> -> memref<80xi32, #tpu.memory_space<vmem>>
        %dma_wait3A_130 = arith.constant 0 : i32
        %dma_wait3A_131 = arith.constant 0 : i32
        %dma_wait3A_132 = tpu.memref_slice %arg2[%arg0, %dma_wait3A_130, %dma_wait3A_131] : memref<2x10240x128xf32, #tpu.memory_space<hbm>> -> memref<1x10240x128xf32, #tpu.memory_space<hbm>>
        %dma_wait3A_133 = tpu.memref_squeeze %dma_wait3A_132 : memref<1x10240x128xf32, #tpu.memory_space<hbm>> -> memref<10240x128xf32, #tpu.memory_space<hbm>>
        %dma_wait3A_134 = arith.constant 0 : i32
        %dma_wait3A_135 = arith.constant 0 : i32
        %dma_wait3A_136 = tpu.memref_slice %dma_wait3A_133[%dma_wait3A_134, %dma_wait3A_135] : memref<10240x128xf32, #tpu.memory_space<hbm>> -> memref<10240x128xf32, #tpu.memory_space<hbm>>
        tpu.wait_indirect_dma semaphore(%arg15 : memref<!tpu.dma_semaphore, #tpu.memory_space<semaphore_mem>>) src(%dma_wait3A_136 : memref<10240x128xf32, #tpu.memory_space<hbm>>) dst(%arg10 : memref<80x128xf32, #tpu.memory_space<vmem>>)
        %dma_wait3A_137 = arith.constant 0 : i32
        %dma_wait3A_138 = tpu.memref_slice %arg9[%mul3A_82, %dma_wait3A_137] : memref<25x80xi32, #tpu.memory_space<vmem>> -> memref<1x80xi32, #tpu.memory_space<vmem>>
        %dma_wait3A_139 = tpu.memref_squeeze %dma_wait3A_138 : memref<1x80xi32, #tpu.memory_space<vmem>> -> memref<80xi32, #tpu.memory_space<vmem>>
        %dma_wait3A_140 = arith.constant 0 : i32
        %dma_wait3A_141 = arith.constant 0 : i32
        %dma_wait3A_142 = tpu.memref_slice %arg3[%arg0, %dma_wait3A_140, %dma_wait3A_141] : memref<2x10240x128xf32, #tpu.memory_space<hbm>> -> memref<1x10240x128xf32, #tpu.memory_space<hbm>>
        %dma_wait3A_143 = tpu.memref_squeeze %dma_wait3A_142 : memref<1x10240x128xf32, #tpu.memory_space<hbm>> -> memref<10240x128xf32, #tpu.memory_space<hbm>>
        %dma_wait3A_144 = arith.constant 0 : i32
        %dma_wait3A_145 = arith.constant 0 : i32
        %dma_wait3A_146 = tpu.memref_slice %dma_wait3A_143[%dma_wait3A_144, %dma_wait3A_145] : memref<10240x128xf32, #tpu.memory_space<hbm>> -> memref<10240x128xf32, #tpu.memory_space<hbm>>
        tpu.wait_indirect_dma semaphore(%arg16 : memref<!tpu.dma_semaphore, #tpu.memory_space<semaphore_mem>>) src(%dma_wait3A_146 : memref<10240x128xf32, #tpu.memory_space<hbm>>) dst(%arg11 : memref<80x128xf32, #tpu.memory_space<vmem>>)
        %scan3A_147 = arith.constant 0 : i32
        %scan3A_148 = arith.constant 80 : i32
        %scan3A_149 = arith.addi %scan3A_147, %scan3A_148 : i32
        %scan3A_150 = arith.constant 1 : i32
        scf.for %scan3A_207 = %scan3A_147 to %scan3A_149 step %scan3A_150  : i32 {
          %mul3A_208 = arith.constant 1 : i32
          %mul3A_209 = arith.muli %scan3A_207, %mul3A_208 : i32
          %add3A_210 = arith.constant 0 : i32
          %add3A_211 = arith.addi %add3A_210, %mul3A_209 : i32
          %get3A = arith.index_cast %add3A_211 : i32 to index
          %get3A_212 = arith.constant 0 : index
          %get3A_213 = tpu.vector_load %arg10[%get3A, %get3A_212] {strides = array<i32>} : memref<80x128xf32, #tpu.memory_space<vmem>>, vector<1x16xf32>,
          %get3A_214 = vector.shape_cast %get3A_213 : vector<1x16xf32> to vector<16xf32>
          %get3A_215 = arith.index_cast %add3A_211 : i32 to index
          %get3A_216 = arith.constant 0 : index
          %get3A_217 = tpu.vector_load %arg11[%get3A_215, %get3A_216] {strides = array<i32>} : memref<80x128xf32, #tpu.memory_space<vmem>>, vector<1x16xf32>,
          %get3A_218 = vector.shape_cast %get3A_217 : vector<1x16xf32> to vector<16xf32>
          %add3A_219 = arith.addf %get3A_214, %get3A_218 : vector<16xf32>
          %max3A = arith.constant 0.000000e+00 : f32
          %max3A_220 = vector.broadcast %max3A : f32 to vector<16xf32>
          %max3A_221 = arith.maximumf %add3A_219, %max3A_220 : vector<16xf32>
          %swap3A = arith.index_cast %add3A_211 : i32 to index
          %swap3A_222 = arith.constant 0 : index
          %swap3A_223 = tpu.vector_load %arg10[%swap3A, %swap3A_222] {strides = array<i32>} : memref<80x128xf32, #tpu.memory_space<vmem>>, vector<1x16xf32>,
          %swap3A_224 = vector.shape_cast %swap3A_223 : vector<1x16xf32> to vector<16xf32>
          %swap3A_225 = vector.shape_cast %max3A_221 : vector<16xf32> to vector<1x16xf32>
          tpu.vector_store %arg10[%swap3A, %swap3A_222], %swap3A_225 {strides = array<i32>} : memref<80x128xf32, #tpu.memory_space<vmem>>, vector<1x16xf32>,
          %get3A_226 = arith.index_cast %add3A_211 : i32 to index
          %get3A_227 = arith.constant 16 : index
          %get3A_228 = tpu.vector_load %arg10[%get3A_226, %get3A_227] {strides = array<i32>} : memref<80x128xf32, #tpu.memory_space<vmem>>, vector<1x16xf32>,
          %get3A_229 = vector.shape_cast %get3A_228 : vector<1x16xf32> to vector<16xf32>
          %get3A_230 = arith.index_cast %add3A_211 : i32 to index
          %get3A_231 = arith.constant 16 : index
          %get3A_232 = tpu.vector_load %arg11[%get3A_230, %get3A_231] {strides = array<i32>} : memref<80x128xf32, #tpu.memory_space<vmem>>, vector<1x16xf32>,
          %get3A_233 = vector.shape_cast %get3A_232 : vector<1x16xf32> to vector<16xf32>
          %add3A_234 = arith.addf %get3A_229, %get3A_233 : vector<16xf32>
          %max3A_235 = arith.constant 0.000000e+00 : f32
          %max3A_236 = vector.broadcast %max3A_235 : f32 to vector<16xf32>
          %max3A_237 = arith.maximumf %add3A_234, %max3A_236 : vector<16xf32>
          %swap3A_238 = arith.index_cast %add3A_211 : i32 to index
          %swap3A_239 = arith.constant 16 : index
          %swap3A_240 = tpu.vector_load %arg10[%swap3A_238, %swap3A_239] {strides = array<i32>} : memref<80x128xf32, #tpu.memory_space<vmem>>, vector<1x16xf32>,
          %swap3A_241 = vector.shape_cast %swap3A_240 : vector<1x16xf32> to vector<16xf32>
          %swap3A_242 = vector.shape_cast %max3A_237 : vector<16xf32> to vector<1x16xf32>
          tpu.vector_store %arg10[%swap3A_238, %swap3A_239], %swap3A_242 {strides = array<i32>} : memref<80x128xf32, #tpu.memory_space<vmem>>, vector<1x16xf32>,
          %get3A_243 = arith.index_cast %add3A_211 : i32 to index
          %get3A_244 = arith.constant 32 : index
          %get3A_245 = tpu.vector_load %arg10[%get3A_243, %get3A_244] {strides = array<i32>} : memref<80x128xf32, #tpu.memory_space<vmem>>, vector<1x16xf32>,
          %get3A_246 = vector.shape_cast %get3A_245 : vector<1x16xf32> to vector<16xf32>
          %get3A_247 = arith.index_cast %add3A_211 : i32 to index
          %get3A_248 = arith.constant 32 : index
          %get3A_249 = tpu.vector_load %arg11[%get3A_247, %get3A_248] {strides = array<i32>} : memref<80x128xf32, #tpu.memory_space<vmem>>, vector<1x16xf32>,
          %get3A_250 = vector.shape_cast %get3A_249 : vector<1x16xf32> to vector<16xf32>
          %add3A_251 = arith.addf %get3A_246, %get3A_250 : vector<16xf32>
          %max3A_252 = arith.constant 0.000000e+00 : f32
          %max3A_253 = vector.broadcast %max3A_252 : f32 to vector<16xf32>
          %max3A_254 = arith.maximumf %add3A_251, %max3A_253 : vector<16xf32>
          %swap3A_255 = arith.index_cast %add3A_211 : i32 to index
          %swap3A_256 = arith.constant 32 : index
          %swap3A_257 = tpu.vector_load %arg10[%swap3A_255, %swap3A_256] {strides = array<i32>} : memref<80x128xf32, #tpu.memory_space<vmem>>, vector<1x16xf32>,
          %swap3A_258 = vector.shape_cast %swap3A_257 : vector<1x16xf32> to vector<16xf32>
          %swap3A_259 = vector.shape_cast %max3A_254 : vector<16xf32> to vector<1x16xf32>
          tpu.vector_store %arg10[%swap3A_255, %swap3A_256], %swap3A_259 {strides = array<i32>} : memref<80x128xf32, #tpu.memory_space<vmem>>, vector<1x16xf32>,
          %get3A_260 = arith.index_cast %add3A_211 : i32 to index
          %get3A_261 = arith.constant 48 : index
          %get3A_262 = tpu.vector_load %arg10[%get3A_260, %get3A_261] {strides = array<i32>} : memref<80x128xf32, #tpu.memory_space<vmem>>, vector<1x16xf32>,
          %get3A_263 = vector.shape_cast %get3A_262 : vector<1x16xf32> to vector<16xf32>
          %get3A_264 = arith.index_cast %add3A_211 : i32 to index
          %get3A_265 = arith.constant 48 : index
          %get3A_266 = tpu.vector_load %arg11[%get3A_264, %get3A_265] {strides = array<i32>} : memref<80x128xf32, #tpu.memory_space<vmem>>, vector<1x16xf32>,
          %get3A_267 = vector.shape_cast %get3A_266 : vector<1x16xf32> to vector<16xf32>
          %add3A_268 = arith.addf %get3A_263, %get3A_267 : vector<16xf32>
          %max3A_269 = arith.constant 0.000000e+00 : f32
          %max3A_270 = vector.broadcast %max3A_269 : f32 to vector<16xf32>
          %max3A_271 = arith.maximumf %add3A_268, %max3A_270 : vector<16xf32>
          %swap3A_272 = arith.index_cast %add3A_211 : i32 to index
          %swap3A_273 = arith.constant 48 : index
          %swap3A_274 = tpu.vector_load %arg10[%swap3A_272, %swap3A_273] {strides = array<i32>} : memref<80x128xf32, #tpu.memory_space<vmem>>, vector<1x16xf32>,
          %swap3A_275 = vector.shape_cast %swap3A_274 : vector<1x16xf32> to vector<16xf32>
          %swap3A_276 = vector.shape_cast %max3A_271 : vector<16xf32> to vector<1x16xf32>
          tpu.vector_store %arg10[%swap3A_272, %swap3A_273], %swap3A_276 {strides = array<i32>} : memref<80x128xf32, #tpu.memory_space<vmem>>, vector<1x16xf32>,
          %get3A_277 = arith.index_cast %add3A_211 : i32 to index
          %get3A_278 = arith.constant 64 : index
          %get3A_279 = tpu.vector_load %arg10[%get3A_277, %get3A_278] {strides = array<i32>} : memref<80x128xf32, #tpu.memory_space<vmem>>, vector<1x16xf32>,
          %get3A_280 = vector.shape_cast %get3A_279 : vector<1x16xf32> to vector<16xf32>
          %get3A_281 = arith.index_cast %add3A_211 : i32 to index
          %get3A_282 = arith.constant 64 : index
          %get3A_283 = tpu.vector_load %arg11[%get3A_281, %get3A_282] {strides = array<i32>} : memref<80x128xf32, #tpu.memory_space<vmem>>, vector<1x16xf32>,
          %get3A_284 = vector.shape_cast %get3A_283 : vector<1x16xf32> to vector<16xf32>
          %add3A_285 = arith.addf %get3A_280, %get3A_284 : vector<16xf32>
          %max3A_286 = arith.constant 0.000000e+00 : f32
          %max3A_287 = vector.broadcast %max3A_286 : f32 to vector<16xf32>
          %max3A_288 = arith.maximumf %add3A_285, %max3A_287 : vector<16xf32>
          %swap3A_289 = arith.index_cast %add3A_211 : i32 to index
          %swap3A_290 = arith.constant 64 : index
          %swap3A_291 = tpu.vector_load %arg10[%swap3A_289, %swap3A_290] {strides = array<i32>} : memref<80x128xf32, #tpu.memory_space<vmem>>, vector<1x16xf32>,
          %swap3A_292 = vector.shape_cast %swap3A_291 : vector<1x16xf32> to vector<16xf32>
          %swap3A_293 = vector.shape_cast %max3A_288 : vector<16xf32> to vector<1x16xf32>
          tpu.vector_store %arg10[%swap3A_289, %swap3A_290], %swap3A_293 {strides = array<i32>} : memref<80x128xf32, #tpu.memory_space<vmem>>, vector<1x16xf32>,
          %get3A_294 = arith.index_cast %add3A_211 : i32 to index
          %get3A_295 = arith.constant 80 : index
          %get3A_296 = tpu.vector_load %arg10[%get3A_294, %get3A_295] {strides = array<i32>} : memref<80x128xf32, #tpu.memory_space<vmem>>, vector<1x16xf32>,
          %get3A_297 = vector.shape_cast %get3A_296 : vector<1x16xf32> to vector<16xf32>
          %get3A_298 = arith.index_cast %add3A_211 : i32 to index
          %get3A_299 = arith.constant 80 : index
          %get3A_300 = tpu.vector_load %arg11[%get3A_298, %get3A_299] {strides = array<i32>} : memref<80x128xf32, #tpu.memory_space<vmem>>, vector<1x16xf32>,
          %get3A_301 = vector.shape_cast %get3A_300 : vector<1x16xf32> to vector<16xf32>
          %add3A_302 = arith.addf %get3A_297, %get3A_301 : vector<16xf32>
          %max3A_303 = arith.constant 0.000000e+00 : f32
          %max3A_304 = vector.broadcast %max3A_303 : f32 to vector<16xf32>
          %max3A_305 = arith.maximumf %add3A_302, %max3A_304 : vector<16xf32>
          %swap3A_306 = arith.index_cast %add3A_211 : i32 to index
          %swap3A_307 = arith.constant 80 : index
          %swap3A_308 = tpu.vector_load %arg10[%swap3A_306, %swap3A_307] {strides = array<i32>} : memref<80x128xf32, #tpu.memory_space<vmem>>, vector<1x16xf32>,
          %swap3A_309 = vector.shape_cast %swap3A_308 : vector<1x16xf32> to vector<16xf32>
          %swap3A_310 = vector.shape_cast %max3A_305 : vector<16xf32> to vector<1x16xf32>
          tpu.vector_store %arg10[%swap3A_306, %swap3A_307], %swap3A_310 {strides = array<i32>} : memref<80x128xf32, #tpu.memory_space<vmem>>, vector<1x16xf32>,
          %get3A_311 = arith.index_cast %add3A_211 : i32 to index
          %get3A_312 = arith.constant 96 : index
          %get3A_313 = tpu.vector_load %arg10[%get3A_311, %get3A_312] {strides = array<i32>} : memref<80x128xf32, #tpu.memory_space<vmem>>, vector<1x16xf32>,
          %get3A_314 = vector.shape_cast %get3A_313 : vector<1x16xf32> to vector<16xf32>
          %get3A_315 = arith.index_cast %add3A_211 : i32 to index
          %get3A_316 = arith.constant 96 : index
          %get3A_317 = tpu.vector_load %arg11[%get3A_315, %get3A_316] {strides = array<i32>} : memref<80x128xf32, #tpu.memory_space<vmem>>, vector<1x16xf32>,
          %get3A_318 = vector.shape_cast %get3A_317 : vector<1x16xf32> to vector<16xf32>
          %add3A_319 = arith.addf %get3A_314, %get3A_318 : vector<16xf32>
          %max3A_320 = arith.constant 0.000000e+00 : f32
          %max3A_321 = vector.broadcast %max3A_320 : f32 to vector<16xf32>
          %max3A_322 = arith.maximumf %add3A_319, %max3A_321 : vector<16xf32>
          %swap3A_323 = arith.index_cast %add3A_211 : i32 to index
          %swap3A_324 = arith.constant 96 : index
          %swap3A_325 = tpu.vector_load %arg10[%swap3A_323, %swap3A_324] {strides = array<i32>} : memref<80x128xf32, #tpu.memory_space<vmem>>, vector<1x16xf32>,
          %swap3A_326 = vector.shape_cast %swap3A_325 : vector<1x16xf32> to vector<16xf32>
          %swap3A_327 = vector.shape_cast %max3A_322 : vector<16xf32> to vector<1x16xf32>
          tpu.vector_store %arg10[%swap3A_323, %swap3A_324], %swap3A_327 {strides = array<i32>} : memref<80x128xf32, #tpu.memory_space<vmem>>, vector<1x16xf32>,
          %get3A_328 = arith.index_cast %add3A_211 : i32 to index
          %get3A_329 = arith.constant 112 : index
          %get3A_330 = tpu.vector_load %arg10[%get3A_328, %get3A_329] {strides = array<i32>} : memref<80x128xf32, #tpu.memory_space<vmem>>, vector<1x16xf32>,
          %get3A_331 = vector.shape_cast %get3A_330 : vector<1x16xf32> to vector<16xf32>
          %get3A_332 = arith.index_cast %add3A_211 : i32 to index
          %get3A_333 = arith.constant 112 : index
          %get3A_334 = tpu.vector_load %arg11[%get3A_332, %get3A_333] {strides = array<i32>} : memref<80x128xf32, #tpu.memory_space<vmem>>, vector<1x16xf32>,
          %get3A_335 = vector.shape_cast %get3A_334 : vector<1x16xf32> to vector<16xf32>
          %add3A_336 = arith.addf %get3A_331, %get3A_335 : vector<16xf32>
          %max3A_337 = arith.constant 0.000000e+00 : f32
          %max3A_338 = vector.broadcast %max3A_337 : f32 to vector<16xf32>
          %max3A_339 = arith.maximumf %add3A_336, %max3A_338 : vector<16xf32>
          %swap3A_340 = arith.index_cast %add3A_211 : i32 to index
          %swap3A_341 = arith.constant 112 : index
          %swap3A_342 = tpu.vector_load %arg10[%swap3A_340, %swap3A_341] {strides = array<i32>} : memref<80x128xf32, #tpu.memory_space<vmem>>, vector<1x16xf32>,
          %swap3A_343 = vector.shape_cast %swap3A_342 : vector<1x16xf32> to vector<16xf32>
          %swap3A_344 = vector.shape_cast %max3A_339 : vector<16xf32> to vector<1x16xf32>
          tpu.vector_store %arg10[%swap3A_340, %swap3A_341], %swap3A_344 {strides = array<i32>} : memref<80x128xf32, #tpu.memory_space<vmem>>, vector<1x16xf32>,
        }
        %scan3A_151 = arith.constant 80 : i32
        %mul3A_152 = arith.constant 2 : i32
        %mul3A_153 = arith.muli %mul3A_152, %add3A_80 : i32
        %dma_start3A_154 = arith.constant 0 : i32
        %dma_start3A_155 = tpu.memref_slice %arg8[%mul3A_153, %dma_start3A_154] : memref<25x80xi32, #tpu.memory_space<vmem>> -> memref<1x80xi32, #tpu.memory_space<vmem>>
        %dma_start3A_156 = tpu.memref_squeeze %dma_start3A_155 : memref<1x80xi32, #tpu.memory_space<vmem>> -> memref<80xi32, #tpu.memory_space<vmem>>
        %dma_start3A_157 = arith.constant 0 : i32
        %dma_start3A_158 = arith.constant 0 : i32
        %dma_start3A_159 = tpu.memref_slice %arg14[%dma_start3A_157, %dma_start3A_158] : memref<10240x128xf32, #tpu.memory_space<vmem_shared>> -> memref<10240x128xf32, #tpu.memory_space<vmem_shared>>
        tpu.enqueue_indirect_dma source(%arg10 : memref<80x128xf32, #tpu.memory_space<vmem>>) target(%dma_start3A_159 : memref<10240x128xf32, #tpu.memory_space<vmem_shared>>) offsets(%dma_start3A_156 : memref<80xi32, #tpu.memory_space<vmem>>) semaphore(%arg19 : memref<!tpu.dma_semaphore, #tpu.memory_space<semaphore_mem>>) {add = true}
        %dma_wait3A_160 = arith.constant 0 : i32
        %dma_wait3A_161 = tpu.memref_slice %arg8[%add3A_106, %dma_wait3A_160] : memref<25x80xi32, #tpu.memory_space<vmem>> -> memref<1x80xi32, #tpu.memory_space<vmem>>
        %dma_wait3A_162 = tpu.memref_squeeze %dma_wait3A_161 : memref<1x80xi32, #tpu.memory_space<vmem>> -> memref<80xi32, #tpu.memory_space<vmem>>
        %dma_wait3A_163 = arith.constant 0 : i32
        %dma_wait3A_164 = arith.constant 0 : i32
        %dma_wait3A_165 = tpu.memref_slice %arg2[%arg0, %dma_wait3A_163, %dma_wait3A_164] : memref<2x10240x128xf32, #tpu.memory_space<hbm>> -> memref<1x10240x128xf32, #tpu.memory_space<hbm>>
        %dma_wait3A_166 = tpu.memref_squeeze %dma_wait3A_165 : memref<1x10240x128xf32, #tpu.memory_space<hbm>> -> memref<10240x128xf32, #tpu.memory_space<hbm>>
        %dma_wait3A_167 = arith.constant 0 : i32
        %dma_wait3A_168 = arith.constant 0 : i32
        %dma_wait3A_169 = tpu.memref_slice %dma_wait3A_166[%dma_wait3A_167, %dma_wait3A_168] : memref<10240x128xf32, #tpu.memory_space<hbm>> -> memref<10240x128xf32, #tpu.memory_space<hbm>>
        tpu.wait_indirect_dma semaphore(%arg17 : memref<!tpu.dma_semaphore, #tpu.memory_space<semaphore_mem>>) src(%dma_wait3A_169 : memref<10240x128xf32, #tpu.memory_space<hbm>>) dst(%arg12 : memref<80x128xf32, #tpu.memory_space<vmem>>)
        %dma_wait3A_170 = arith.constant 0 : i32
        %dma_wait3A_171 = tpu.memref_slice %arg9[%add3A_106, %dma_wait3A_170] : memref<25x80xi32, #tpu.memory_space<vmem>> -> memref<1x80xi32, #tpu.memory_space<vmem>>
        %dma_wait3A_172 = tpu.memref_squeeze %dma_wait3A_171 : memref<1x80xi32, #tpu.memory_space<vmem>> -> memref<80xi32, #tpu.memory_space<vmem>>
        %dma_wait3A_173 = arith.constant 0 : i32
        %dma_wait3A_174 = arith.constant 0 : i32
        %dma_wait3A_175 = tpu.memref_slice %arg3[%arg0, %dma_wait3A_173, %dma_wait3A_174] : memref<2x10240x128xf32, #tpu.memory_space<hbm>> -> memref<1x10240x128xf32, #tpu.memory_space<hbm>>
        %dma_wait3A_176 = tpu.memref_squeeze %dma_wait3A_175 : memref<1x10240x128xf32, #tpu.memory_space<hbm>> -> memref<10240x128xf32, #tpu.memory_space<hbm>>
        %dma_wait3A_177 = arith.constant 0 : i32
        %dma_wait3A_178 = arith.constant 0 : i32
        %dma_wait3A_179 = tpu.memref_slice %dma_wait3A_176[%dma_wait3A_177, %dma_wait3A_178] : memref<10240x128xf32, #tpu.memory_space<hbm>> -> memref<10240x128xf32, #tpu.memory_space<hbm>>
        tpu.wait_indirect_dma semaphore(%arg18 : memref<!tpu.dma_semaphore, #tpu.memory_space<semaphore_mem>>) src(%dma_wait3A_179 : memref<10240x128xf32, #tpu.memory_space<hbm>>) dst(%arg13 : memref<80x128xf32, #tpu.memory_space<vmem>>)
        %scan3A_180 = arith.constant 0 : i32
        %scan3A_181 = arith.constant 80 : i32
        %scan3A_182 = arith.addi %scan3A_180, %scan3A_181 : i32
        %scan3A_183 = arith.constant 1 : i32
        scf.for %scan3A_207 = %scan3A_180 to %scan3A_182 step %scan3A_183  : i32 {
          %mul3A_208 = arith.constant 1 : i32
          %mul3A_209 = arith.muli %scan3A_207, %mul3A_208 : i32
          %add3A_210 = arith.constant 0 : i32
          %add3A_211 = arith.addi %add3A_210, %mul3A_209 : i32
          %get3A = arith.index_cast %add3A_211 : i32 to index
          %get3A_212 = arith.constant 0 : index
          %get3A_213 = tpu.vector_load %arg12[%get3A, %get3A_212] {strides = array<i32>} : memref<80x128xf32, #tpu.memory_space<vmem>>, vector<1x16xf32>,
          %get3A_214 = vector.shape_cast %get3A_213 : vector<1x16xf32> to vector<16xf32>
          %get3A_215 = arith.index_cast %add3A_211 : i32 to index
          %get3A_216 = arith.constant 0 : index
          %get3A_217 = tpu.vector_load %arg13[%get3A_215, %get3A_216] {strides = array<i32>} : memref<80x128xf32, #tpu.memory_space<vmem>>, vector<1x16xf32>,
          %get3A_218 = vector.shape_cast %get3A_217 : vector<1x16xf32> to vector<16xf32>
          %add3A_219 = arith.addf %get3A_214, %get3A_218 : vector<16xf32>
          %max3A = arith.constant 0.000000e+00 : f32
          %max3A_220 = vector.broadcast %max3A : f32 to vector<16xf32>
          %max3A_221 = arith.maximumf %add3A_219, %max3A_220 : vector<16xf32>
          %swap3A = arith.index_cast %add3A_211 : i32 to index
          %swap3A_222 = arith.constant 0 : index
          %swap3A_223 = tpu.vector_load %arg12[%swap3A, %swap3A_222] {strides = array<i32>} : memref<80x128xf32, #tpu.memory_space<vmem>>, vector<1x16xf32>,
          %swap3A_224 = vector.shape_cast %swap3A_223 : vector<1x16xf32> to vector<16xf32>
          %swap3A_225 = vector.shape_cast %max3A_221 : vector<16xf32> to vector<1x16xf32>
          tpu.vector_store %arg12[%swap3A, %swap3A_222], %swap3A_225 {strides = array<i32>} : memref<80x128xf32, #tpu.memory_space<vmem>>, vector<1x16xf32>,
          %get3A_226 = arith.index_cast %add3A_211 : i32 to index
          %get3A_227 = arith.constant 16 : index
          %get3A_228 = tpu.vector_load %arg12[%get3A_226, %get3A_227] {strides = array<i32>} : memref<80x128xf32, #tpu.memory_space<vmem>>, vector<1x16xf32>,
          %get3A_229 = vector.shape_cast %get3A_228 : vector<1x16xf32> to vector<16xf32>
          %get3A_230 = arith.index_cast %add3A_211 : i32 to index
          %get3A_231 = arith.constant 16 : index
          %get3A_232 = tpu.vector_load %arg13[%get3A_230, %get3A_231] {strides = array<i32>} : memref<80x128xf32, #tpu.memory_space<vmem>>, vector<1x16xf32>,
          %get3A_233 = vector.shape_cast %get3A_232 : vector<1x16xf32> to vector<16xf32>
          %add3A_234 = arith.addf %get3A_229, %get3A_233 : vector<16xf32>
          %max3A_235 = arith.constant 0.000000e+00 : f32
          %max3A_236 = vector.broadcast %max3A_235 : f32 to vector<16xf32>
          %max3A_237 = arith.maximumf %add3A_234, %max3A_236 : vector<16xf32>
          %swap3A_238 = arith.index_cast %add3A_211 : i32 to index
          %swap3A_239 = arith.constant 16 : index
          %swap3A_240 = tpu.vector_load %arg12[%swap3A_238, %swap3A_239] {strides = array<i32>} : memref<80x128xf32, #tpu.memory_space<vmem>>, vector<1x16xf32>,
          %swap3A_241 = vector.shape_cast %swap3A_240 : vector<1x16xf32> to vector<16xf32>
          %swap3A_242 = vector.shape_cast %max3A_237 : vector<16xf32> to vector<1x16xf32>
          tpu.vector_store %arg12[%swap3A_238, %swap3A_239], %swap3A_242 {strides = array<i32>} : memref<80x128xf32, #tpu.memory_space<vmem>>, vector<1x16xf32>,
          %get3A_243 = arith.index_cast %add3A_211 : i32 to index
          %get3A_244 = arith.constant 32 : index
          %get3A_245 = tpu.vector_load %arg12[%get3A_243, %get3A_244] {strides = array<i32>} : memref<80x128xf32, #tpu.memory_space<vmem>>, vector<1x16xf32>,
          %get3A_246 = vector.shape_cast %get3A_245 : vector<1x16xf32> to vector<16xf32>
          %get3A_247 = arith.index_cast %add3A_211 : i32 to index
          %get3A_248 = arith.constant 32 : index
          %get3A_249 = tpu.vector_load %arg13[%get3A_247, %get3A_248] {strides = array<i32>} : memref<80x128xf32, #tpu.memory_space<vmem>>, vector<1x16xf32>,
          %get3A_250 = vector.shape_cast %get3A_249 : vector<1x16xf32> to vector<16xf32>
          %add3A_251 = arith.addf %get3A_246, %get3A_250 : vector<16xf32>
          %max3A_252 = arith.constant 0.000000e+00 : f32
          %max3A_253 = vector.broadcast %max3A_252 : f32 to vector<16xf32>
          %max3A_254 = arith.maximumf %add3A_251, %max3A_253 : vector<16xf32>
          %swap3A_255 = arith.index_cast %add3A_211 : i32 to index
          %swap3A_256 = arith.constant 32 : index
          %swap3A_257 = tpu.vector_load %arg12[%swap3A_255, %swap3A_256] {strides = array<i32>} : memref<80x128xf32, #tpu.memory_space<vmem>>, vector<1x16xf32>,
          %swap3A_258 = vector.shape_cast %swap3A_257 : vector<1x16xf32> to vector<16xf32>
          %swap3A_259 = vector.shape_cast %max3A_254 : vector<16xf32> to vector<1x16xf32>
          tpu.vector_store %arg12[%swap3A_255, %swap3A_256], %swap3A_259 {strides = array<i32>} : memref<80x128xf32, #tpu.memory_space<vmem>>, vector<1x16xf32>,
          %get3A_260 = arith.index_cast %add3A_211 : i32 to index
          %get3A_261 = arith.constant 48 : index
          %get3A_262 = tpu.vector_load %arg12[%get3A_260, %get3A_261] {strides = array<i32>} : memref<80x128xf32, #tpu.memory_space<vmem>>, vector<1x16xf32>,
          %get3A_263 = vector.shape_cast %get3A_262 : vector<1x16xf32> to vector<16xf32>
          %get3A_264 = arith.index_cast %add3A_211 : i32 to index
          %get3A_265 = arith.constant 48 : index
          %get3A_266 = tpu.vector_load %arg13[%get3A_264, %get3A_265] {strides = array<i32>} : memref<80x128xf32, #tpu.memory_space<vmem>>, vector<1x16xf32>,
          %get3A_267 = vector.shape_cast %get3A_266 : vector<1x16xf32> to vector<16xf32>
          %add3A_268 = arith.addf %get3A_263, %get3A_267 : vector<16xf32>
          %max3A_269 = arith.constant 0.000000e+00 : f32
          %max3A_270 = vector.broadcast %max3A_269 : f32 to vector<16xf32>
          %max3A_271 = arith.maximumf %add3A_268, %max3A_270 : vector<16xf32>
          %swap3A_272 = arith.index_cast %add3A_211 : i32 to index
          %swap3A_273 = arith.constant 48 : index
          %swap3A_274 = tpu.vector_load %arg12[%swap3A_272, %swap3A_273] {strides = array<i32>} : memref<80x128xf32, #tpu.memory_space<vmem>>, vector<1x16xf32>,
          %swap3A_275 = vector.shape_cast %swap3A_274 : vector<1x16xf32> to vector<16xf32>
          %swap3A_276 = vector.shape_cast %max3A_271 : vector<16xf32> to vector<1x16xf32>
          tpu.vector_store %arg12[%swap3A_272, %swap3A_273], %swap3A_276 {strides = array<i32>} : memref<80x128xf32, #tpu.memory_space<vmem>>, vector<1x16xf32>,
          %get3A_277 = arith.index_cast %add3A_211 : i32 to index
          %get3A_278 = arith.constant 64 : index
          %get3A_279 = tpu.vector_load %arg12[%get3A_277, %get3A_278] {strides = array<i32>} : memref<80x128xf32, #tpu.memory_space<vmem>>, vector<1x16xf32>,
          %get3A_280 = vector.shape_cast %get3A_279 : vector<1x16xf32> to vector<16xf32>
          %get3A_281 = arith.index_cast %add3A_211 : i32 to index
          %get3A_282 = arith.constant 64 : index
          %get3A_283 = tpu.vector_load %arg13[%get3A_281, %get3A_282] {strides = array<i32>} : memref<80x128xf32, #tpu.memory_space<vmem>>, vector<1x16xf32>,
          %get3A_284 = vector.shape_cast %get3A_283 : vector<1x16xf32> to vector<16xf32>
          %add3A_285 = arith.addf %get3A_280, %get3A_284 : vector<16xf32>
          %max3A_286 = arith.constant 0.000000e+00 : f32
          %max3A_287 = vector.broadcast %max3A_286 : f32 to vector<16xf32>
          %max3A_288 = arith.maximumf %add3A_285, %max3A_287 : vector<16xf32>
          %swap3A_289 = arith.index_cast %add3A_211 : i32 to index
          %swap3A_290 = arith.constant 64 : index
          %swap3A_291 = tpu.vector_load %arg12[%swap3A_289, %swap3A_290] {strides = array<i32>} : memref<80x128xf32, #tpu.memory_space<vmem>>, vector<1x16xf32>,
          %swap3A_292 = vector.shape_cast %swap3A_291 : vector<1x16xf32> to vector<16xf32>
          %swap3A_293 = vector.shape_cast %max3A_288 : vector<16xf32> to vector<1x16xf32>
          tpu.vector_store %arg12[%swap3A_289, %swap3A_290], %swap3A_293 {strides = array<i32>} : memref<80x128xf32, #tpu.memory_space<vmem>>, vector<1x16xf32>,
          %get3A_294 = arith.index_cast %add3A_211 : i32 to index
          %get3A_295 = arith.constant 80 : index
          %get3A_296 = tpu.vector_load %arg12[%get3A_294, %get3A_295] {strides = array<i32>} : memref<80x128xf32, #tpu.memory_space<vmem>>, vector<1x16xf32>,
          %get3A_297 = vector.shape_cast %get3A_296 : vector<1x16xf32> to vector<16xf32>
          %get3A_298 = arith.index_cast %add3A_211 : i32 to index
          %get3A_299 = arith.constant 80 : index
          %get3A_300 = tpu.vector_load %arg13[%get3A_298, %get3A_299] {strides = array<i32>} : memref<80x128xf32, #tpu.memory_space<vmem>>, vector<1x16xf32>,
          %get3A_301 = vector.shape_cast %get3A_300 : vector<1x16xf32> to vector<16xf32>
          %add3A_302 = arith.addf %get3A_297, %get3A_301 : vector<16xf32>
          %max3A_303 = arith.constant 0.000000e+00 : f32
          %max3A_304 = vector.broadcast %max3A_303 : f32 to vector<16xf32>
          %max3A_305 = arith.maximumf %add3A_302, %max3A_304 : vector<16xf32>
          %swap3A_306 = arith.index_cast %add3A_211 : i32 to index
          %swap3A_307 = arith.constant 80 : index
          %swap3A_308 = tpu.vector_load %arg12[%swap3A_306, %swap3A_307] {strides = array<i32>} : memref<80x128xf32, #tpu.memory_space<vmem>>, vector<1x16xf32>,
          %swap3A_309 = vector.shape_cast %swap3A_308 : vector<1x16xf32> to vector<16xf32>
          %swap3A_310 = vector.shape_cast %max3A_305 : vector<16xf32> to vector<1x16xf32>
          tpu.vector_store %arg12[%swap3A_306, %swap3A_307], %swap3A_310 {strides = array<i32>} : memref<80x128xf32, #tpu.memory_space<vmem>>, vector<1x16xf32>,
          %get3A_311 = arith.index_cast %add3A_211 : i32 to index
          %get3A_312 = arith.constant 96 : index
          %get3A_313 = tpu.vector_load %arg12[%get3A_311, %get3A_312] {strides = array<i32>} : memref<80x128xf32, #tpu.memory_space<vmem>>, vector<1x16xf32>,
          %get3A_314 = vector.shape_cast %get3A_313 : vector<1x16xf32> to vector<16xf32>
          %get3A_315 = arith.index_cast %add3A_211 : i32 to index
          %get3A_316 = arith.constant 96 : index
          %get3A_317 = tpu.vector_load %arg13[%get3A_315, %get3A_316] {strides = array<i32>} : memref<80x128xf32, #tpu.memory_space<vmem>>, vector<1x16xf32>,
          %get3A_318 = vector.shape_cast %get3A_317 : vector<1x16xf32> to vector<16xf32>
          %add3A_319 = arith.addf %get3A_314, %get3A_318 : vector<16xf32>
          %max3A_320 = arith.constant 0.000000e+00 : f32
          %max3A_321 = vector.broadcast %max3A_320 : f32 to vector<16xf32>
          %max3A_322 = arith.maximumf %add3A_319, %max3A_321 : vector<16xf32>
          %swap3A_323 = arith.index_cast %add3A_211 : i32 to index
          %swap3A_324 = arith.constant 96 : index
          %swap3A_325 = tpu.vector_load %arg12[%swap3A_323, %swap3A_324] {strides = array<i32>} : memref<80x128xf32, #tpu.memory_space<vmem>>, vector<1x16xf32>,
          %swap3A_326 = vector.shape_cast %swap3A_325 : vector<1x16xf32> to vector<16xf32>
          %swap3A_327 = vector.shape_cast %max3A_322 : vector<16xf32> to vector<1x16xf32>
          tpu.vector_store %arg12[%swap3A_323, %swap3A_324], %swap3A_327 {strides = array<i32>} : memref<80x128xf32, #tpu.memory_space<vmem>>, vector<1x16xf32>,
          %get3A_328 = arith.index_cast %add3A_211 : i32 to index
          %get3A_329 = arith.constant 112 : index
          %get3A_330 = tpu.vector_load %arg12[%get3A_328, %get3A_329] {strides = array<i32>} : memref<80x128xf32, #tpu.memory_space<vmem>>, vector<1x16xf32>,
          %get3A_331 = vector.shape_cast %get3A_330 : vector<1x16xf32> to vector<16xf32>
          %get3A_332 = arith.index_cast %add3A_211 : i32 to index
          %get3A_333 = arith.constant 112 : index
          %get3A_334 = tpu.vector_load %arg13[%get3A_332, %get3A_333] {strides = array<i32>} : memref<80x128xf32, #tpu.memory_space<vmem>>, vector<1x16xf32>,
          %get3A_335 = vector.shape_cast %get3A_334 : vector<1x16xf32> to vector<16xf32>
          %add3A_336 = arith.addf %get3A_331, %get3A_335 : vector<16xf32>
          %max3A_337 = arith.constant 0.000000e+00 : f32
          %max3A_338 = vector.broadcast %max3A_337 : f32 to vector<16xf32>
          %max3A_339 = arith.maximumf %add3A_336, %max3A_338 : vector<16xf32>
          %swap3A_340 = arith.index_cast %add3A_211 : i32 to index
          %swap3A_341 = arith.constant 112 : index
          %swap3A_342 = tpu.vector_load %arg12[%swap3A_340, %swap3A_341] {strides = array<i32>} : memref<80x128xf32, #tpu.memory_space<vmem>>, vector<1x16xf32>,
          %swap3A_343 = vector.shape_cast %swap3A_342 : vector<1x16xf32> to vector<16xf32>
          %swap3A_344 = vector.shape_cast %max3A_339 : vector<16xf32> to vector<1x16xf32>
          tpu.vector_store %arg12[%swap3A_340, %swap3A_341], %swap3A_344 {strides = array<i32>} : memref<80x128xf32, #tpu.memory_space<vmem>>, vector<1x16xf32>,
        }
        %scan3A_184 = arith.constant 80 : i32
        %mul3A_185 = arith.constant 2 : i32
        %mul3A_186 = arith.muli %mul3A_185, %add3A_80 : i32
        %add3A_187 = arith.constant 1 : i32
        %add3A_188 = arith.addi %mul3A_186, %add3A_187 : i32
        %dma_start3A_189 = arith.constant 0 : i32
        %dma_start3A_190 = tpu.memref_slice %arg8[%add3A_188, %dma_start3A_189] : memref<25x80xi32, #tpu.memory_space<vmem>> -> memref<1x80xi32, #tpu.memory_space<vmem>>
        %dma_start3A_191 = tpu.memref_squeeze %dma_start3A_190 : memref<1x80xi32, #tpu.memory_space<vmem>> -> memref<80xi32, #tpu.memory_space<vmem>>
        %dma_start3A_192 = arith.constant 0 : i32
        %dma_start3A_193 = arith.constant 0 : i32
        %dma_start3A_194 = tpu.memref_slice %arg14[%dma_start3A_192, %dma_start3A_193] : memref<10240x128xf32, #tpu.memory_space<vmem_shared>> -> memref<10240x128xf32, #tpu.memory_space<vmem_shared>>
        tpu.enqueue_indirect_dma source(%arg12 : memref<80x128xf32, #tpu.memory_space<vmem>>) target(%dma_start3A_194 : memref<10240x128xf32, #tpu.memory_space<vmem_shared>>) offsets(%dma_start3A_191 : memref<80xi32, #tpu.memory_space<vmem>>) semaphore(%arg20 : memref<!tpu.dma_semaphore, #tpu.memory_space<semaphore_mem>>) {add = true}
        %dma_wait3A_195 = arith.constant 0 : i32
        %dma_wait3A_196 = tpu.memref_slice %arg8[%mul3A_153, %dma_wait3A_195] : memref<25x80xi32, #tpu.memory_space<vmem>> -> memref<1x80xi32, #tpu.memory_space<vmem>>
        %dma_wait3A_197 = tpu.memref_squeeze %dma_wait3A_196 : memref<1x80xi32, #tpu.memory_space<vmem>> -> memref<80xi32, #tpu.memory_space<vmem>>
        %dma_wait3A_198 = arith.constant 0 : i32
        %dma_wait3A_199 = arith.constant 0 : i32
        %dma_wait3A_200 = tpu.memref_slice %arg14[%dma_wait3A_198, %dma_wait3A_199] : memref<10240x128xf32, #tpu.memory_space<vmem_shared>> -> memref<10240x128xf32, #tpu.memory_space<vmem_shared>>
        tpu.wait_indirect_dma semaphore(%arg19 : memref<!tpu.dma_semaphore, #tpu.memory_space<semaphore_mem>>) src(%arg10 : memref<80x128xf32, #tpu.memory_space<vmem>>) dst(%dma_wait3A_200 : memref<10240x128xf32, #tpu.memory_space<vmem_shared>>)
        %dma_wait3A_201 = arith.constant 0 : i32
        %dma_wait3A_202 = tpu.memref_slice %arg8[%add3A_188, %dma_wait3A_201] : memref<25x80xi32, #tpu.memory_space<vmem>> -> memref<1x80xi32, #tpu.memory_space<vmem>>
        %dma_wait3A_203 = tpu.memref_squeeze %dma_wait3A_202 : memref<1x80xi32, #tpu.memory_space<vmem>> -> memref<80xi32, #tpu.memory_space<vmem>>
        %dma_wait3A_204 = arith.constant 0 : i32
        %dma_wait3A_205 = arith.constant 0 : i32
        %dma_wait3A_206 = tpu.memref_slice %arg14[%dma_wait3A_204, %dma_wait3A_205] : memref<10240x128xf32, #tpu.memory_space<vmem_shared>> -> memref<10240x128xf32, #tpu.memory_space<vmem_shared>>
        tpu.wait_indirect_dma semaphore(%arg20 : memref<!tpu.dma_semaphore, #tpu.memory_space<semaphore_mem>>) src(%arg12 : memref<80x128xf32, #tpu.memory_space<vmem>>) dst(%dma_wait3A_206 : memref<10240x128xf32, #tpu.memory_space<vmem_shared>>)
      }
      %scan3A_14 = arith.constant 12 : i32
      %dma_start3A = arith.constant 24 : i32
      %dma_start3A_15 = arith.constant 0 : i32
      %dma_start3A_16 = tpu.memref_slice %arg8[%dma_start3A, %dma_start3A_15] : memref<25x80xi32, #tpu.memory_space<vmem>> -> memref<1x80xi32, #tpu.memory_space<vmem>>
      %dma_start3A_17 = tpu.memref_squeeze %dma_start3A_16 : memref<1x80xi32, #tpu.memory_space<vmem>> -> memref<80xi32, #tpu.memory_space<vmem>>
      %dma_start3A_18 = arith.constant 0 : i32
      %dma_start3A_19 = arith.constant 0 : i32
      %dma_start3A_20 = tpu.memref_slice %arg2[%arg0, %dma_start3A_18, %dma_start3A_19] : memref<2x10240x128xf32, #tpu.memory_space<hbm>> -> memref<1x10240x128xf32, #tpu.memory_space<hbm>>
      %dma_start3A_21 = tpu.memref_squeeze %dma_start3A_20 : memref<1x10240x128xf32, #tpu.memory_space<hbm>> -> memref<10240x128xf32, #tpu.memory_space<hbm>>
      %dma_start3A_22 = arith.constant 0 : i32
      %dma_start3A_23 = arith.constant 0 : i32
      %dma_start3A_24 = tpu.memref_slice %dma_start3A_21[%dma_start3A_22, %dma_start3A_23] : memref<10240x128xf32, #tpu.memory_space<hbm>> -> memref<10240x128xf32, #tpu.memory_space<hbm>>
      tpu.enqueue_indirect_dma source(%dma_start3A_24 : memref<10240x128xf32, #tpu.memory_space<hbm>>) target(%arg10 : memref<80x128xf32, #tpu.memory_space<vmem>>) offsets(%dma_start3A_17 : memref<80xi32, #tpu.memory_space<vmem>>) semaphore(%arg15 : memref<!tpu.dma_semaphore, #tpu.memory_space<semaphore_mem>>)
      %dma_start3A_25 = arith.constant 24 : i32
      %dma_start3A_26 = arith.constant 0 : i32
      %dma_start3A_27 = tpu.memref_slice %arg9[%dma_start3A_25, %dma_start3A_26] : memref<25x80xi32, #tpu.memory_space<vmem>> -> memref<1x80xi32, #tpu.memory_space<vmem>>
      %dma_start3A_28 = tpu.memref_squeeze %dma_start3A_27 : memref<1x80xi32, #tpu.memory_space<vmem>> -> memref<80xi32, #tpu.memory_space<vmem>>
      %dma_start3A_29 = arith.constant 0 : i32
      %dma_start3A_30 = arith.constant 0 : i32
      %dma_start3A_31 = tpu.memref_slice %arg3[%arg0, %dma_start3A_29, %dma_start3A_30] : memref<2x10240x128xf32, #tpu.memory_space<hbm>> -> memref<1x10240x128xf32, #tpu.memory_space<hbm>>
      %dma_start3A_32 = tpu.memref_squeeze %dma_start3A_31 : memref<1x10240x128xf32, #tpu.memory_space<hbm>> -> memref<10240x128xf32, #tpu.memory_space<hbm>>
      %dma_start3A_33 = arith.constant 0 : i32
      %dma_start3A_34 = arith.constant 0 : i32
      %dma_start3A_35 = tpu.memref_slice %dma_start3A_32[%dma_start3A_33, %dma_start3A_34] : memref<10240x128xf32, #tpu.memory_space<hbm>> -> memref<10240x128xf32, #tpu.memory_space<hbm>>
      tpu.enqueue_indirect_dma source(%dma_start3A_35 : memref<10240x128xf32, #tpu.memory_space<hbm>>) target(%arg11 : memref<80x128xf32, #tpu.memory_space<vmem>>) offsets(%dma_start3A_28 : memref<80xi32, #tpu.memory_space<vmem>>) semaphore(%arg16 : memref<!tpu.dma_semaphore, #tpu.memory_space<semaphore_mem>>)
      %dma_wait3A = arith.constant 24 : i32
      %dma_wait3A_36 = arith.constant 0 : i32
      %dma_wait3A_37 = tpu.memref_slice %arg8[%dma_wait3A, %dma_wait3A_36] : memref<25x80xi32, #tpu.memory_space<vmem>> -> memref<1x80xi32, #tpu.memory_space<vmem>>
      %dma_wait3A_38 = tpu.memref_squeeze %dma_wait3A_37 : memref<1x80xi32, #tpu.memory_space<vmem>> -> memref<80xi32, #tpu.memory_space<vmem>>
      %dma_wait3A_39 = arith.constant 0 : i32
      %dma_wait3A_40 = arith.constant 0 : i32
      %dma_wait3A_41 = tpu.memref_slice %arg2[%arg0, %dma_wait3A_39, %dma_wait3A_40] : memref<2x10240x128xf32, #tpu.memory_space<hbm>> -> memref<1x10240x128xf32, #tpu.memory_space<hbm>>
      %dma_wait3A_42 = tpu.memref_squeeze %dma_wait3A_41 : memref<1x10240x128xf32, #tpu.memory_space<hbm>> -> memref<10240x128xf32, #tpu.memory_space<hbm>>
      %dma_wait3A_43 = arith.constant 0 : i32
      %dma_wait3A_44 = arith.constant 0 : i32
      %dma_wait3A_45 = tpu.memref_slice %dma_wait3A_42[%dma_wait3A_43, %dma_wait3A_44] : memref<10240x128xf32, #tpu.memory_space<hbm>> -> memref<10240x128xf32, #tpu.memory_space<hbm>>
      tpu.wait_indirect_dma semaphore(%arg15 : memref<!tpu.dma_semaphore, #tpu.memory_space<semaphore_mem>>) src(%dma_wait3A_45 : memref<10240x128xf32, #tpu.memory_space<hbm>>) dst(%arg10 : memref<80x128xf32, #tpu.memory_space<vmem>>)
      %dma_wait3A_46 = arith.constant 24 : i32
      %dma_wait3A_47 = arith.constant 0 : i32
      %dma_wait3A_48 = tpu.memref_slice %arg9[%dma_wait3A_46, %dma_wait3A_47] : memref<25x80xi32, #tpu.memory_space<vmem>> -> memref<1x80xi32, #tpu.memory_space<vmem>>
      %dma_wait3A_49 = tpu.memref_squeeze %dma_wait3A_48 : memref<1x80xi32, #tpu.memory_space<vmem>> -> memref<80xi32, #tpu.memory_space<vmem>>
      %dma_wait3A_50 = arith.constant 0 : i32
      %dma_wait3A_51 = arith.constant 0 : i32
      %dma_wait3A_52 = tpu.memref_slice %arg3[%arg0, %dma_wait3A_50, %dma_wait3A_51] : memref<2x10240x128xf32, #tpu.memory_space<hbm>> -> memref<1x10240x128xf32, #tpu.memory_space<hbm>>
      %dma_wait3A_53 = tpu.memref_squeeze %dma_wait3A_52 : memref<1x10240x128xf32, #tpu.memory_space<hbm>> -> memref<10240x128xf32, #tpu.memory_space<hbm>>
      %dma_wait3A_54 = arith.constant 0 : i32
      %dma_wait3A_55 = arith.constant 0 : i32
      %dma_wait3A_56 = tpu.memref_slice %dma_wait3A_53[%dma_wait3A_54, %dma_wait3A_55] : memref<10240x128xf32, #tpu.memory_space<hbm>> -> memref<10240x128xf32, #tpu.memory_space<hbm>>
      tpu.wait_indirect_dma semaphore(%arg16 : memref<!tpu.dma_semaphore, #tpu.memory_space<semaphore_mem>>) src(%dma_wait3A_56 : memref<10240x128xf32, #tpu.memory_space<hbm>>) dst(%arg11 : memref<80x128xf32, #tpu.memory_space<vmem>>)
      %scan3A_57 = arith.constant 0 : i32
      %scan3A_58 = arith.constant 80 : i32
      %scan3A_59 = arith.addi %scan3A_57, %scan3A_58 : i32
      %scan3A_60 = arith.constant 1 : i32
      scf.for %scan3A_76 = %scan3A_57 to %scan3A_59 step %scan3A_60  : i32 {
        %mul3A_77 = arith.constant 1 : i32
        %mul3A_78 = arith.muli %scan3A_76, %mul3A_77 : i32
        %add3A_79 = arith.constant 0 : i32
        %add3A_80 = arith.addi %add3A_79, %mul3A_78 : i32
        %get3A = arith.index_cast %add3A_80 : i32 to index
        %get3A_81 = arith.constant 0 : index
        %get3A_82 = tpu.vector_load %arg10[%get3A, %get3A_81] {strides = array<i32>} : memref<80x128xf32, #tpu.memory_space<vmem>>, vector<1x16xf32>,
        %get3A_83 = vector.shape_cast %get3A_82 : vector<1x16xf32> to vector<16xf32>
        %get3A_84 = arith.index_cast %add3A_80 : i32 to index
        %get3A_85 = arith.constant 0 : index
        %get3A_86 = tpu.vector_load %arg11[%get3A_84, %get3A_85] {strides = array<i32>} : memref<80x128xf32, #tpu.memory_space<vmem>>, vector<1x16xf32>,
        %get3A_87 = vector.shape_cast %get3A_86 : vector<1x16xf32> to vector<16xf32>
        %add3A_88 = arith.addf %get3A_83, %get3A_87 : vector<16xf32>
        %max3A = arith.constant 0.000000e+00 : f32
        %max3A_89 = vector.broadcast %max3A : f32 to vector<16xf32>
        %max3A_90 = arith.maximumf %add3A_88, %max3A_89 : vector<16xf32>
        %swap3A = arith.index_cast %add3A_80 : i32 to index
        %swap3A_91 = arith.constant 0 : index
        %swap3A_92 = tpu.vector_load %arg10[%swap3A, %swap3A_91] {strides = array<i32>} : memref<80x128xf32, #tpu.memory_space<vmem>>, vector<1x16xf32>,
        %swap3A_93 = vector.shape_cast %swap3A_92 : vector<1x16xf32> to vector<16xf32>
        %swap3A_94 = vector.shape_cast %max3A_90 : vector<16xf32> to vector<1x16xf32>
        tpu.vector_store %arg10[%swap3A, %swap3A_91], %swap3A_94 {strides = array<i32>} : memref<80x128xf32, #tpu.memory_space<vmem>>, vector<1x16xf32>,
        %get3A_95 = arith.index_cast %add3A_80 : i32 to index
        %get3A_96 = arith.constant 16 : index
        %get3A_97 = tpu.vector_load %arg10[%get3A_95, %get3A_96] {strides = array<i32>} : memref<80x128xf32, #tpu.memory_space<vmem>>, vector<1x16xf32>,
        %get3A_98 = vector.shape_cast %get3A_97 : vector<1x16xf32> to vector<16xf32>
        %get3A_99 = arith.index_cast %add3A_80 : i32 to index
        %get3A_100 = arith.constant 16 : index
        %get3A_101 = tpu.vector_load %arg11[%get3A_99, %get3A_100] {strides = array<i32>} : memref<80x128xf32, #tpu.memory_space<vmem>>, vector<1x16xf32>,
        %get3A_102 = vector.shape_cast %get3A_101 : vector<1x16xf32> to vector<16xf32>
        %add3A_103 = arith.addf %get3A_98, %get3A_102 : vector<16xf32>
        %max3A_104 = arith.constant 0.000000e+00 : f32
        %max3A_105 = vector.broadcast %max3A_104 : f32 to vector<16xf32>
        %max3A_106 = arith.maximumf %add3A_103, %max3A_105 : vector<16xf32>
        %swap3A_107 = arith.index_cast %add3A_80 : i32 to index
        %swap3A_108 = arith.constant 16 : index
        %swap3A_109 = tpu.vector_load %arg10[%swap3A_107, %swap3A_108] {strides = array<i32>} : memref<80x128xf32, #tpu.memory_space<vmem>>, vector<1x16xf32>,
        %swap3A_110 = vector.shape_cast %swap3A_109 : vector<1x16xf32> to vector<16xf32>
        %swap3A_111 = vector.shape_cast %max3A_106 : vector<16xf32> to vector<1x16xf32>
        tpu.vector_store %arg10[%swap3A_107, %swap3A_108], %swap3A_111 {strides = array<i32>} : memref<80x128xf32, #tpu.memory_space<vmem>>, vector<1x16xf32>,
        %get3A_112 = arith.index_cast %add3A_80 : i32 to index
        %get3A_113 = arith.constant 32 : index
        %get3A_114 = tpu.vector_load %arg10[%get3A_112, %get3A_113] {strides = array<i32>} : memref<80x128xf32, #tpu.memory_space<vmem>>, vector<1x16xf32>,
        %get3A_115 = vector.shape_cast %get3A_114 : vector<1x16xf32> to vector<16xf32>
        %get3A_116 = arith.index_cast %add3A_80 : i32 to index
        %get3A_117 = arith.constant 32 : index
        %get3A_118 = tpu.vector_load %arg11[%get3A_116, %get3A_117] {strides = array<i32>} : memref<80x128xf32, #tpu.memory_space<vmem>>, vector<1x16xf32>,
        %get3A_119 = vector.shape_cast %get3A_118 : vector<1x16xf32> to vector<16xf32>
        %add3A_120 = arith.addf %get3A_115, %get3A_119 : vector<16xf32>
        %max3A_121 = arith.constant 0.000000e+00 : f32
        %max3A_122 = vector.broadcast %max3A_121 : f32 to vector<16xf32>
        %max3A_123 = arith.maximumf %add3A_120, %max3A_122 : vector<16xf32>
        %swap3A_124 = arith.index_cast %add3A_80 : i32 to index
        %swap3A_125 = arith.constant 32 : index
        %swap3A_126 = tpu.vector_load %arg10[%swap3A_124, %swap3A_125] {strides = array<i32>} : memref<80x128xf32, #tpu.memory_space<vmem>>, vector<1x16xf32>,
        %swap3A_127 = vector.shape_cast %swap3A_126 : vector<1x16xf32> to vector<16xf32>
        %swap3A_128 = vector.shape_cast %max3A_123 : vector<16xf32> to vector<1x16xf32>
        tpu.vector_store %arg10[%swap3A_124, %swap3A_125], %swap3A_128 {strides = array<i32>} : memref<80x128xf32, #tpu.memory_space<vmem>>, vector<1x16xf32>,
        %get3A_129 = arith.index_cast %add3A_80 : i32 to index
        %get3A_130 = arith.constant 48 : index
        %get3A_131 = tpu.vector_load %arg10[%get3A_129, %get3A_130] {strides = array<i32>} : memref<80x128xf32, #tpu.memory_space<vmem>>, vector<1x16xf32>,
        %get3A_132 = vector.shape_cast %get3A_131 : vector<1x16xf32> to vector<16xf32>
        %get3A_133 = arith.index_cast %add3A_80 : i32 to index
        %get3A_134 = arith.constant 48 : index
        %get3A_135 = tpu.vector_load %arg11[%get3A_133, %get3A_134] {strides = array<i32>} : memref<80x128xf32, #tpu.memory_space<vmem>>, vector<1x16xf32>,
        %get3A_136 = vector.shape_cast %get3A_135 : vector<1x16xf32> to vector<16xf32>
        %add3A_137 = arith.addf %get3A_132, %get3A_136 : vector<16xf32>
        %max3A_138 = arith.constant 0.000000e+00 : f32
        %max3A_139 = vector.broadcast %max3A_138 : f32 to vector<16xf32>
        %max3A_140 = arith.maximumf %add3A_137, %max3A_139 : vector<16xf32>
        %swap3A_141 = arith.index_cast %add3A_80 : i32 to index
        %swap3A_142 = arith.constant 48 : index
        %swap3A_143 = tpu.vector_load %arg10[%swap3A_141, %swap3A_142] {strides = array<i32>} : memref<80x128xf32, #tpu.memory_space<vmem>>, vector<1x16xf32>,
        %swap3A_144 = vector.shape_cast %swap3A_143 : vector<1x16xf32> to vector<16xf32>
        %swap3A_145 = vector.shape_cast %max3A_140 : vector<16xf32> to vector<1x16xf32>
        tpu.vector_store %arg10[%swap3A_141, %swap3A_142], %swap3A_145 {strides = array<i32>} : memref<80x128xf32, #tpu.memory_space<vmem>>, vector<1x16xf32>,
        %get3A_146 = arith.index_cast %add3A_80 : i32 to index
        %get3A_147 = arith.constant 64 : index
        %get3A_148 = tpu.vector_load %arg10[%get3A_146, %get3A_147] {strides = array<i32>} : memref<80x128xf32, #tpu.memory_space<vmem>>, vector<1x16xf32>,
        %get3A_149 = vector.shape_cast %get3A_148 : vector<1x16xf32> to vector<16xf32>
        %get3A_150 = arith.index_cast %add3A_80 : i32 to index
        %get3A_151 = arith.constant 64 : index
        %get3A_152 = tpu.vector_load %arg11[%get3A_150, %get3A_151] {strides = array<i32>} : memref<80x128xf32, #tpu.memory_space<vmem>>, vector<1x16xf32>,
        %get3A_153 = vector.shape_cast %get3A_152 : vector<1x16xf32> to vector<16xf32>
        %add3A_154 = arith.addf %get3A_149, %get3A_153 : vector<16xf32>
        %max3A_155 = arith.constant 0.000000e+00 : f32
        %max3A_156 = vector.broadcast %max3A_155 : f32 to vector<16xf32>
        %max3A_157 = arith.maximumf %add3A_154, %max3A_156 : vector<16xf32>
        %swap3A_158 = arith.index_cast %add3A_80 : i32 to index
        %swap3A_159 = arith.constant 64 : index
        %swap3A_160 = tpu.vector_load %arg10[%swap3A_158, %swap3A_159] {strides = array<i32>} : memref<80x128xf32, #tpu.memory_space<vmem>>, vector<1x16xf32>,
        %swap3A_161 = vector.shape_cast %swap3A_160 : vector<1x16xf32> to vector<16xf32>
        %swap3A_162 = vector.shape_cast %max3A_157 : vector<16xf32> to vector<1x16xf32>
        tpu.vector_store %arg10[%swap3A_158, %swap3A_159], %swap3A_162 {strides = array<i32>} : memref<80x128xf32, #tpu.memory_space<vmem>>, vector<1x16xf32>,
        %get3A_163 = arith.index_cast %add3A_80 : i32 to index
        %get3A_164 = arith.constant 80 : index
        %get3A_165 = tpu.vector_load %arg10[%get3A_163, %get3A_164] {strides = array<i32>} : memref<80x128xf32, #tpu.memory_space<vmem>>, vector<1x16xf32>,
        %get3A_166 = vector.shape_cast %get3A_165 : vector<1x16xf32> to vector<16xf32>
        %get3A_167 = arith.index_cast %add3A_80 : i32 to index
        %get3A_168 = arith.constant 80 : index
        %get3A_169 = tpu.vector_load %arg11[%get3A_167, %get3A_168] {strides = array<i32>} : memref<80x128xf32, #tpu.memory_space<vmem>>, vector<1x16xf32>,
        %get3A_170 = vector.shape_cast %get3A_169 : vector<1x16xf32> to vector<16xf32>
        %add3A_171 = arith.addf %get3A_166, %get3A_170 : vector<16xf32>
        %max3A_172 = arith.constant 0.000000e+00 : f32
        %max3A_173 = vector.broadcast %max3A_172 : f32 to vector<16xf32>
        %max3A_174 = arith.maximumf %add3A_171, %max3A_173 : vector<16xf32>
        %swap3A_175 = arith.index_cast %add3A_80 : i32 to index
        %swap3A_176 = arith.constant 80 : index
        %swap3A_177 = tpu.vector_load %arg10[%swap3A_175, %swap3A_176] {strides = array<i32>} : memref<80x128xf32, #tpu.memory_space<vmem>>, vector<1x16xf32>,
        %swap3A_178 = vector.shape_cast %swap3A_177 : vector<1x16xf32> to vector<16xf32>
        %swap3A_179 = vector.shape_cast %max3A_174 : vector<16xf32> to vector<1x16xf32>
        tpu.vector_store %arg10[%swap3A_175, %swap3A_176], %swap3A_179 {strides = array<i32>} : memref<80x128xf32, #tpu.memory_space<vmem>>, vector<1x16xf32>,
        %get3A_180 = arith.index_cast %add3A_80 : i32 to index
        %get3A_181 = arith.constant 96 : index
        %get3A_182 = tpu.vector_load %arg10[%get3A_180, %get3A_181] {strides = array<i32>} : memref<80x128xf32, #tpu.memory_space<vmem>>, vector<1x16xf32>,
        %get3A_183 = vector.shape_cast %get3A_182 : vector<1x16xf32> to vector<16xf32>
        %get3A_184 = arith.index_cast %add3A_80 : i32 to index
        %get3A_185 = arith.constant 96 : index
        %get3A_186 = tpu.vector_load %arg11[%get3A_184, %get3A_185] {strides = array<i32>} : memref<80x128xf32, #tpu.memory_space<vmem>>, vector<1x16xf32>,
        %get3A_187 = vector.shape_cast %get3A_186 : vector<1x16xf32> to vector<16xf32>
        %add3A_188 = arith.addf %get3A_183, %get3A_187 : vector<16xf32>
        %max3A_189 = arith.constant 0.000000e+00 : f32
        %max3A_190 = vector.broadcast %max3A_189 : f32 to vector<16xf32>
        %max3A_191 = arith.maximumf %add3A_188, %max3A_190 : vector<16xf32>
        %swap3A_192 = arith.index_cast %add3A_80 : i32 to index
        %swap3A_193 = arith.constant 96 : index
        %swap3A_194 = tpu.vector_load %arg10[%swap3A_192, %swap3A_193] {strides = array<i32>} : memref<80x128xf32, #tpu.memory_space<vmem>>, vector<1x16xf32>,
        %swap3A_195 = vector.shape_cast %swap3A_194 : vector<1x16xf32> to vector<16xf32>
        %swap3A_196 = vector.shape_cast %max3A_191 : vector<16xf32> to vector<1x16xf32>
        tpu.vector_store %arg10[%swap3A_192, %swap3A_193], %swap3A_196 {strides = array<i32>} : memref<80x128xf32, #tpu.memory_space<vmem>>, vector<1x16xf32>,
        %get3A_197 = arith.index_cast %add3A_80 : i32 to index
        %get3A_198 = arith.constant 112 : index
        %get3A_199 = tpu.vector_load %arg10[%get3A_197, %get3A_198] {strides = array<i32>} : memref<80x128xf32, #tpu.memory_space<vmem>>, vector<1x16xf32>,
        %get3A_200 = vector.shape_cast %get3A_199 : vector<1x16xf32> to vector<16xf32>
        %get3A_201 = arith.index_cast %add3A_80 : i32 to index
        %get3A_202 = arith.constant 112 : index
        %get3A_203 = tpu.vector_load %arg11[%get3A_201, %get3A_202] {strides = array<i32>} : memref<80x128xf32, #tpu.memory_space<vmem>>, vector<1x16xf32>,
        %get3A_204 = vector.shape_cast %get3A_203 : vector<1x16xf32> to vector<16xf32>
        %add3A_205 = arith.addf %get3A_200, %get3A_204 : vector<16xf32>
        %max3A_206 = arith.constant 0.000000e+00 : f32
        %max3A_207 = vector.broadcast %max3A_206 : f32 to vector<16xf32>
        %max3A_208 = arith.maximumf %add3A_205, %max3A_207 : vector<16xf32>
        %swap3A_209 = arith.index_cast %add3A_80 : i32 to index
        %swap3A_210 = arith.constant 112 : index
        %swap3A_211 = tpu.vector_load %arg10[%swap3A_209, %swap3A_210] {strides = array<i32>} : memref<80x128xf32, #tpu.memory_space<vmem>>, vector<1x16xf32>,
        %swap3A_212 = vector.shape_cast %swap3A_211 : vector<1x16xf32> to vector<16xf32>
        %swap3A_213 = vector.shape_cast %max3A_208 : vector<16xf32> to vector<1x16xf32>
        tpu.vector_store %arg10[%swap3A_209, %swap3A_210], %swap3A_213 {strides = array<i32>} : memref<80x128xf32, #tpu.memory_space<vmem>>, vector<1x16xf32>,
      }
      %scan3A_61 = arith.constant 80 : i32
      %dma_start3A_62 = arith.constant 24 : i32
      %dma_start3A_63 = arith.constant 0 : i32
      %dma_start3A_64 = tpu.memref_slice %arg8[%dma_start3A_62, %dma_start3A_63] : memref<25x80xi32, #tpu.memory_space<vmem>> -> memref<1x80xi32, #tpu.memory_space<vmem>>
      %dma_start3A_65 = tpu.memref_squeeze %dma_start3A_64 : memref<1x80xi32, #tpu.memory_space<vmem>> -> memref<80xi32, #tpu.memory_space<vmem>>
      %dma_start3A_66 = arith.constant 0 : i32
      %dma_start3A_67 = arith.constant 0 : i32
      %dma_start3A_68 = tpu.memref_slice %arg14[%dma_start3A_66, %dma_start3A_67] : memref<10240x128xf32, #tpu.memory_space<vmem_shared>> -> memref<10240x128xf32, #tpu.memory_space<vmem_shared>>
      tpu.enqueue_indirect_dma source(%arg10 : memref<80x128xf32, #tpu.memory_space<vmem>>) target(%dma_start3A_68 : memref<10240x128xf32, #tpu.memory_space<vmem_shared>>) offsets(%dma_start3A_65 : memref<80xi32, #tpu.memory_space<vmem>>) semaphore(%arg19 : memref<!tpu.dma_semaphore, #tpu.memory_space<semaphore_mem>>) {add = true}
      %dma_wait3A_69 = arith.constant 24 : i32
      %dma_wait3A_70 = arith.constant 0 : i32
      %dma_wait3A_71 = tpu.memref_slice %arg8[%dma_wait3A_69, %dma_wait3A_70] : memref<25x80xi32, #tpu.memory_space<vmem>> -> memref<1x80xi32, #tpu.memory_space<vmem>>
      %dma_wait3A_72 = tpu.memref_squeeze %dma_wait3A_71 : memref<1x80xi32, #tpu.memory_space<vmem>> -> memref<80xi32, #tpu.memory_space<vmem>>
      %dma_wait3A_73 = arith.constant 0 : i32
      %dma_wait3A_74 = arith.constant 0 : i32
      %dma_wait3A_75 = tpu.memref_slice %arg14[%dma_wait3A_73, %dma_wait3A_74] : memref<10240x128xf32, #tpu.memory_space<vmem_shared>> -> memref<10240x128xf32, #tpu.memory_space<vmem_shared>>
      tpu.wait_indirect_dma semaphore(%arg19 : memref<!tpu.dma_semaphore, #tpu.memory_space<semaphore_mem>>) src(%arg10 : memref<80x128xf32, #tpu.memory_space<vmem>>) dst(%dma_wait3A_75 : memref<10240x128xf32, #tpu.memory_space<vmem_shared>>)
    }
    %scan3A_4 = arith.constant 10 : i32
    %barrier3A_5 = arith.constant 0 : index
    tpu.barrier barrier_id(%barrier3A_5)
    "tpu.region"() ({
      %run_scoped3A = tpu.sem_alloc : memref<!tpu.dma_semaphore, #tpu.memory_space<semaphore_mem>>
      %dma_start3A = arith.constant 0 : i32
      %dma_start3A_6 = arith.constant 0 : i32
      %dma_start3A_7 = tpu.memref_slice %arg7[%arg0, %dma_start3A, %dma_start3A_6] : memref<2x10240x128xf32, #tpu.memory_space<hbm>> -> memref<1x10240x128xf32, #tpu.memory_space<hbm>>
      %dma_start3A_8 = tpu.memref_squeeze %dma_start3A_7 : memref<1x10240x128xf32, #tpu.memory_space<hbm>> -> memref<10240x128xf32, #tpu.memory_space<hbm>>
      %dma_start3A_9 = arith.constant 0 : i32
      %dma_start3A_10 = tpu.memref_slice %dma_start3A_8[%mul3A_0, %dma_start3A_9] : memref<10240x128xf32, #tpu.memory_space<hbm>> -> memref<640x128xf32, #tpu.memory_space<hbm>>
      %dma_start3A_11 = arith.constant 0 : i32
      %dma_start3A_12 = tpu.memref_slice %arg14[%mul3A_0, %dma_start3A_11] : memref<10240x128xf32, #tpu.memory_space<vmem_shared>> -> memref<640x128xf32, #tpu.memory_space<vmem_shared>>
      tpu.enqueue_dma source(%dma_start3A_12 : memref<640x128xf32, #tpu.memory_space<vmem_shared>>) target(%dma_start3A_10 : memref<640x128xf32, #tpu.memory_space<hbm>>) target_semaphore(%run_scoped3A : memref<!tpu.dma_semaphore, #tpu.memory_space<semaphore_mem>>)
      %dma_wait3A = arith.constant 0 : i32
      %dma_wait3A_13 = arith.constant 0 : i32
      %dma_wait3A_14 = tpu.memref_slice %arg7[%arg0, %dma_wait3A, %dma_wait3A_13] : memref<2x10240x128xf32, #tpu.memory_space<hbm>> -> memref<1x10240x128xf32, #tpu.memory_space<hbm>>
      %dma_wait3A_15 = tpu.memref_squeeze %dma_wait3A_14 : memref<1x10240x128xf32, #tpu.memory_space<hbm>> -> memref<10240x128xf32, #tpu.memory_space<hbm>>
      %dma_wait3A_16 = arith.constant 0 : i32
      %dma_wait3A_17 = tpu.memref_slice %dma_wait3A_15[%mul3A_0, %dma_wait3A_16] : memref<10240x128xf32, #tpu.memory_space<hbm>> -> memref<640x128xf32, #tpu.memory_space<hbm>>
      %dma_wait3A_18 = arith.constant 0 : i32
      %dma_wait3A_19 = tpu.memref_slice %arg14[%mul3A_0, %dma_wait3A_18] : memref<10240x128xf32, #tpu.memory_space<vmem_shared>> -> memref<640x128xf32, #tpu.memory_space<vmem_shared>>
      tpu.wait_dma2 semaphore(%run_scoped3A : memref<!tpu.dma_semaphore, #tpu.memory_space<semaphore_mem>>) src(%dma_wait3A_19 : memref<640x128xf32, #tpu.memory_space<vmem_shared>>) dst(%dma_wait3A_17 : memref<640x128xf32, #tpu.memory_space<hbm>>)
      tpu.yield
    }) : () -> ()
    return
  }
}

module attributes {stable_mosaic.version = 14 : i64} {
  func.func @body(%arg0: i32, %arg1: memref<1024x128xf32, #tpu.memory_space<vmem>>, %arg2: memref<256x64xf32, #tpu.memory_space<vmem>>, %arg3: memref<1x128xf32, #tpu.memory_space<vmem>>, %arg4: memref<1024x128xf32, #tpu.memory_space<vmem>>) attributes {dimension_semantics = [#tpu.dimension_semantics<arbitrary>], iteration_bounds = array<i64: 10>, scalar_prefetch = 0 : i64, scratch_operands = 0 : i64, tpu.core_type = #tpu.core_type<tc>, window_params = [{transform_indices = @transform_0, window_bounds = array<i64: 1024, 128>}, {pipeline_mode = #tpu.pipeline_mode<synchronous>, transform_indices = @transform_1, window_bounds = array<i64: 256, 64>}, {pipeline_mode = #tpu.pipeline_mode<synchronous>, transform_indices = @transform_2, window_bounds = array<i64: 1, 128>}, {transform_indices = @transform_3, window_bounds = array<i64: 1024, 128>}]} {
    %get3A = arith.constant 0 : index
    %get3A_0 = arith.constant 0 : index
    %get3A_1 = vector.load %arg1[%get3A, %get3A_0] : memref<1024x128xf32, #tpu.memory_space<vmem>>, vector<1024x128xf32>
    %get3A_2 = arith.constant 0 : index
    %get3A_3 = arith.constant 0 : index
    %get3A_4 = vector.load %arg2[%get3A_2, %get3A_3] : memref<256x64xf32, #tpu.memory_space<vmem>>, vector<128x64xf32>
    %get3A_5 = arith.constant 128 : index
    %get3A_6 = arith.constant 0 : index
    %get3A_7 = vector.load %arg2[%get3A_5, %get3A_6] : memref<256x64xf32, #tpu.memory_space<vmem>>, vector<128x64xf32>
    %sub3A = arith.subf %get3A_4, %get3A_7 : vector<128x64xf32>
    %concatenate3A = tpu.concatenate %sub3A, %get3A_7 in 1 : vector<128x64xf32>, vector<128x64xf32> -> vector<128x128xf32>
    %dot_general3A = arith.constant dense<0.000000e+00> : vector<1024x128xf32>
    %dot_general3A_8 = tpu.matmul %get3A_1, %concatenate3A, %dot_general3A {dimension_numbers = #tpu.dot_dimension_numbers<[1], [0], [0], [1], [0, 0, 1, 1], [], []>, transpose_lhs_hint = false} : vector<1024x128xf32>, vector<128x128xf32>, vector<1024x128xf32> -> vector<1024x128xf32>
    %get3A_9 = arith.constant 0 : index
    %get3A_10 = arith.constant 0 : index
    %get3A_11 = vector.load %arg3[%get3A_9, %get3A_10] : memref<1x128xf32, #tpu.memory_space<vmem>>, vector<1x128xf32>
    %add3A = vector.broadcast %get3A_11 : vector<1x128xf32> to vector<1024x128xf32>
    %add3A_12 = arith.addf %dot_general3A_8, %add3A : vector<1024x128xf32>
    %swap3A = arith.constant 0 : index
    %swap3A_13 = arith.constant 0 : index
    %swap3A_14 = vector.load %arg4[%swap3A, %swap3A_13] : memref<1024x128xf32, #tpu.memory_space<vmem>>, vector<1024x128xf32>
    tpu.vector_store %arg4[%swap3A, %swap3A_13], %add3A_12 {strides = array<i32>} : memref<1024x128xf32, #tpu.memory_space<vmem>>, vector<1024x128xf32>,
    return
  }
  func.func @transform_0(%arg0: i32) -> (i32, i32) {
    %c0_i32 = arith.constant 0 : i32
    %c0_i32_0 = arith.constant 0 : i32
    return %arg0, %c0_i32 : i32, i32
  }
  func.func @transform_1(%arg0: i32) -> (i32, i32) {
    %c0_i32 = arith.constant 0 : i32
    %c0_i32_0 = arith.constant 0 : i32
    %c0_i32_1 = arith.constant 0 : i32
    return %c0_i32, %c0_i32_0 : i32, i32
  }
  func.func @transform_2(%arg0: i32) -> (i32, i32) {
    %c0_i32 = arith.constant 0 : i32
    %c0_i32_0 = arith.constant 0 : i32
    %c0_i32_1 = arith.constant 0 : i32
    return %c0_i32, %c0_i32_0 : i32, i32
  }
  func.func @transform_3(%arg0: i32) -> (i32, i32) {
    %c0_i32 = arith.constant 0 : i32
    %c0_i32_0 = arith.constant 0 : i32
    return %arg0, %c0_i32 : i32, i32
  }
}

module attributes {stable_mosaic.version = 14 : i64} {
  func.func @body(%arg0: i32, %arg1: memref<2x1024x128xf32, #tpu.memory_space<vmem>>, %arg2: memref<128x128xf32, #tpu.memory_space<vmem>>, %arg3: memref<1x256xf32, #tpu.memory_space<vmem>>, %arg4: memref<2x1024x16xf32, #tpu.memory_space<vmem>>, %arg5: memref<2x1024x128xf32, #tpu.memory_space<vmem>>) attributes {dimension_semantics = [#tpu.dimension_semantics<arbitrary>], iteration_bounds = array<i64: 10>, scalar_prefetch = 0 : i64, scratch_operands = 0 : i64, tpu.core_type = #tpu.core_type<tc>, window_params = [{transform_indices = @transform_0, window_bounds = array<i64: 2, 1024, 128>}, {pipeline_mode = #tpu.pipeline_mode<synchronous>, transform_indices = @transform_1, window_bounds = array<i64: 128, 128>}, {pipeline_mode = #tpu.pipeline_mode<synchronous>, transform_indices = @transform_2, window_bounds = array<i64: 1, 256>}, {transform_indices = @transform_3, window_bounds = array<i64: 2, 1024, 16>}, {transform_indices = @transform_4, window_bounds = array<i64: 2, 1024, 128>}]} {
    %get3A = arith.constant 0 : index
    %get3A_0 = arith.constant 0 : index
    %get3A_1 = arith.constant 0 : index
    %get3A_2 = vector.load %arg1[%get3A, %get3A_0, %get3A_1] : memref<2x1024x128xf32, #tpu.memory_space<vmem>>, vector<1x1024x128xf32>
    %get3A_3 = vector.shape_cast %get3A_2 : vector<1x1024x128xf32> to vector<1024x128xf32>
    %get3A_4 = arith.constant 1 : index
    %get3A_5 = arith.constant 0 : index
    %get3A_6 = arith.constant 0 : index
    %get3A_7 = vector.load %arg1[%get3A_4, %get3A_5, %get3A_6] : memref<2x1024x128xf32, #tpu.memory_space<vmem>>, vector<1x1024x128xf32>
    %get3A_8 = vector.shape_cast %get3A_7 : vector<1x1024x128xf32> to vector<1024x128xf32>
    %add3A = arith.addf %get3A_3, %get3A_8 : vector<1024x128xf32>
    %slice3A = vector.extract_strided_slice %add3A {offsets = [0, 0], sizes = [1024, 64], strides = [1, 1]} : vector<1024x128xf32> to vector<1024x64xf32>
    %get3A_9 = arith.constant 0 : index
    %get3A_10 = arith.constant 0 : index
    %get3A_11 = arith.constant 0 : index
    %get3A_12 = vector.load %arg4[%get3A_9, %get3A_10, %get3A_11] : memref<2x1024x16xf32, #tpu.memory_space<vmem>>, vector<1x1024x16xf32>
    %get3A_13 = vector.shape_cast %get3A_12 : vector<1x1024x16xf32> to vector<1024x16xf32>
    %slice3A_14 = vector.extract_strided_slice %get3A_13 {offsets = [0, 0], sizes = [1024, 1], strides = [1, 1]} : vector<1024x16xf32> to vector<1024x1xf32>
    %get3A_15 = arith.constant 1 : index
    %get3A_16 = arith.constant 0 : index
    %get3A_17 = arith.constant 0 : index
    %get3A_18 = vector.load %arg4[%get3A_15, %get3A_16, %get3A_17] : memref<2x1024x16xf32, #tpu.memory_space<vmem>>, vector<1x1024x16xf32>
    %get3A_19 = vector.shape_cast %get3A_18 : vector<1x1024x16xf32> to vector<1024x16xf32>
    %slice3A_20 = vector.extract_strided_slice %get3A_19 {offsets = [0, 0], sizes = [1024, 1], strides = [1, 1]} : vector<1024x16xf32> to vector<1024x1xf32>
    %add3A_21 = arith.addf %slice3A_14, %slice3A_20 : vector<1024x1xf32>
    %max3A = arith.constant 1.000000e+00 : f32
    %max3A_22 = vector.broadcast %max3A : f32 to vector<1024x1xf32>
    %max3A_23 = arith.maximumf %add3A_21, %max3A_22 : vector<1024x1xf32>
    %div3A = arith.constant 1.000000e+00 : f32
    %div3A_24 = vector.broadcast %div3A : f32 to vector<1024x1xf32>
    %div3A_25 = arith.divf %div3A_24, %max3A_23 : vector<1024x1xf32>
    %mul3A = vector.broadcast %div3A_25 : vector<1024x1xf32> to vector<1024x64xf32>
    %mul3A_26 = arith.mulf %slice3A, %mul3A : vector<1024x64xf32>
    %get3A_27 = arith.constant 0 : index
    %get3A_28 = arith.constant 0 : index
    %get3A_29 = vector.load %arg2[%get3A_27, %get3A_28] : memref<128x128xf32, #tpu.memory_space<vmem>>, vector<64x128xf32>
    %get3A_30 = arith.constant 64 : index
    %get3A_31 = arith.constant 0 : index
    %get3A_32 = vector.load %arg2[%get3A_30, %get3A_31] : memref<128x128xf32, #tpu.memory_space<vmem>>, vector<64x128xf32>
    %sub3A = arith.subf %get3A_29, %get3A_32 : vector<64x128xf32>
    %concatenate3A = tpu.concatenate %sub3A, %get3A_32 in 1 : vector<64x128xf32>, vector<64x128xf32> -> vector<64x256xf32>
    %dot_general3A = arith.constant dense<0.000000e+00> : vector<1024x256xf32>
    %dot_general3A_33 = tpu.matmul %mul3A_26, %concatenate3A, %dot_general3A {dimension_numbers = #tpu.dot_dimension_numbers<[1], [0], [0], [1], [0, 0, 1, 1], [], []>, transpose_lhs_hint = false} : vector<1024x64xf32>, vector<64x256xf32>, vector<1024x256xf32> -> vector<1024x256xf32>
    %get3A_34 = arith.constant 0 : index
    %get3A_35 = arith.constant 0 : index
    %get3A_36 = vector.load %arg3[%get3A_34, %get3A_35] : memref<1x256xf32, #tpu.memory_space<vmem>>, vector<1x256xf32>
    %add3A_37 = vector.broadcast %get3A_36 : vector<1x256xf32> to vector<1024x256xf32>
    %add3A_38 = arith.addf %dot_general3A_33, %add3A_37 : vector<1024x256xf32>
    %slice3A_39 = vector.extract_strided_slice %add3A_38 {offsets = [0, 0], sizes = [1024, 64], strides = [1, 1]} : vector<1024x256xf32> to vector<1024x64xf32>
    %slice3A_40 = vector.extract_strided_slice %add3A_38 {offsets = [0, 128], sizes = [1024, 64], strides = [1, 1]} : vector<1024x256xf32> to vector<1024x64xf32>
    %concatenate3A_41 = tpu.concatenate %slice3A_39, %slice3A_40 in 1 : vector<1024x64xf32>, vector<1024x64xf32> -> vector<1024x128xf32>
    %swap3A = arith.constant 0 : index
    %swap3A_42 = arith.constant 0 : index
    %swap3A_43 = arith.constant 0 : index
    %swap3A_44 = vector.load %arg5[%swap3A, %swap3A_42, %swap3A_43] : memref<2x1024x128xf32, #tpu.memory_space<vmem>>, vector<1x1024x128xf32>
    %swap3A_45 = vector.shape_cast %swap3A_44 : vector<1x1024x128xf32> to vector<1024x128xf32>
    %swap3A_46 = vector.shape_cast %concatenate3A_41 : vector<1024x128xf32> to vector<1x1024x128xf32>
    tpu.vector_store %arg5[%swap3A, %swap3A_42, %swap3A_43], %swap3A_46 {strides = array<i32>} : memref<2x1024x128xf32, #tpu.memory_space<vmem>>, vector<1x1024x128xf32>,
    %slice3A_47 = vector.extract_strided_slice %add3A_38 {offsets = [0, 64], sizes = [1024, 64], strides = [1, 1]} : vector<1024x256xf32> to vector<1024x64xf32>
    %slice3A_48 = vector.extract_strided_slice %add3A_38 {offsets = [0, 192], sizes = [1024, 64], strides = [1, 1]} : vector<1024x256xf32> to vector<1024x64xf32>
    %concatenate3A_49 = tpu.concatenate %slice3A_47, %slice3A_48 in 1 : vector<1024x64xf32>, vector<1024x64xf32> -> vector<1024x128xf32>
    %swap3A_50 = arith.constant 1 : index
    %swap3A_51 = arith.constant 0 : index
    %swap3A_52 = arith.constant 0 : index
    %swap3A_53 = vector.load %arg5[%swap3A_50, %swap3A_51, %swap3A_52] : memref<2x1024x128xf32, #tpu.memory_space<vmem>>, vector<1x1024x128xf32>
    %swap3A_54 = vector.shape_cast %swap3A_53 : vector<1x1024x128xf32> to vector<1024x128xf32>
    %swap3A_55 = vector.shape_cast %concatenate3A_49 : vector<1024x128xf32> to vector<1x1024x128xf32>
    tpu.vector_store %arg5[%swap3A_50, %swap3A_51, %swap3A_52], %swap3A_55 {strides = array<i32>} : memref<2x1024x128xf32, #tpu.memory_space<vmem>>, vector<1x1024x128xf32>,
    return
  }
  func.func @transform_0(%arg0: i32) -> (i32, i32, i32) {
    %c0_i32 = arith.constant 0 : i32
    %c0_i32_0 = arith.constant 0 : i32
    %c0_i32_1 = arith.constant 0 : i32
    return %c0_i32, %arg0, %c0_i32_0 : i32, i32, i32
  }
  func.func @transform_1(%arg0: i32) -> (i32, i32) {
    %c0_i32 = arith.constant 0 : i32
    %c0_i32_0 = arith.constant 0 : i32
    %c0_i32_1 = arith.constant 0 : i32
    return %c0_i32, %c0_i32_0 : i32, i32
  }
  func.func @transform_2(%arg0: i32) -> (i32, i32) {
    %c0_i32 = arith.constant 0 : i32
    %c0_i32_0 = arith.constant 0 : i32
    %c0_i32_1 = arith.constant 0 : i32
    return %c0_i32, %c0_i32_0 : i32, i32
  }
  func.func @transform_3(%arg0: i32) -> (i32, i32, i32) {
    %c0_i32 = arith.constant 0 : i32
    %c0_i32_0 = arith.constant 0 : i32
    %c0_i32_1 = arith.constant 0 : i32
    return %c0_i32, %arg0, %c0_i32_0 : i32, i32, i32
  }
  func.func @transform_4(%arg0: i32) -> (i32, i32, i32) {
    %c0_i32 = arith.constant 0 : i32
    %c0_i32_0 = arith.constant 0 : i32
    %c0_i32_1 = arith.constant 0 : i32
    return %c0_i32, %arg0, %c0_i32_0 : i32, i32, i32
  }
}

module attributes {stable_mosaic.version = 14 : i64} {
  func.func @body(%arg0: i32, %arg1: memref<2x1024x128xf32, #tpu.memory_space<vmem>>, %arg2: memref<256x256xf32, #tpu.memory_space<vmem>>, %arg3: memref<1x512xf32, #tpu.memory_space<vmem>>, %arg4: memref<2x1024x16xf32, #tpu.memory_space<vmem>>, %arg5: memref<2x1024x128xf32, #tpu.memory_space<vmem>>, %arg6: memref<2x1024x128xf32, #tpu.memory_space<vmem>>) attributes {dimension_semantics = [#tpu.dimension_semantics<arbitrary>], iteration_bounds = array<i64: 10>, scalar_prefetch = 0 : i64, scratch_operands = 0 : i64, tpu.core_type = #tpu.core_type<tc>, window_params = [{transform_indices = @transform_0, window_bounds = array<i64: 2, 1024, 128>}, {pipeline_mode = #tpu.pipeline_mode<synchronous>, transform_indices = @transform_1, window_bounds = array<i64: 256, 256>}, {pipeline_mode = #tpu.pipeline_mode<synchronous>, transform_indices = @transform_2, window_bounds = array<i64: 1, 512>}, {transform_indices = @transform_3, window_bounds = array<i64: 2, 1024, 16>}, {transform_indices = @transform_4, window_bounds = array<i64: 2, 1024, 128>}, {transform_indices = @transform_5, window_bounds = array<i64: 2, 1024, 128>}]} {
    %get3A = arith.constant 0 : index
    %get3A_0 = arith.constant 0 : index
    %get3A_1 = arith.constant 0 : index
    %get3A_2 = vector.load %arg1[%get3A, %get3A_0, %get3A_1] : memref<2x1024x128xf32, #tpu.memory_space<vmem>>, vector<1x1024x128xf32>
    %get3A_3 = vector.shape_cast %get3A_2 : vector<1x1024x128xf32> to vector<1024x128xf32>
    %slice3A = vector.extract_strided_slice %get3A_3 {offsets = [0, 0], sizes = [1024, 64], strides = [1, 1]} : vector<1024x128xf32> to vector<1024x64xf32>
    %get3A_4 = arith.constant 1 : index
    %get3A_5 = arith.constant 0 : index
    %get3A_6 = arith.constant 0 : index
    %get3A_7 = vector.load %arg1[%get3A_4, %get3A_5, %get3A_6] : memref<2x1024x128xf32, #tpu.memory_space<vmem>>, vector<1x1024x128xf32>
    %get3A_8 = vector.shape_cast %get3A_7 : vector<1x1024x128xf32> to vector<1024x128xf32>
    %slice3A_9 = vector.extract_strided_slice %get3A_8 {offsets = [0, 0], sizes = [1024, 64], strides = [1, 1]} : vector<1024x128xf32> to vector<1024x64xf32>
    %concatenate3A = tpu.concatenate %slice3A, %slice3A_9 in 1 : vector<1024x64xf32>, vector<1024x64xf32> -> vector<1024x128xf32>
    %get3A_10 = arith.constant 0 : index
    %get3A_11 = arith.constant 0 : index
    %get3A_12 = arith.constant 0 : index
    %get3A_13 = vector.load %arg4[%get3A_10, %get3A_11, %get3A_12] : memref<2x1024x16xf32, #tpu.memory_space<vmem>>, vector<1x1024x16xf32>
    %get3A_14 = vector.shape_cast %get3A_13 : vector<1x1024x16xf32> to vector<1024x16xf32>
    %slice3A_15 = vector.extract_strided_slice %get3A_14 {offsets = [0, 0], sizes = [1024, 1], strides = [1, 1]} : vector<1024x16xf32> to vector<1024x1xf32>
    %get3A_16 = arith.constant 1 : index
    %get3A_17 = arith.constant 0 : index
    %get3A_18 = arith.constant 0 : index
    %get3A_19 = vector.load %arg4[%get3A_16, %get3A_17, %get3A_18] : memref<2x1024x16xf32, #tpu.memory_space<vmem>>, vector<1x1024x16xf32>
    %get3A_20 = vector.shape_cast %get3A_19 : vector<1x1024x16xf32> to vector<1024x16xf32>
    %slice3A_21 = vector.extract_strided_slice %get3A_20 {offsets = [0, 0], sizes = [1024, 1], strides = [1, 1]} : vector<1024x16xf32> to vector<1024x1xf32>
    %add3A = arith.addf %slice3A_15, %slice3A_21 : vector<1024x1xf32>
    %max3A = arith.constant 1.000000e+00 : f32
    %max3A_22 = vector.broadcast %max3A : f32 to vector<1024x1xf32>
    %max3A_23 = arith.maximumf %add3A, %max3A_22 : vector<1024x1xf32>
    %div3A = arith.constant 1.000000e+00 : f32
    %div3A_24 = vector.broadcast %div3A : f32 to vector<1024x1xf32>
    %div3A_25 = arith.divf %div3A_24, %max3A_23 : vector<1024x1xf32>
    %mul3A = vector.broadcast %div3A_25 : vector<1024x1xf32> to vector<1024x128xf32>
    %mul3A_26 = arith.mulf %concatenate3A, %mul3A : vector<1024x128xf32>
    %get3A_27 = arith.constant 0 : index
    %get3A_28 = arith.constant 0 : index
    %get3A_29 = vector.load %arg2[%get3A_27, %get3A_28] : memref<256x256xf32, #tpu.memory_space<vmem>>, vector<128x256xf32>
    %get3A_30 = arith.constant 128 : index
    %get3A_31 = arith.constant 0 : index
    %get3A_32 = vector.load %arg2[%get3A_30, %get3A_31] : memref<256x256xf32, #tpu.memory_space<vmem>>, vector<128x256xf32>
    %sub3A = arith.subf %get3A_29, %get3A_32 : vector<128x256xf32>
    %concatenate3A_33 = tpu.concatenate %sub3A, %get3A_32 in 1 : vector<128x256xf32>, vector<128x256xf32> -> vector<128x512xf32>
    %dot_general3A = arith.constant dense<0.000000e+00> : vector<1024x512xf32>
    %dot_general3A_34 = tpu.matmul %mul3A_26, %concatenate3A_33, %dot_general3A {dimension_numbers = #tpu.dot_dimension_numbers<[1], [0], [0], [1], [0, 0, 1, 1], [], []>, transpose_lhs_hint = false} : vector<1024x128xf32>, vector<128x512xf32>, vector<1024x512xf32> -> vector<1024x512xf32>
    %get3A_35 = arith.constant 0 : index
    %get3A_36 = arith.constant 0 : index
    %get3A_37 = vector.load %arg3[%get3A_35, %get3A_36] : memref<1x512xf32, #tpu.memory_space<vmem>>, vector<1x512xf32>
    %add3A_38 = vector.broadcast %get3A_37 : vector<1x512xf32> to vector<1024x512xf32>
    %add3A_39 = arith.addf %dot_general3A_34, %add3A_38 : vector<1024x512xf32>
    %slice3A_40 = vector.extract_strided_slice %add3A_39 {offsets = [0, 0], sizes = [1024, 128], strides = [1, 1]} : vector<1024x512xf32> to vector<1024x128xf32>
    %swap3A = arith.constant 0 : index
    %swap3A_41 = arith.constant 0 : index
    %swap3A_42 = arith.constant 0 : index
    %swap3A_43 = vector.load %arg5[%swap3A, %swap3A_41, %swap3A_42] : memref<2x1024x128xf32, #tpu.memory_space<vmem>>, vector<1x1024x128xf32>
    %swap3A_44 = vector.shape_cast %swap3A_43 : vector<1x1024x128xf32> to vector<1024x128xf32>
    %swap3A_45 = vector.shape_cast %slice3A_40 : vector<1024x128xf32> to vector<1x1024x128xf32>
    tpu.vector_store %arg5[%swap3A, %swap3A_41, %swap3A_42], %swap3A_45 {strides = array<i32>} : memref<2x1024x128xf32, #tpu.memory_space<vmem>>, vector<1x1024x128xf32>,
    %slice3A_46 = vector.extract_strided_slice %add3A_39 {offsets = [0, 128], sizes = [1024, 128], strides = [1, 1]} : vector<1024x512xf32> to vector<1024x128xf32>
    %swap3A_47 = arith.constant 1 : index
    %swap3A_48 = arith.constant 0 : index
    %swap3A_49 = arith.constant 0 : index
    %swap3A_50 = vector.load %arg5[%swap3A_47, %swap3A_48, %swap3A_49] : memref<2x1024x128xf32, #tpu.memory_space<vmem>>, vector<1x1024x128xf32>
    %swap3A_51 = vector.shape_cast %swap3A_50 : vector<1x1024x128xf32> to vector<1024x128xf32>
    %swap3A_52 = vector.shape_cast %slice3A_46 : vector<1024x128xf32> to vector<1x1024x128xf32>
    tpu.vector_store %arg5[%swap3A_47, %swap3A_48, %swap3A_49], %swap3A_52 {strides = array<i32>} : memref<2x1024x128xf32, #tpu.memory_space<vmem>>, vector<1x1024x128xf32>,
    %slice3A_53 = vector.extract_strided_slice %add3A_39 {offsets = [0, 256], sizes = [1024, 128], strides = [1, 1]} : vector<1024x512xf32> to vector<1024x128xf32>
    %swap3A_54 = arith.constant 0 : index
    %swap3A_55 = arith.constant 0 : index
    %swap3A_56 = arith.constant 0 : index
    %swap3A_57 = vector.load %arg6[%swap3A_54, %swap3A_55, %swap3A_56] : memref<2x1024x128xf32, #tpu.memory_space<vmem>>, vector<1x1024x128xf32>
    %swap3A_58 = vector.shape_cast %swap3A_57 : vector<1x1024x128xf32> to vector<1024x128xf32>
    %swap3A_59 = vector.shape_cast %slice3A_53 : vector<1024x128xf32> to vector<1x1024x128xf32>
    tpu.vector_store %arg6[%swap3A_54, %swap3A_55, %swap3A_56], %swap3A_59 {strides = array<i32>} : memref<2x1024x128xf32, #tpu.memory_space<vmem>>, vector<1x1024x128xf32>,
    %slice3A_60 = vector.extract_strided_slice %add3A_39 {offsets = [0, 384], sizes = [1024, 128], strides = [1, 1]} : vector<1024x512xf32> to vector<1024x128xf32>
    %swap3A_61 = arith.constant 1 : index
    %swap3A_62 = arith.constant 0 : index
    %swap3A_63 = arith.constant 0 : index
    %swap3A_64 = vector.load %arg6[%swap3A_61, %swap3A_62, %swap3A_63] : memref<2x1024x128xf32, #tpu.memory_space<vmem>>, vector<1x1024x128xf32>
    %swap3A_65 = vector.shape_cast %swap3A_64 : vector<1x1024x128xf32> to vector<1024x128xf32>
    %swap3A_66 = vector.shape_cast %slice3A_60 : vector<1024x128xf32> to vector<1x1024x128xf32>
    tpu.vector_store %arg6[%swap3A_61, %swap3A_62, %swap3A_63], %swap3A_66 {strides = array<i32>} : memref<2x1024x128xf32, #tpu.memory_space<vmem>>, vector<1x1024x128xf32>,
    return
  }
  func.func @transform_0(%arg0: i32) -> (i32, i32, i32) {
    %c0_i32 = arith.constant 0 : i32
    %c0_i32_0 = arith.constant 0 : i32
    %c0_i32_1 = arith.constant 0 : i32
    return %c0_i32, %arg0, %c0_i32_0 : i32, i32, i32
  }
  func.func @transform_1(%arg0: i32) -> (i32, i32) {
    %c0_i32 = arith.constant 0 : i32
    %c0_i32_0 = arith.constant 0 : i32
    %c0_i32_1 = arith.constant 0 : i32
    return %c0_i32, %c0_i32_0 : i32, i32
  }
  func.func @transform_2(%arg0: i32) -> (i32, i32) {
    %c0_i32 = arith.constant 0 : i32
    %c0_i32_0 = arith.constant 0 : i32
    %c0_i32_1 = arith.constant 0 : i32
    return %c0_i32, %c0_i32_0 : i32, i32
  }
  func.func @transform_3(%arg0: i32) -> (i32, i32, i32) {
    %c0_i32 = arith.constant 0 : i32
    %c0_i32_0 = arith.constant 0 : i32
    %c0_i32_1 = arith.constant 0 : i32
    return %c0_i32, %arg0, %c0_i32_0 : i32, i32, i32
  }
  func.func @transform_4(%arg0: i32) -> (i32, i32, i32) {
    %c0_i32 = arith.constant 0 : i32
    %c0_i32_0 = arith.constant 0 : i32
    %c0_i32_1 = arith.constant 0 : i32
    return %c0_i32, %arg0, %c0_i32_0 : i32, i32, i32
  }
  func.func @transform_5(%arg0: i32) -> (i32, i32, i32) {
    %c0_i32 = arith.constant 0 : i32
    %c0_i32_0 = arith.constant 0 : i32
    %c0_i32_1 = arith.constant 0 : i32
    return %c0_i32, %arg0, %c0_i32_0 : i32, i32, i32
  }
}

module attributes {stable_mosaic.version = 14 : i64} {
  func.func @body(%arg0: i32, %arg1: memref<2x1024x128xf32, #tpu.memory_space<vmem>>, %arg2: memref<2x1024x16xf32, #tpu.memory_space<vmem>>, %arg3: memref<256x256xf32, #tpu.memory_space<vmem>>, %arg4: memref<1x256xf32, #tpu.memory_space<vmem>>, %arg5: memref<1x256xf32, #tpu.memory_space<vmem>>, %arg6: memref<1x1xf32, #tpu.memory_space<vmem>>, %arg7: memref<1024x1xf32, #tpu.memory_space<vmem>>) attributes {dimension_semantics = [#tpu.dimension_semantics<arbitrary>], iteration_bounds = array<i64: 10>, scalar_prefetch = 0 : i64, scratch_operands = 0 : i64, tpu.core_type = #tpu.core_type<tc>, window_params = [{transform_indices = @transform_0, window_bounds = array<i64: 2, 1024, 128>}, {transform_indices = @transform_1, window_bounds = array<i64: 2, 1024, 16>}, {pipeline_mode = #tpu.pipeline_mode<synchronous>, transform_indices = @transform_2, window_bounds = array<i64: 256, 256>}, {pipeline_mode = #tpu.pipeline_mode<synchronous>, transform_indices = @transform_3, window_bounds = array<i64: 1, 256>}, {pipeline_mode = #tpu.pipeline_mode<synchronous>, transform_indices = @transform_4, window_bounds = array<i64: 1, 256>}, {pipeline_mode = #tpu.pipeline_mode<synchronous>, transform_indices = @transform_5, window_bounds = array<i64: 1, 1>}, {transform_indices = @transform_6, window_bounds = array<i64: 1024, 1>}]} {
    %get3A = arith.constant 0 : index
    %get3A_0 = arith.constant 0 : index
    %get3A_1 = arith.constant 0 : index
    %get3A_2 = vector.load %arg1[%get3A, %get3A_0, %get3A_1] : memref<2x1024x128xf32, #tpu.memory_space<vmem>>, vector<1x1024x128xf32>
    %get3A_3 = vector.shape_cast %get3A_2 : vector<1x1024x128xf32> to vector<1024x128xf32>
    %get3A_4 = arith.constant 1 : index
    %get3A_5 = arith.constant 0 : index
    %get3A_6 = arith.constant 0 : index
    %get3A_7 = vector.load %arg1[%get3A_4, %get3A_5, %get3A_6] : memref<2x1024x128xf32, #tpu.memory_space<vmem>>, vector<1x1024x128xf32>
    %get3A_8 = vector.shape_cast %get3A_7 : vector<1x1024x128xf32> to vector<1024x128xf32>
    %concatenate3A = tpu.concatenate %get3A_3, %get3A_8 in 1 : vector<1024x128xf32>, vector<1024x128xf32> -> vector<1024x256xf32>
    %get3A_9 = arith.constant 0 : index
    %get3A_10 = arith.constant 0 : index
    %get3A_11 = arith.constant 0 : index
    %get3A_12 = vector.load %arg2[%get3A_9, %get3A_10, %get3A_11] : memref<2x1024x16xf32, #tpu.memory_space<vmem>>, vector<1x1024x16xf32>
    %get3A_13 = vector.shape_cast %get3A_12 : vector<1x1024x16xf32> to vector<1024x16xf32>
    %slice3A = vector.extract_strided_slice %get3A_13 {offsets = [0, 0], sizes = [1024, 1], strides = [1, 1]} : vector<1024x16xf32> to vector<1024x1xf32>
    %get3A_14 = arith.constant 1 : index
    %get3A_15 = arith.constant 0 : index
    %get3A_16 = arith.constant 0 : index
    %get3A_17 = vector.load %arg2[%get3A_14, %get3A_15, %get3A_16] : memref<2x1024x16xf32, #tpu.memory_space<vmem>>, vector<1x1024x16xf32>
    %get3A_18 = vector.shape_cast %get3A_17 : vector<1x1024x16xf32> to vector<1024x16xf32>
    %slice3A_19 = vector.extract_strided_slice %get3A_18 {offsets = [0, 0], sizes = [1024, 1], strides = [1, 1]} : vector<1024x16xf32> to vector<1024x1xf32>
    %add3A = arith.addf %slice3A, %slice3A_19 : vector<1024x1xf32>
    %max3A = arith.constant 1.000000e+00 : f32
    %max3A_20 = vector.broadcast %max3A : f32 to vector<1024x1xf32>
    %max3A_21 = arith.maximumf %add3A, %max3A_20 : vector<1024x1xf32>
    %div3A = arith.constant 1.000000e+00 : f32
    %div3A_22 = vector.broadcast %div3A : f32 to vector<1024x1xf32>
    %div3A_23 = arith.divf %div3A_22, %max3A_21 : vector<1024x1xf32>
    %mul3A = vector.broadcast %div3A_23 : vector<1024x1xf32> to vector<1024x256xf32>
    %mul3A_24 = arith.mulf %concatenate3A, %mul3A : vector<1024x256xf32>
    %get3A_25 = arith.constant 0 : index
    %get3A_26 = arith.constant 0 : index
    %get3A_27 = vector.load %arg3[%get3A_25, %get3A_26] : memref<256x256xf32, #tpu.memory_space<vmem>>, vector<256x256xf32>
    %dot_general3A = arith.constant dense<0.000000e+00> : vector<1024x256xf32>
    %dot_general3A_28 = tpu.matmul %mul3A_24, %get3A_27, %dot_general3A {dimension_numbers = #tpu.dot_dimension_numbers<[1], [0], [0], [1], [0, 0, 1, 1], [], []>, transpose_lhs_hint = false} : vector<1024x256xf32>, vector<256x256xf32>, vector<1024x256xf32> -> vector<1024x256xf32>
    %get3A_29 = arith.constant 0 : index
    %get3A_30 = arith.constant 0 : index
    %get3A_31 = vector.load %arg4[%get3A_29, %get3A_30] : memref<1x256xf32, #tpu.memory_space<vmem>>, vector<1x256xf32>
    %add3A_32 = vector.broadcast %get3A_31 : vector<1x256xf32> to vector<1024x256xf32>
    %add3A_33 = arith.addf %dot_general3A_28, %add3A_32 : vector<1024x256xf32>
    %max3A_34 = arith.constant 0.000000e+00 : f32
    %max3A_35 = vector.broadcast %max3A_34 : f32 to vector<1024x256xf32>
    %max3A_36 = arith.maximumf %add3A_33, %max3A_35 : vector<1024x256xf32>
    %get3A_37 = arith.constant 0 : index
    %get3A_38 = arith.constant 0 : index
    %get3A_39 = vector.load %arg5[%get3A_37, %get3A_38] : memref<1x256xf32, #tpu.memory_space<vmem>>, vector<1x256xf32>
    %mul3A_40 = vector.broadcast %get3A_39 : vector<1x256xf32> to vector<1024x256xf32>
    %mul3A_41 = arith.mulf %max3A_36, %mul3A_40 : vector<1024x256xf32>
    %reduce_sum3A = arith.constant dense<0.000000e+00> : vector<1024xf32>
    %reduce_sum3A_42 = vector.multi_reduction <add>, %mul3A_41, %reduce_sum3A [1] : vector<1024x256xf32> to vector<1024xf32>
    %broadcast_in_dim3A = vector.shape_cast %reduce_sum3A_42 : vector<1024xf32> to vector<1024x1xf32>
    %get3A_43 = arith.constant 0 : index
    %get3A_44 = arith.constant 0 : index
    %get3A_45 = vector.load %arg6[%get3A_43, %get3A_44] : memref<1x1xf32, #tpu.memory_space<vmem>>, vector<1x1xf32>
    %get3A_46 = vector.extract %get3A_45[0, 0] : f32 from vector<1x1xf32>
    %add3A_47 = vector.broadcast %get3A_46 : f32 to vector<1024x1xf32>
    %add3A_48 = arith.addf %broadcast_in_dim3A, %add3A_47 : vector<1024x1xf32>
    %neg3A = arith.constant 0.000000e+00 : f32
    %neg3A_49 = vector.broadcast %neg3A : f32 to vector<1024x1xf32>
    %neg3A_50 = arith.subf %neg3A_49, %add3A_48 : vector<1024x1xf32>
    %exp3A = math.exp %neg3A_50 : vector<1024x1xf32>
    %add3A_51 = arith.constant 1.000000e+00 : f32
    %add3A_52 = vector.broadcast %add3A_51 : f32 to vector<1024x1xf32>
    %add3A_53 = arith.addf %add3A_52, %exp3A : vector<1024x1xf32>
    %div3A_54 = arith.constant 1.000000e+00 : f32
    %div3A_55 = vector.broadcast %div3A_54 : f32 to vector<1024x1xf32>
    %div3A_56 = arith.divf %div3A_55, %add3A_53 : vector<1024x1xf32>
    %swap3A = arith.constant 0 : index
    %swap3A_57 = arith.constant 0 : index
    %swap3A_58 = vector.load %arg7[%swap3A, %swap3A_57] : memref<1024x1xf32, #tpu.memory_space<vmem>>, vector<1024x1xf32>
    tpu.vector_store %arg7[%swap3A, %swap3A_57], %div3A_56 {strides = array<i32>} : memref<1024x1xf32, #tpu.memory_space<vmem>>, vector<1024x1xf32>,
    return
  }
  func.func @transform_0(%arg0: i32) -> (i32, i32, i32) {
    %c0_i32 = arith.constant 0 : i32
    %c0_i32_0 = arith.constant 0 : i32
    %c0_i32_1 = arith.constant 0 : i32
    return %c0_i32, %arg0, %c0_i32_0 : i32, i32, i32
  }
  func.func @transform_1(%arg0: i32) -> (i32, i32, i32) {
    %c0_i32 = arith.constant 0 : i32
    %c0_i32_0 = arith.constant 0 : i32
    %c0_i32_1 = arith.constant 0 : i32
    return %c0_i32, %arg0, %c0_i32_0 : i32, i32, i32
  }
  func.func @transform_2(%arg0: i32) -> (i32, i32) {
    %c0_i32 = arith.constant 0 : i32
    %c0_i32_0 = arith.constant 0 : i32
    %c0_i32_1 = arith.constant 0 : i32
    return %c0_i32, %c0_i32_0 : i32, i32
  }
  func.func @transform_3(%arg0: i32) -> (i32, i32) {
    %c0_i32 = arith.constant 0 : i32
    %c0_i32_0 = arith.constant 0 : i32
    %c0_i32_1 = arith.constant 0 : i32
    return %c0_i32, %c0_i32_0 : i32, i32
  }
  func.func @transform_4(%arg0: i32) -> (i32, i32) {
    %c0_i32 = arith.constant 0 : i32
    %c0_i32_0 = arith.constant 0 : i32
    %c0_i32_1 = arith.constant 0 : i32
    return %c0_i32, %c0_i32_0 : i32, i32
  }
  func.func @transform_5(%arg0: i32) -> (i32, i32) {
    %c0_i32 = arith.constant 0 : i32
    %c0_i32_0 = arith.constant 0 : i32
    %c0_i32_1 = arith.constant 0 : i32
    return %c0_i32, %c0_i32_0 : i32, i32
  }
  func.func @transform_6(%arg0: i32) -> (i32, i32) {
    %c0_i32 = arith.constant 0 : i32
    %c0_i32_0 = arith.constant 0 : i32
    return %arg0, %c0_i32 : i32, i32
  }
}

</mosaic_0001>

<sc_bundles>
// kernel: kernel.12.cloned.1.call-start
scs
__scs_entry_jumppad:
0x0: {  	(pc) =	sbr.rel $0x88, $3  }
0x1: {  	(tag) =	ssettag $0x0;
	lr =	simm.s32 $0x1  }
0x2: {  	[smem:$0x3F95] =	sst lr;
	_ =	strace $0xD0000000  }
0x3: {  	_ = 	snop  }
0x4: {  	_ = 	snop  }
0x5: {  	_ = 	snop  }
0x6: {  	_ = 	snop  }
0x7: {  	_ = 	snop  }
__scs_overlays_trampoline_lowered:
0x8: {  	[smem:$0x3FA4] =	sst s0  }
0x9: {  	[smem:$0x3FA5] =	sst s1  }
0xa: {  	[smem:$0x3FA6] =	sst s2  }
0xb: {  	[smem:$0x3FA7] =	sst s3  }
0xc: {  	[smem:$0x3FA8] =	sst s4  }
0xd: {  	[smem:$0x3FA9] =	sst s5  }
0xe: {  	[smem:$0x3FAA] =	sst s6  }
0xf: {  	[smem:$0x3FAB] =	sst s7  }
0x10: {  	[smem:$0x3FAC] =	sst s8  }
0x11: {  	[smem:$0x3FAD] =	sst s9;
	s0 =	simm.s32 @!p0 $0x0  }
0x12: {  	s1 =	sld [smem:$0x3F93];
	s0 =	simm.s32 @p0 $0x1  }
0x13: {  	[smem:$0x3FAE] =	sst s0;
	s0 =	simm.s32 @!p1 $0x0  }
0x14: {  	s2 =	sld [smem:$0x3F92];
	s0 =	simm.s32 @p1 $0x1  }
0x15: {  	[smem:$0x3FAF] =	sst s0;
	s0 =	simm.s32 @!p2 $0x0  }
0x16: {  	s3 =	sld [smem:$0x3FDB];
	s0 =	simm.s32 @p2 $0x1  }
0x17: {  	s4 =	simm.s32 $0x1BF5;
	[smem:$0x3FB1] =	sst s0  }
0x18: {  	s0 =	sld [smem:$0x3F94];
	_ =	swait.ge [sflag:s4], $0x0  }
0x19: {  	s7 =	sld [smem:$0x3F95]  }
0x1a: {  	s8 =	sadd.s32 $0xFFFFE003, lr  }
0x1b: {  	s9 =	sadd.s32 $0xFFFFFEF7, lr;
	s5 =	simm.s32 $0xFFFFFFFF;
	p2 =	slt.u32 s8, $0xFFFFF086  }
0x1c: {  	p1 =	slt.u32 s9, $0xF7A;
	s5 =	simm.s32 @!p2 $0x0  }
0x1d: {  	s5 =	simm.s32 @p1 $0x1;
	p0 =	seq.s32 s7, s2  }
0x1e: {  	s7 =	smul.u32 @!p0 $0xF7A, s2;
	p2 =	seq.s32 @!p0 s5, $0x0  }
0x1f: {  	s9 =	smul.u32 $0xF7A, s1;
	s8 =	simm.s32 @!p0 $0x1BF5;
	p2 =	por !p2, p0  }
0x20: {  	[sflag:s8] =	ssyncset.s32 @!p0 $0xFFFFF086;
	s6 =	sadd.s32 @!p0 s3, s7;
	s7 =	simm.s32 @!p0 $0x108  }
0x21: {  	s3 =	sadd.s32 s3, s9;
	s6 =	sadd.s32 @!p0 $0x88, s6;
	s7 =	simm.s32 @p2 $0x1082  }
0x22: {  	[simem:s7], [sflag:s8] =	dma.local @!p0 [hbm:s6], $0xF7A  }
0x23: {  	s9 =	sor.u32 $0xD0000000, s2;
	s6 =	simm.s32 $0x108;
	_ =	swait.ge @!p0 [sflag:s8], $0x0  }
0x24: {  	s3 =	sadd.s32 $0x88, s3;
	s6 =	simm.s32 @!p1 $0x1082;
	[sflag:s4] =	ssyncset.s32 $0xFFFFF086  }
0x25: {  	[simem:s6], [sflag:s4] =	dma.local [hbm:s3], $0xF7A  }
0x26: {  	[smem:$0x3F95] =	sst s1;
	(tag) =	ssettag s2;
	_ =	strace s9  }
0x27: {  	s1 =	sld [smem:$0x3FA5]  }
0x28: {  	s2 =	sld [smem:$0x3FA6]  }
0x29: {  	s4 =	sld [smem:$0x3FA8]  }
0x2a: {  	p0 =	seq.s32 s5, $0x0;
	s5 =	sld [smem:$0x3FA9]  }
0x2b: {  	s6 =	sld [smem:$0x3FAA]  }
0x2c: {  	s7 =	sld [smem:$0x3FAB]  }
0x2d: {  	s3 =	simm.s32 $0x108;
	s8 =	sld [smem:$0x3FAC]  }
0x2e: {  	s3 =	simm.s32 @!p0 $0x1082;
	s9 =	sld [smem:$0x3FAD]  }
0x2f: {  	lr =	sadd.s32 s0, s3;
	s0 =	sld [smem:$0x3FA4]  }
0x30: {  	s3 =	sld [smem:$0x3FA7]  }
0x31: {  	[smem:$0x3FB0] =	sst s10  }
0x32: {  	s10 =	sld [smem:$0x3FAE];
	_ =	sdelay $0x3  }
0x33: {  	p0 =	seq.s32 s10, $0x1;
	s10 =	sld [smem:$0x3FB0];
	_ =	sdelay $0x3  }
0x34: {  	[smem:$0x3FB0] =	sst s10  }
0x35: {  	s10 =	sld [smem:$0x3FAF];
	_ =	sdelay $0x3  }
0x36: {  	p1 =	seq.s32 s10, $0x1;
	s10 =	sld [smem:$0x3FB0];
	_ =	sdelay $0x3  }
0x37: {  	[smem:$0x3FB0] =	sst s10  }
0x38: {  	s10 =	sld [smem:$0x3FB1]  }
0x39: {  	_ = 	snop;
	(pc) =	sbr.ind lr, $3  }
0x3a: {  	_ = 	snop  }
0x3b: {  	_ = 	snop  }
0x3c: {  	p2 =	seq.s32 s10, $0x1;
	s10 =	sld [smem:$0x3FB0]  }
0x3d: {  	_ =	shalt  }
0x3e: {  	_ =	shalt  }
0x3f: {  	_ =	shalt  }
0x40: {  	_ =	shalt  }
0x41: {  	_ =	shalt  }
0x42: {  	_ =	shalt  }
0x43: {  	_ =	shalt  }
0x44: {  	_ =	shalt  }
0x45: {  	_ =	shalt  }
0x46: {  	_ =	shalt  }
0x47: {  	_ =	shalt  }
0x48: {  	_ =	shalt  }
0x49: {  	_ =	shalt  }
0x4a: {  	_ =	shalt  }
0x4b: {  	_ =	shalt  }
0x4c: {  	_ =	shalt  }
0x4d: {  	_ =	shalt  }
0x4e: {  	_ =	shalt  }
0x4f: {  	_ =	shalt  }
0x50: {  	_ =	shalt  }
0x51: {  	_ =	shalt  }
0x52: {  	_ =	shalt  }
0x53: {  	_ =	shalt  }
0x54: {  	_ =	shalt  }
0x55: {  	_ =	shalt  }
0x56: {  	_ =	shalt  }
0x57: {  	_ =	shalt  }
0x58: {  	_ =	shalt  }
0x59: {  	_ =	shalt  }
0x5a: {  	_ =	shalt  }
0x5b: {  	_ =	shalt  }
0x5c: {  	_ =	shalt  }
0x5d: {  	_ =	shalt  }
0x5e: {  	_ =	shalt  }
0x5f: {  	_ =	shalt  }
0x60: {  	_ =	shalt  }
0x61: {  	_ =	shalt  }
0x62: {  	_ =	shalt  }
0x63: {  	_ =	shalt  }
0x64: {  	_ =	shalt  }
0x65: {  	_ =	shalt  }
0x66: {  	_ =	shalt  }
0x67: {  	_ =	shalt  }
0x68: {  	_ =	shalt  }
0x69: {  	_ =	shalt  }
0x6a: {  	_ =	shalt  }
0x6b: {  	_ =	shalt  }
0x6c: {  	_ =	shalt  }
0x6d: {  	_ =	shalt  }
0x6e: {  	_ =	shalt  }
0x6f: {  	_ =	shalt  }
0x70: {  	_ =	shalt  }
0x71: {  	_ =	shalt  }
0x72: {  	_ =	shalt  }
0x73: {  	_ =	shalt  }
0x74: {  	_ =	shalt  }
0x75: {  	_ =	shalt  }
0x76: {  	_ =	shalt  }
0x77: {  	_ =	shalt  }
0x78: {  	_ =	shalt  }
0x79: {  	_ =	shalt  }
0x7a: {  	_ =	shalt  }
0x7b: {  	_ =	shalt  }
0x7c: {  	_ =	shalt  }
0x7d: {  	_ =	shalt  }
0x7e: {  	_ =	shalt  }
0x7f: {  	_ =	shalt  }
0x80: {  	_ =	shalt  }
0x81: {  	_ =	shalt  }
0x82: {  	_ =	shalt  }
0x83: {  	_ =	shalt  }
0x84: {  	_ =	shalt  }
0x85: {  	_ =	shalt  }
0x86: {  	_ =	shalt  }
0x87: {  	_ =	shalt  }
.Lfunc_end0:
.L_simem_size_0:
called_computation.1_lowered:
.L_overlay_start_0:
0x88: {  	s2 =	sld [smem:$0x3FD9]  }
0x89: {  	s3 =	sld [smem:$0x3FFE];
	_ =	sdelay $0x1  }
0x8a: {  	s1 =	srdreg.scid  }
0x8b: {  	s0 =	sand.u32 $0x1, s1  }
0x8c: {  	s16 =	sshll.u32 s0, $0xA;
	s2 =	sadd.s32 s3, s2  }
0x8d: {  	s2 =	sadd.s32 s2, s16  }
0x8e: {  	[smem:$0x3FBC] =	sst s2  }
0x8f: {  	_ = 	snop  }
0x90: {  	(tm) =	ssettm $0x1  }
0x91: {  	s17 =	sld [smem:$0x3FFB];
	_ =	sdelay $0x3  }
0x92: {  	_ =	strace s17  }
0x93: {  	s2 =	sld [smem:$0x3FFC];
	_ =	sdelay $0x3  }
0x94: {  	_ =	strace s2  }
0x95: {  	s2 =	sld [smem:$0x3FFD];
	_ =	sdelay $0x3  }
0x96: {  	_ =	strace s2  }
0x97: {  	_ =	strace $0x8FFFFFFF  }
0x98: {  	s18 =	sld [smem:$0x3FDB];
	_ =	sdelay $0x1  }
0x99: {  	s19 =	simm.s32 $_scs_section_size  }
0x9a: {  	s4 =	simm.s32 $_size__tile_overlayer_lowered;
	s5 =	simm.s32 $_tile_overlayer_lowered  }
0x9b: {  	s22 =	simm.s32 $0x1BFF;
	s21 =	sshll.u32 s5, $0x1;
	s2 =	sadd.s32 s19, s18  }
0x9c: {  	s6 =	simm.s32 $0x0;
	s20 =	sshll.u32 s4, $0x1;
	s4 =	sadd.s32 s21, s2  }
0x9d: {  	[timem:s6], [sflag:s22] =	dma.local [hbm:s4], s20  }
0x9e: {  	_ =	swait.ge [sflag:s22], s20  }
0x9f: {  	s3 =	ssub.s32 $0x0, s20;
	[sflag:s22] =	ssyncset.done $0x0  }
0xa0: {  	[sflag:s22] =	ssyncadd.s32 s3;
	_ =	sdelay $0x1  }
0xa1: {  	s23 =	simm.s32 $0x1B8B  }
0xa2: {  	_ =	swait.ge [sflag:s23], $0x1  }
0xa3: {  	[sflag:s23] =	ssyncset.done $0x0  }
0xa4: {  	s25 =	simm.s32 $0x1B8E;
	s24 =	sld [smem:$0x3FFE];
	[sflag:s23] =	ssyncadd.s32 $0xFFFFFFFF  }
0xa5: {  	s26 =	simm.s32 $execute0_lowered;
	[smem:$0x3FD2] =	sst s25  }
0xa6: {  	s4 =	sshll.u32 s26, $0x1;
	_ =	strace $0x80000049;
	[dreg:$0x1] =	wrdreg $0xFFFFFFFF  }
0xa7: {  	s28 =	simm.s32 $_size_execute0_lowered;
	s2 =	sadd.s32 s2, s4;
	[dreg:$0x0] =	wrdreg $0x0  }
0xa8: {  	s4 =	sshll.u32 s28, $0x1;
	[dreg:$0x2] =	wrdreg s2  }
0xa9: {  	[dreg:$0x3] =	wrdreg s4  }
0xaa: {  	[dreg:$0x4] =	wrdreg $0xC0  }
0xab: {  	_ =	task [dreg:s6], $0x5FFFF  }
0xac: {  	[dreg:$0x1] =	wrdreg $0xFFFFFFFF  }
0xad: {  	[dreg:$0x0] =	wrdreg $0x60  }
0xae: {  	[dreg:$0x2] =	wrdreg s24  }
0xaf: {  	[dreg:$0x3] =	wrdreg $0xC0000  }
0xb0: {  	[dreg:$0x4] =	wrdreg $0x9  }
0xb1: {  	_ =	task.clear_ibuf [dreg:s6], $0x5FFFF;
	_ =	strace $0x90000049  }
0xb2: {  	s29 =	simm.s32 $0x9;
	_ =	strace $0x8000004B  }
0xb3: {  	_ =	swait.ge [sflag:s29], $0x1  }
0xb4: {  	[sflag:s29] =	ssyncadd.s32 $0xFFFFFFFF  }
0xb5: {  	_ =	strace $0x9000004B  }
0xb6: {  	_ =	sfence  }
0xb7: {  	s30 =	sld [smem:$0x0];
	_ =	sdelay $0x2  }
0xb8: {  	s31 =	sshll.u32 s1, $0xD;
	s1 =	sshrl.u32 s1, $0x2  }
0xb9: {  	s3 =	sand.u32 $0x4000, s31;
	s1 =	sadd.s32 s1, s30  }
0xba: {  	s0 =	sor.u32 s3, s0;
	s1 =	sshll.u32 s1, $0x11  }
0xbb: {  	s0 =	sor.u32 s1, s0  }
0xbc: {  	s0 =	sadd.s32 $0x8F2B, s0  }
0xbd: {  	[sflag:s0] =	ssyncadd.remote.s32 $0x1  }
0xbe: {  	_ =	sfence.sel $0xFFFF  }
0xbf: {  	[dreg:$0x0] =	wrdreg $0xFFFFFFFF;
	(pc) =	sbr.abs _section_cstart, $3  }
0xc0: {  	[dreg:$0x1] =	wrdreg $0xFFFFFFFF  }
0xc1: {  	_ =	task.clear_ibuf [dreg:s6], $0x2FFFF;
	_ =	strace $0x9FFFFFFF  }
0xc2: {  	(tm) =	ssettm $0x7FFFFFFF  }
0xc3: {  	_ =	shalt  }
tec
execute0_lowered:
.L_overlay_start_1:
0x0: {  	(tag) =	ssettag $0x1  }
0x1: {  	s0 =	rddreg [dreg:$0x0]  }
0x2: {  	s2 =	rddreg [dreg:$0x1]  }
0x3: {  	s8 =	stileid.u32;
	s4 =	srdreg.scid  }
0x4: {  	s3 =	simm.s32 $0x0;
	s11 =	simm.s32 $0x7;
	s12 =	simm.s32 $0x1000  }
0x5: {  	s13 =	simm.s32 $0x50;
	s14 =	simm.s32 $0x2000;
	s15 =	simm.s32 $0x4800  }
0x6: {  	s16 =	simm.s32 $0x7000;
	s17 =	simm.s32 $0x9800;
	s18 =	simm.s32 $0x1  }
0x7: {  	s19 =	simm.s32 $0x2;
	s20 =	simm.s32 $0x3;
	s21 =	simm.s32 $0x4  }
0x8: {  	s22 =	simm.s32 $0x5;
	s23 =	simm.s32 $0x6;
	s1 =	smul.u32 $0x1400, s8  }
0x9: {  	s25 =	simm.s32 $0xC00;
	s26 =	simm.s32 $0x1C00;
	s24 =	smul.u32 $0x2800, s8  }
0xa: {  	s4 =	sand.u32 $0x1, s4;
	[smem:$0x7FF] =	sst s3;
	s6 =	smul.u32 $0x50000, s8  }
0xb: {  	s30 =	sshll.u32 s8, $0x6;
	s5 =	smul.u32 $0x28000, s4;
	_ =	strace $0x8000004A  }
0xc: {  	s4 =	ssub.s32 $0x2, s4;
	s1 =	sadd.s32 s1, s0;
	s7 =	sadd.s32 s24, s0  }
0xd: {  	s29 =	sshrl.u32 s4, $0x1;
	s6 =	sshrl.u32 s6, $0x2;
	s0 =	sadd.s32 s5, s0  }
0xe: {  	s9 =	ssub.s32 s4, s29;
	s10 =	sadd.s32 s6, s2;
	s31 =	sadd.s32 $0x52600, s7  }
0xf: {  	s5 =	sor.u32 $0x1C07, s30;
	s6 =	sadd.s32 $0xCA600, s1;
	s7 =	sadd.s32 $0xDE600, s1  }
0x10: {  	[dreg:$0x3] =	wrdreg s31;
	s8 =	sadd.s32 $0x7A600, s0;
	s0 =	sadd.s32 $0xF2600, s0  }
0x11: {  	s9 =	smax.u32 s9, $0x1;
	s10 =	sshrl.u32 s10, $0x3;
	s24 =	sadd.s32 s24, s0  }
.LBB2_1:
0x12: {  	s0 =	rddreg [dreg:$0x3]  }
0x13: {  	[spmem:s10], [sflag:s5] =	dma.local [hbm:s0], $0x2800  }
0x14: {  	_ =	swait.ge [sflag:s11], $0x2800  }
0x15: {  	[sflag:s11] =	ssyncset.done $0x0  }
0x16: {  	[sflag:s11] =	ssyncadd.s32 $0xFFFFD800  }
0x17: {  	s28 =	simm.s32 $0x0;
	[bflag:$0x0] =	sbarrier.arrive $0xFFFF  }
.LBB2_2:
0x18: {  	s0 =	sshll.u32 s28, $0x9  }
0x19: {  	s29 =	simm.s32 $0x0;
	s1 =	sadd.s32 s0, s6  }
0x1a: {  	[tilespmem:s29], [sflag:$0x7] =	stream.linear.gather [hbm4b:s1+s29], $0xC80, $0x38;
	v63 =	vld [tilespmem:$0x0]  }
0x1b: {  	_ =	swait.ge [sflag:s11], $0xC80  }
0x1c: {  	[sflag:s11] =	ssyncset.done $0x0  }
0x1d: {  	s0 =	sadd.s32 s0, s7;
	[sflag:s11] =	ssyncadd.s32 $0xFFFFF380  }
0x1e: {  	[tilespmem:s12], [sflag:$0x7] =	stream.linear.gather [hbm4b:s0+s29], $0xC80, $0x38;
	v63 =	vld [tilespmem:$0x0]  }
0x1f: {  	_ =	swait.ge [sflag:s11], $0xC80  }
0x20: {  	[sflag:s11] =	ssyncset.done $0x0  }
0x21: {  	[sflag:s11] =	ssyncadd.s32 $0xFFFFF380  }
.LBB2_3:
0x22: {  	s31 =	sshll.u32 s29, $0x8  }
0x23: {  	[tilespmem:s14], [sflag:$0x1] =	stream.indirect.gather [hbm4b:s8+s13], $0x80, s31, s13, $0xb8;
	v63 =	vld [tilespmem:$0x0]  }
0x24: {  	s0 =	sadd.s32 $0x1000, s31  }
0x25: {  	[tilespmem:s15], [sflag:$0x2] =	stream.indirect.gather [hbm4b:s8+s13], $0x80, s0, s13, $0xb8;
	v63 =	vld [tilespmem:$0x0]  }
0x26: {  	s30 =	sor.u32 $0x80, s31  }
0x27: {  	[tilespmem:s16], [sflag:$0x3] =	stream.indirect.gather [hbm4b:s8+s13], $0x80, s30, s13, $0xb8;
	v63 =	vld [tilespmem:$0x0]  }
0x28: {  	s4 =	sadd.s32 $0x1080, s31  }
0x29: {  	[tilespmem:s17], [sflag:$0x4] =	stream.indirect.gather [hbm4b:s8+s13], $0x80, s4, s13, $0xb8;
	v63 =	vld [tilespmem:$0x0]  }
0x2a: {  	_ =	swait.ge [sflag:s18], $0x2800  }
0x2b: {  	[sflag:s18] =	ssyncset.done $0x0  }
0x2c: {  	[sflag:s18] =	ssyncadd.s32 $0xFFFFD800  }
0x2d: {  	_ =	swait.ge [sflag:s19], $0x2800  }
0x2e: {  	[sflag:s19] =	ssyncset.done $0x0  }
0x2f: {  	s0 =	simm.s32 $0x0;
	[sflag:s19] =	ssyncadd.s32 $0xFFFFD800  }
0x30: {  	v2 =	vld [tilespmem:s0+$0x4840]  }
0x31: {  	v3 =	vld [tilespmem:s0+$0x4850]  }
0x32: {  	v1 =	vld [tilespmem:s0+$0x4860]  }
0x33: {  	v0 =	vld [tilespmem:s0+$0x4870]  }
0x34: {  	v4 =	vld [tilespmem:s0+$0x2000]  }
0x35: {  	v6 =	vld [tilespmem:s0+$0x2010]  }
0x36: {  	s1 =	simm.s32 $0x200;
	v5 =	vld [tilespmem:s0+$0x2020]  }
.LBB2_4:
0x37: {  	p0 =	sne.s32 s1, $0x9E00;
	v7 =	vld [tilespmem:s0+$0x2030]  }
0x38: {  	s4 =	sshra.s32 s1, $0x2  }
0x39: {  	v4 =	vadd.f32 v2, v4;
	v2 =	vld [tilespmem:s4+$0x4840]  }
0x3a: {  	v6 =	vadd.f32 v3, v6;
	v3 =	vld [tilespmem:s4+$0x4850]  }
.Ltmp0:
0x3b: {  	v4 =	vmax.f32 v4, $0.0e+00;
	v5 =	vadd.f32 v1, v5;
	v1 =	vld [tilespmem:s4+$0x4860];
	(pc) =	sbr.rel @p0 .LBB2_4-.Ltmp0, $4  }
0x3c: {  	[tilespmem:s0+$0x2000] =	vst v4;
	v6 =	vmax.f32 v6, $0.0e+00;
	v7 =	vadd.f32 v0, v7;
	v0 =	vld [tilespmem:s4+$0x4870]  }
0x3d: {  	v4 =	vld [tilespmem:s4+$0x2000];
	[tilespmem:s0+$0x2010] =	vst v6;
	v5 =	vmax.f32 v5, $0.0e+00  }
0x3e: {  	v6 =	vld [tilespmem:s4+$0x2010];
	[tilespmem:s0+$0x2020] =	vst v5;
	v7 =	vmax.f32 v7, $0.0e+00  }
0x3f: {  	s1 =	sadd.s32 $0x200, s1;
	v5 =	vld [tilespmem:s4+$0x2020];
	[tilespmem:s0+$0x2030] =	vst v7;
	s0 =	smov.u32 s4  }
0x40: {  	v7 =	vld [tilespmem:s0+$0x2030];
	_ =	sdelay $0x1  }
0x41: {  	v2 =	vadd.f32 v2, v4  }
0x42: {  	v3 =	vadd.f32 v3, v6  }
0x43: {  	v2 =	vmax.f32 v2, $0.0e+00;
	v1 =	vadd.f32 v1, v5  }
0x44: {  	[tilespmem:s0+$0x2000] =	vst v2;
	v2 =	vmax.f32 v3, $0.0e+00;
	v0 =	vadd.f32 v0, v7  }
0x45: {  	[tilespmem:s0+$0x2010] =	vst v2;
	v1 =	vmax.f32 v1, $0.0e+00  }
0x46: {  	[tilespmem:s0+$0x2020] =	vst v1;
	v0 =	vmax.f32 v0, $0.0e+00  }
0x47: {  	[tilespmem:s0+$0x2030] =	vst v0  }
0x48: {  	[spmem:s2] =	stream.indirect.scatter.add.f32 [tilespmem:s14], [sflag:$0x5], $0x80, s31, s13, $0xb8;
	v63 =	vld [tilespmem:$0x0]  }
0x49: {  	_ =	swait.ge [sflag:s20], $0x2800  }
0x4a: {  	[sflag:s20] =	ssyncset.done $0x0  }
0x4b: {  	[sflag:s20] =	ssyncadd.s32 $0xFFFFD800  }
0x4c: {  	_ =	swait.ge [sflag:s21], $0x2800  }
0x4d: {  	[sflag:s21] =	ssyncset.done $0x0  }
0x4e: {  	s0 =	simm.s32 $0x0;
	[sflag:s21] =	ssyncadd.s32 $0xFFFFD800  }
0x4f: {  	v2 =	vld [tilespmem:s0+$0x9840]  }
0x50: {  	v3 =	vld [tilespmem:s0+$0x9850]  }
0x51: {  	v1 =	vld [tilespmem:s0+$0x9860]  }
0x52: {  	v0 =	vld [tilespmem:s0+$0x9870]  }
0x53: {  	v4 =	vld [tilespmem:s0+$0x7000]  }
0x54: {  	v6 =	vld [tilespmem:s0+$0x7010]  }
0x55: {  	s1 =	simm.s32 $0x200;
	v5 =	vld [tilespmem:s0+$0x7020]  }
.LBB2_6:
0x56: {  	p0 =	sne.s32 s1, $0x9E00;
	v7 =	vld [tilespmem:s0+$0x7030]  }
0x57: {  	s4 =	sshra.s32 s1, $0x2  }
0x58: {  	v4 =	vadd.f32 v2, v4;
	v2 =	vld [tilespmem:s4+$0x9840]  }
0x59: {  	v6 =	vadd.f32 v3, v6;
	v3 =	vld [tilespmem:s4+$0x9850]  }
.Ltmp1:
0x5a: {  	v4 =	vmax.f32 v4, $0.0e+00;
	v5 =	vadd.f32 v1, v5;
	v1 =	vld [tilespmem:s4+$0x9860];
	(pc) =	sbr.rel @p0 .LBB2_6-.Ltmp1, $4  }
0x5b: {  	[tilespmem:s0+$0x7000] =	vst v4;
	v6 =	vmax.f32 v6, $0.0e+00;
	v7 =	vadd.f32 v0, v7;
	v0 =	vld [tilespmem:s4+$0x9870]  }
0x5c: {  	v4 =	vld [tilespmem:s4+$0x7000];
	[tilespmem:s0+$0x7010] =	vst v6;
	v5 =	vmax.f32 v5, $0.0e+00  }
0x5d: {  	v6 =	vld [tilespmem:s4+$0x7010];
	[tilespmem:s0+$0x7020] =	vst v5;
	v7 =	vmax.f32 v7, $0.0e+00  }
0x5e: {  	s1 =	sadd.s32 $0x200, s1;
	v5 =	vld [tilespmem:s4+$0x7020];
	[tilespmem:s0+$0x7030] =	vst v7;
	s0 =	smov.u32 s4  }
0x5f: {  	v7 =	vld [tilespmem:s0+$0x7030];
	_ =	sdelay $0x1  }
0x60: {  	v2 =	vadd.f32 v2, v4  }
0x61: {  	v3 =	vadd.f32 v3, v6  }
0x62: {  	v2 =	vmax.f32 v2, $0.0e+00;
	v1 =	vadd.f32 v1, v5  }
0x63: {  	[tilespmem:s0+$0x7000] =	vst v2;
	v62 =	vmax.f32 v3, $0.0e+00;
	v0 =	vadd.f32 v0, v7  }
0x64: {  	[tilespmem:s0+$0x7010] =	vst v62;
	v1 =	vmax.f32 v1, $0.0e+00  }
0x65: {  	[tilespmem:s0+$0x7020] =	vst v1;
	v0 =	vmax.f32 v0, $0.0e+00  }
0x66: {  	s29 =	sadd.s32 $0x1, s29;
	[tilespmem:s0+$0x7030] =	vst v0  }
0x67: {  	[spmem:s2] =	stream.indirect.scatter.add.f32 [tilespmem:s16], [sflag:$0x6], $0x80, s30, s13, $0xb8;
	v63 =	vld [tilespmem:$0x0]  }
0x68: {  	p0 =	sne.s32 s29, $0xC;
	_ =	swait.ge [sflag:s22], $0x2800  }
.Ltmp2:
0x69: {  	[sflag:s22] =	ssyncset.done $0x0;
	(pc) =	sbr.rel @p0 .LBB2_3-.Ltmp2, $4  }
0x6a: {  	[sflag:s22] =	ssyncadd.s32 $0xFFFFD800  }
0x6b: {  	_ =	swait.ge [sflag:s23], $0x2800  }
0x6c: {  	[sflag:s23] =	ssyncset.done $0x0  }
0x6d: {  	[sflag:s23] =	ssyncadd.s32 $0xFFFFD800  }
0x6e: {  	[tilespmem:s14], [sflag:$0x1] =	stream.indirect.gather [hbm4b:s8+s13], $0x80, s25, s13, $0xb8;
	v63 =	vld [tilespmem:$0x0]  }
0x6f: {  	_ = 	snop  }
0x70: {  	[tilespmem:s15], [sflag:$0x2] =	stream.indirect.gather [hbm4b:s8+s13], $0x80, s26, s13, $0xb8;
	v63 =	vld [tilespmem:$0x0]  }
0x71: {  	_ =	swait.ge [sflag:s18], $0x2800  }
0x72: {  	[sflag:s18] =	ssyncset.done $0x0  }
0x73: {  	[sflag:s18] =	ssyncadd.s32 $0xFFFFD800  }
0x74: {  	_ =	swait.ge [sflag:s19], $0x2800  }
0x75: {  	[sflag:s19] =	ssyncset.done $0x0  }
0x76: {  	s0 =	simm.s32 $0x0;
	[sflag:s19] =	ssyncadd.s32 $0xFFFFD800  }
0x77: {  	v2 =	vld [tilespmem:s0+$0x4840]  }
0x78: {  	v3 =	vld [tilespmem:s0+$0x4850]  }
0x79: {  	v1 =	vld [tilespmem:s0+$0x4860]  }
0x7a: {  	v0 =	vld [tilespmem:s0+$0x4870]  }
0x7b: {  	v4 =	vld [tilespmem:s0+$0x2000]  }
0x7c: {  	v6 =	vld [tilespmem:s0+$0x2010]  }
0x7d: {  	s1 =	simm.s32 $0x200;
	v5 =	vld [tilespmem:s0+$0x2020]  }
.LBB2_9:
0x7e: {  	p0 =	sne.s32 s1, $0x9E00;
	v7 =	vld [tilespmem:s0+$0x2030]  }
0x7f: {  	s4 =	sshra.s32 s1, $0x2  }
0x80: {  	v4 =	vadd.f32 v2, v4;
	v2 =	vld [tilespmem:s4+$0x4840]  }
0x81: {  	v6 =	vadd.f32 v3, v6;
	v3 =	vld [tilespmem:s4+$0x4850]  }
.Ltmp3:
0x82: {  	v4 =	vmax.f32 v4, $0.0e+00;
	v5 =	vadd.f32 v1, v5;
	v1 =	vld [tilespmem:s4+$0x4860];
	(pc) =	sbr.rel @p0 .LBB2_9-.Ltmp3, $4  }
0x83: {  	[tilespmem:s0+$0x2000] =	vst v4;
	v6 =	vmax.f32 v6, $0.0e+00;
	v7 =	vadd.f32 v0, v7;
	v0 =	vld [tilespmem:s4+$0x4870]  }
0x84: {  	v4 =	vld [tilespmem:s4+$0x2000];
	[tilespmem:s0+$0x2010] =	vst v6;
	v5 =	vmax.f32 v5, $0.0e+00  }
0x85: {  	v6 =	vld [tilespmem:s4+$0x2010];
	[tilespmem:s0+$0x2020] =	vst v5;
	v7 =	vmax.f32 v7, $0.0e+00  }
0x86: {  	s1 =	sadd.s32 $0x200, s1;
	v5 =	vld [tilespmem:s4+$0x2020];
	[tilespmem:s0+$0x2030] =	vst v7;
	s0 =	smov.u32 s4  }
0x87: {  	v7 =	vld [tilespmem:s0+$0x2030];
	_ =	sdelay $0x1  }
0x88: {  	v2 =	vadd.f32 v2, v4  }
0x89: {  	v3 =	vadd.f32 v3, v6  }
0x8a: {  	v2 =	vmax.f32 v2, $0.0e+00;
	v1 =	vadd.f32 v1, v5  }
0x8b: {  	[tilespmem:s0+$0x2000] =	vst v2;
	v62 =	vmax.f32 v3, $0.0e+00;
	v0 =	vadd.f32 v0, v7  }
0x8c: {  	s28 =	sadd.s32 $0x1, s28;
	[tilespmem:s0+$0x2010] =	vst v62;
	v1 =	vmax.f32 v1, $0.0e+00  }
0x8d: {  	p0 =	sne.s32 s28, $0xA;
	[tilespmem:s0+$0x2020] =	vst v1;
	v0 =	vmax.f32 v0, $0.0e+00  }
.Ltmp4:
0x8e: {  	[tilespmem:s0+$0x2030] =	vst v0;
	(pc) =	sbr.rel @p0 .LBB2_2-.Ltmp4, $4  }
0x8f: {  	[spmem:s2] =	stream.indirect.scatter.add.f32 [tilespmem:s14], [sflag:$0x5], $0x80, s25, s13, $0xb8;
	v63 =	vld [tilespmem:$0x0]  }
0x90: {  	_ =	swait.ge [sflag:s22], $0x2800  }
0x91: {  	[sflag:s22] =	ssyncset.done $0x0  }
0x92: {  	[sflag:s22] =	ssyncadd.s32 $0xFFFFD800  }
0x93: {  	s3 =	sadd.s32 $0x1, s3  }
0x94: {  	p0 =	sne.s32 s3, s9  }
.Ltmp5:
0x95: {  	[bflag:$0x0] =	sbarrier.arrive $0xFFFF;
	(pc) =	sbr.rel @p0 .LBB2_1-.Ltmp5, $4  }
0x96: {  	[hbm:s24], [sflag:s5] =	dma.local [spmem:s10], $0x2800  }
0x97: {  	_ =	swait.ge [sflag:s11], $0x2800  }
0x98: {  	[sflag:s11] =	ssyncset.done $0x0  }
0x99: {  	[sflag:s11] =	ssyncadd.s32 $0xFFFFD800  }
0x9a: {  	_ =	sfence.sel $0x180000  }
0x9b: {  	[bflag:$0x0] =	sbarrier.arrive $0xFFFF  }
0x9c: {  	_ =	strace $0x9000004A  }
0x9d: {  	s0 =	stileid.u32;
	[bflag:$0x2] =	sbarrier.arrive $0xFFFF  }
0x9e: {  	p0 =	sne.s32 s0, $0x0;
	s0 =	rddreg [dreg:$0x2]  }
0x9f: {  	s0 =	sadd.s32 @!p0 $0x100000, s0  }
0xa0: {  	[sflag:s0] =	ssyncadd.tile.s32 @!p0 $0x1;
	_ =	shalt  }
.Lfunc_end2:
_tile_overlayer_lowered:
.L_overlay_start_2:
0xa1: {  	(tag) =	ssettag $0x2  }
0xa2: {  	s0 =	rddreg [dreg:$0x0];
	s2 =	stileid.u32  }
0xa3: {  	s1 =	rddreg [dreg:$0x1];
	p0 =	sne.s32 s2, $0x0  }
0xa4: {  	s3 =	rddreg [dreg:$0x2];
	[bflag:$0x3] =	sbarrier.arrive $0xFFFF;
	s2 =	simm.s32 @!p0 $0x1C07  }
0xa5: {  	[timem:s3], [sflag:s2] =	dma.local @!p0 [hbm:s0], s1  }
0xa6: {  	s0 =	simm.s32 @!p0 $0x7  }
0xa7: {  	_ =	swait.ge @!p0 [sflag:s0], s1  }
0xa8: {  	s1 =	ssub.s32 @!p0 $0x0, s1;
	[sflag:s0] =	ssyncset.done @!p0 $0x0  }
0xa9: {  	[sflag:s0] =	ssyncadd.s32 @!p0 s1  }
0xaa: {  	[bflag:$0x3] =	sbarrier.arrive $0xFFFF  }
0xab: {  	_ =	shalt  }

// kernel: kernel.15.cloned.1.call-start
scs
__scs_entry_jumppad:
0x0: {  	(pc) =	sbr.rel $0x88, $3  }
0x1: {  	(tag) =	ssettag $0x0;
	lr =	simm.s32 $0x1  }
0x2: {  	[smem:$0x3F95] =	sst lr;
	_ =	strace $0xD0000000  }
0x3: {  	_ = 	snop  }
0x4: {  	_ = 	snop  }
0x5: {  	_ = 	snop  }
0x6: {  	_ = 	snop  }
0x7: {  	_ = 	snop  }
__scs_overlays_trampoline_lowered:
0x8: {  	[smem:$0x3FA4] =	sst s0  }
0x9: {  	[smem:$0x3FA5] =	sst s1  }
0xa: {  	[smem:$0x3FA6] =	sst s2  }
0xb: {  	[smem:$0x3FA7] =	sst s3  }
0xc: {  	[smem:$0x3FA8] =	sst s4  }
0xd: {  	[smem:$0x3FA9] =	sst s5  }
0xe: {  	[smem:$0x3FAA] =	sst s6  }
0xf: {  	[smem:$0x3FAB] =	sst s7  }
0x10: {  	[smem:$0x3FAC] =	sst s8  }
0x11: {  	[smem:$0x3FAD] =	sst s9;
	s0 =	simm.s32 @!p0 $0x0  }
0x12: {  	s1 =	sld [smem:$0x3F93];
	s0 =	simm.s32 @p0 $0x1  }
0x13: {  	[smem:$0x3FAE] =	sst s0;
	s0 =	simm.s32 @!p1 $0x0  }
0x14: {  	s2 =	sld [smem:$0x3F92];
	s0 =	simm.s32 @p1 $0x1  }
0x15: {  	[smem:$0x3FAF] =	sst s0;
	s0 =	simm.s32 @!p2 $0x0  }
0x16: {  	s3 =	sld [smem:$0x3FDB];
	s0 =	simm.s32 @p2 $0x1  }
0x17: {  	s4 =	simm.s32 $0x1BF5;
	[smem:$0x3FB1] =	sst s0  }
0x18: {  	s0 =	sld [smem:$0x3F94];
	_ =	swait.ge [sflag:s4], $0x0  }
0x19: {  	s7 =	sld [smem:$0x3F95]  }
0x1a: {  	s8 =	sadd.s32 $0xFFFFE003, lr  }
0x1b: {  	s9 =	sadd.s32 $0xFFFFFEF7, lr;
	s5 =	simm.s32 $0xFFFFFFFF;
	p2 =	slt.u32 s8, $0xFFFFF086  }
0x1c: {  	p1 =	slt.u32 s9, $0xF7A;
	s5 =	simm.s32 @!p2 $0x0  }
0x1d: {  	s5 =	simm.s32 @p1 $0x1;
	p0 =	seq.s32 s7, s2  }
0x1e: {  	s7 =	smul.u32 @!p0 $0xF7A, s2;
	p2 =	seq.s32 @!p0 s5, $0x0  }
0x1f: {  	s9 =	smul.u32 $0xF7A, s1;
	s8 =	simm.s32 @!p0 $0x1BF5;
	p2 =	por !p2, p0  }
0x20: {  	[sflag:s8] =	ssyncset.s32 @!p0 $0xFFFFF086;
	s6 =	sadd.s32 @!p0 s3, s7;
	s7 =	simm.s32 @!p0 $0x108  }
0x21: {  	s3 =	sadd.s32 s3, s9;
	s6 =	sadd.s32 @!p0 $0x88, s6;
	s7 =	simm.s32 @p2 $0x1082  }
0x22: {  	[simem:s7], [sflag:s8] =	dma.local @!p0 [hbm:s6], $0xF7A  }
0x23: {  	s9 =	sor.u32 $0xD0000000, s2;
	s6 =	simm.s32 $0x108;
	_ =	swait.ge @!p0 [sflag:s8], $0x0  }
0x24: {  	s3 =	sadd.s32 $0x88, s3;
	s6 =	simm.s32 @!p1 $0x1082;
	[sflag:s4] =	ssyncset.s32 $0xFFFFF086  }
0x25: {  	[simem:s6], [sflag:s4] =	dma.local [hbm:s3], $0xF7A  }
0x26: {  	[smem:$0x3F95] =	sst s1;
	(tag) =	ssettag s2;
	_ =	strace s9  }
0x27: {  	s1 =	sld [smem:$0x3FA5]  }
0x28: {  	s2 =	sld [smem:$0x3FA6]  }
0x29: {  	s4 =	sld [smem:$0x3FA8]  }
0x2a: {  	p0 =	seq.s32 s5, $0x0;
	s5 =	sld [smem:$0x3FA9]  }
0x2b: {  	s6 =	sld [smem:$0x3FAA]  }
0x2c: {  	s7 =	sld [smem:$0x3FAB]  }
0x2d: {  	s3 =	simm.s32 $0x108;
	s8 =	sld [smem:$0x3FAC]  }
0x2e: {  	s3 =	simm.s32 @!p0 $0x1082;
	s9 =	sld [smem:$0x3FAD]  }
0x2f: {  	lr =	sadd.s32 s0, s3;
	s0 =	sld [smem:$0x3FA4]  }
0x30: {  	s3 =	sld [smem:$0x3FA7]  }
0x31: {  	[smem:$0x3FB0] =	sst s10  }
0x32: {  	s10 =	sld [smem:$0x3FAE];
	_ =	sdelay $0x3  }
0x33: {  	p0 =	seq.s32 s10, $0x1;
	s10 =	sld [smem:$0x3FB0];
	_ =	sdelay $0x3  }
0x34: {  	[smem:$0x3FB0] =	sst s10  }
0x35: {  	s10 =	sld [smem:$0x3FAF];
	_ =	sdelay $0x3  }
0x36: {  	p1 =	seq.s32 s10, $0x1;
	s10 =	sld [smem:$0x3FB0];
	_ =	sdelay $0x3  }
0x37: {  	[smem:$0x3FB0] =	sst s10  }
0x38: {  	s10 =	sld [smem:$0x3FB1]  }
0x39: {  	_ = 	snop;
	(pc) =	sbr.ind lr, $3  }
0x3a: {  	_ = 	snop  }
0x3b: {  	_ = 	snop  }
0x3c: {  	p2 =	seq.s32 s10, $0x1;
	s10 =	sld [smem:$0x3FB0]  }
0x3d: {  	_ =	shalt  }
0x3e: {  	_ =	shalt  }
0x3f: {  	_ =	shalt  }
0x40: {  	_ =	shalt  }
0x41: {  	_ =	shalt  }
0x42: {  	_ =	shalt  }
0x43: {  	_ =	shalt  }
0x44: {  	_ =	shalt  }
0x45: {  	_ =	shalt  }
0x46: {  	_ =	shalt  }
0x47: {  	_ =	shalt  }
0x48: {  	_ =	shalt  }
0x49: {  	_ =	shalt  }
0x4a: {  	_ =	shalt  }
0x4b: {  	_ =	shalt  }
0x4c: {  	_ =	shalt  }
0x4d: {  	_ =	shalt  }
0x4e: {  	_ =	shalt  }
0x4f: {  	_ =	shalt  }
0x50: {  	_ =	shalt  }
0x51: {  	_ =	shalt  }
0x52: {  	_ =	shalt  }
0x53: {  	_ =	shalt  }
0x54: {  	_ =	shalt  }
0x55: {  	_ =	shalt  }
0x56: {  	_ =	shalt  }
0x57: {  	_ =	shalt  }
0x58: {  	_ =	shalt  }
0x59: {  	_ =	shalt  }
0x5a: {  	_ =	shalt  }
0x5b: {  	_ =	shalt  }
0x5c: {  	_ =	shalt  }
0x5d: {  	_ =	shalt  }
0x5e: {  	_ =	shalt  }
0x5f: {  	_ =	shalt  }
0x60: {  	_ =	shalt  }
0x61: {  	_ =	shalt  }
0x62: {  	_ =	shalt  }
0x63: {  	_ =	shalt  }
0x64: {  	_ =	shalt  }
0x65: {  	_ =	shalt  }
0x66: {  	_ =	shalt  }
0x67: {  	_ =	shalt  }
0x68: {  	_ =	shalt  }
0x69: {  	_ =	shalt  }
0x6a: {  	_ =	shalt  }
0x6b: {  	_ =	shalt  }
0x6c: {  	_ =	shalt  }
0x6d: {  	_ =	shalt  }
0x6e: {  	_ =	shalt  }
0x6f: {  	_ =	shalt  }
0x70: {  	_ =	shalt  }
0x71: {  	_ =	shalt  }
0x72: {  	_ =	shalt  }
0x73: {  	_ =	shalt  }
0x74: {  	_ =	shalt  }
0x75: {  	_ =	shalt  }
0x76: {  	_ =	shalt  }
0x77: {  	_ =	shalt  }
0x78: {  	_ =	shalt  }
0x79: {  	_ =	shalt  }
0x7a: {  	_ =	shalt  }
0x7b: {  	_ =	shalt  }
0x7c: {  	_ =	shalt  }
0x7d: {  	_ =	shalt  }
0x7e: {  	_ =	shalt  }
0x7f: {  	_ =	shalt  }
0x80: {  	_ =	shalt  }
0x81: {  	_ =	shalt  }
0x82: {  	_ =	shalt  }
0x83: {  	_ =	shalt  }
0x84: {  	_ =	shalt  }
0x85: {  	_ =	shalt  }
0x86: {  	_ =	shalt  }
0x87: {  	_ =	shalt  }
.Lfunc_end0:
.L_simem_size_0:
called_computation.2_lowered:
.L_overlay_start_0:
0x88: {  	s2 =	sld [smem:$0x3FD9]  }
0x89: {  	s3 =	sld [smem:$0x3FFE];
	_ =	sdelay $0x1  }
0x8a: {  	s1 =	srdreg.scid  }
0x8b: {  	s0 =	sand.u32 $0x1, s1  }
0x8c: {  	s16 =	sshll.u32 s0, $0xA;
	s2 =	sadd.s32 s3, s2  }
0x8d: {  	s2 =	sadd.s32 s2, s16  }
0x8e: {  	[smem:$0x3FBC] =	sst s2  }
0x8f: {  	_ = 	snop  }
0x90: {  	(tm) =	ssettm $0x1  }
0x91: {  	s17 =	sld [smem:$0x3FFB];
	_ =	sdelay $0x3  }
0x92: {  	_ =	strace s17  }
0x93: {  	s2 =	sld [smem:$0x3FFC];
	_ =	sdelay $0x3  }
0x94: {  	_ =	strace s2  }
0x95: {  	s2 =	sld [smem:$0x3FFD];
	_ =	sdelay $0x3  }
0x96: {  	_ =	strace s2  }
0x97: {  	_ =	strace $0x8FFFFFFF  }
0x98: {  	s18 =	sld [smem:$0x3FDB];
	_ =	sdelay $0x1  }
0x99: {  	s19 =	simm.s32 $_scs_section_size  }
0x9a: {  	s4 =	simm.s32 $_size__tile_overlayer_lowered;
	s5 =	simm.s32 $_tile_overlayer_lowered  }
0x9b: {  	s22 =	simm.s32 $0x1BFF;
	s21 =	sshll.u32 s5, $0x1;
	s2 =	sadd.s32 s19, s18  }
0x9c: {  	s6 =	simm.s32 $0x0;
	s20 =	sshll.u32 s4, $0x1;
	s4 =	sadd.s32 s21, s2  }
0x9d: {  	[timem:s6], [sflag:s22] =	dma.local [hbm:s4], s20  }
0x9e: {  	_ =	swait.ge [sflag:s22], s20  }
0x9f: {  	s3 =	ssub.s32 $0x0, s20;
	[sflag:s22] =	ssyncset.done $0x0  }
0xa0: {  	[sflag:s22] =	ssyncadd.s32 s3;
	_ =	sdelay $0x1  }
0xa1: {  	s23 =	simm.s32 $0x1B8B  }
0xa2: {  	_ =	swait.ge [sflag:s23], $0x1  }
0xa3: {  	[sflag:s23] =	ssyncset.done $0x0  }
0xa4: {  	s25 =	simm.s32 $0x1B8E;
	s24 =	sld [smem:$0x3FFE];
	[sflag:s23] =	ssyncadd.s32 $0xFFFFFFFF  }
0xa5: {  	s26 =	simm.s32 $execute0_lowered;
	[smem:$0x3FD2] =	sst s25  }
0xa6: {  	s4 =	sshll.u32 s26, $0x1;
	_ =	strace $0x8000004C;
	[dreg:$0x1] =	wrdreg $0xFFFFFFFF  }
0xa7: {  	s28 =	simm.s32 $_size_execute0_lowered;
	s2 =	sadd.s32 s2, s4;
	[dreg:$0x0] =	wrdreg $0x0  }
0xa8: {  	s4 =	sshll.u32 s28, $0x1;
	[dreg:$0x2] =	wrdreg s2  }
0xa9: {  	[dreg:$0x3] =	wrdreg s4  }
0xaa: {  	[dreg:$0x4] =	wrdreg $0xC0  }
0xab: {  	_ =	task [dreg:s6], $0x5FFFF  }
0xac: {  	[dreg:$0x1] =	wrdreg $0xFFFFFFFF  }
0xad: {  	[dreg:$0x0] =	wrdreg $0x60  }
0xae: {  	[dreg:$0x2] =	wrdreg s24  }
0xaf: {  	[dreg:$0x3] =	wrdreg $0xC0000  }
0xb0: {  	[dreg:$0x4] =	wrdreg $0x9  }
0xb1: {  	_ =	task.clear_ibuf [dreg:s6], $0x5FFFF;
	_ =	strace $0x9000004C  }
0xb2: {  	s29 =	simm.s32 $0x9;
	_ =	strace $0x8000004E  }
0xb3: {  	_ =	swait.ge [sflag:s29], $0x1  }
0xb4: {  	[sflag:s29] =	ssyncadd.s32 $0xFFFFFFFF  }
0xb5: {  	_ =	strace $0x9000004E  }
0xb6: {  	_ =	sfence  }
0xb7: {  	s30 =	sld [smem:$0x0];
	_ =	sdelay $0x2  }
0xb8: {  	s31 =	sshll.u32 s1, $0xD;
	s1 =	sshrl.u32 s1, $0x2  }
0xb9: {  	s3 =	sand.u32 $0x4000, s31;
	s1 =	sadd.s32 s1, s30  }
0xba: {  	s0 =	sor.u32 s3, s0;
	s1 =	sshll.u32 s1, $0x11  }
0xbb: {  	s0 =	sor.u32 s1, s0  }
0xbc: {  	s0 =	sadd.s32 $0x8F2B, s0  }
0xbd: {  	[sflag:s0] =	ssyncadd.remote.s32 $0x1  }
0xbe: {  	_ =	sfence.sel $0xFFFF  }
0xbf: {  	[dreg:$0x0] =	wrdreg $0xFFFFFFFF;
	(pc) =	sbr.abs _section_cstart, $3  }
0xc0: {  	[dreg:$0x1] =	wrdreg $0xFFFFFFFF  }
0xc1: {  	_ =	task.clear_ibuf [dreg:s6], $0x2FFFF;
	_ =	strace $0x9FFFFFFF  }
0xc2: {  	(tm) =	ssettm $0x7FFFFFFF  }
0xc3: {  	_ =	shalt  }
tec
execute0_lowered:
.L_overlay_start_1:
0x0: {  	(tag) =	ssettag $0x1  }
0x1: {  	s0 =	rddreg [dreg:$0x0]  }
0x2: {  	s2 =	rddreg [dreg:$0x1];
	s9 =	stileid.u32  }
0x3: {  	s4 =	srdreg.scid;
	s3 =	simm.s32 $0x0;
	s12 =	simm.s32 $0x7  }
0x4: {  	s13 =	simm.s32 $0x1000;
	s14 =	simm.s32 $0x50;
	s15 =	simm.s32 $0x2000  }
0x5: {  	s16 =	simm.s32 $0x4800;
	s17 =	simm.s32 $0x7000;
	s18 =	simm.s32 $0x9800  }
0x6: {  	s19 =	simm.s32 $0x1;
	s20 =	simm.s32 $0x2;
	s21 =	simm.s32 $0x3  }
0x7: {  	s22 =	simm.s32 $0x4;
	s23 =	simm.s32 $0x5;
	s1 =	smul.u32 $0x1400, s9  }
0x8: {  	s25 =	simm.s32 $0x6;
	s28 =	simm.s32 $0x1C00;
	s24 =	smul.u32 $0x2800, s9  }
0x9: {  	s4 =	sand.u32 $0x1, s4;
	[smem:$0x7FF] =	sst s3;
	s6 =	smul.u32 $0x50000, s9  }
0xa: {  	s30 =	sshll.u32 s9, $0x6;
	s5 =	smul.u32 $0x28000, s4;
	_ =	strace $0x8000004D  }
0xb: {  	s4 =	ssub.s32 $0x2, s4;
	s1 =	sadd.s32 s1, s0;
	s7 =	sadd.s32 s24, s0  }
0xc: {  	s8 =	sshrl.u32 s4, $0x1;
	s26 =	sshrl.u32 s6, $0x2;
	s0 =	sadd.s32 s5, s0  }
0xd: {  	s4 =	ssub.s32 s4, s8;
	s11 =	sadd.s32 s26, s2;
	s29 =	sadd.s32 $0x52600, s7  }
0xe: {  	s5 =	sor.u32 $0x1C07, s30;
	s6 =	sadd.s32 $0xCA600, s1;
	s7 =	sadd.s32 $0xDE600, s1  }
0xf: {  	s26 =	simm.s32 $0xC00;
	[dreg:$0x3] =	wrdreg s29;
	s8 =	sadd.s32 $0x7A600, s0  }
0x10: {  	s9 =	sadd.s32 $0xF2600, s0;
	s0 =	sadd.s32 $0x142600, s0;
	s31 =	smax.u32 s4, $0x1  }
0x11: {  	s11 =	sshrl.u32 s11, $0x3;
	[dreg:$0x4] =	wrdreg s31;
	s24 =	sadd.s32 s24, s0  }
.LBB2_1:
0x12: {  	s0 =	rddreg [dreg:$0x3]  }
0x13: {  	[spmem:s11], [sflag:s5] =	dma.local [hbm:s0], $0x2800  }
0x14: {  	_ =	swait.ge [sflag:s12], $0x2800  }
0x15: {  	[sflag:s12] =	ssyncset.done $0x0  }
0x16: {  	[sflag:s12] =	ssyncadd.s32 $0xFFFFD800  }
0x17: {  	s29 =	simm.s32 $0x0;
	[bflag:$0x0] =	sbarrier.arrive $0xFFFF  }
.LBB2_2:
0x18: {  	s0 =	sshll.u32 s29, $0x9  }
0x19: {  	s30 =	simm.s32 $0x0;
	s1 =	sadd.s32 s0, s6  }
0x1a: {  	[tilespmem:s30], [sflag:$0x7] =	stream.linear.gather [hbm4b:s1+s30], $0xC80, $0x38;
	v63 =	vld [tilespmem:$0x0]  }
0x1b: {  	_ =	swait.ge [sflag:s12], $0xC80  }
0x1c: {  	[sflag:s12] =	ssyncset.done $0x0  }
0x1d: {  	s0 =	sadd.s32 s0, s7;
	[sflag:s12] =	ssyncadd.s32 $0xFFFFF380  }
0x1e: {  	[tilespmem:s13], [sflag:$0x7] =	stream.linear.gather [hbm4b:s0+s30], $0xC80, $0x38;
	v63 =	vld [tilespmem:$0x0]  }
0x1f: {  	_ =	swait.ge [sflag:s12], $0xC80  }
0x20: {  	[sflag:s12] =	ssyncset.done $0x0  }
0x21: {  	[sflag:s12] =	ssyncadd.s32 $0xFFFFF380  }
.LBB2_3:
0x22: {  	s0 =	sshll.u32 s30, $0x8  }
0x23: {  	[tilespmem:s15], [sflag:$0x1] =	stream.indirect.gather [hbm4b:s8+s14], $0x80, s0, s14, $0xb8;
	v63 =	vld [tilespmem:$0x0]  }
0x24: {  	s1 =	sadd.s32 $0x1000, s0  }
0x25: {  	[tilespmem:s16], [sflag:$0x2] =	stream.indirect.gather [hbm4b:s9+s14], $0x80, s1, s14, $0xb8;
	v63 =	vld [tilespmem:$0x0]  }
0x26: {  	s31 =	sor.u32 $0x80, s0  }
0x27: {  	[tilespmem:s17], [sflag:$0x3] =	stream.indirect.gather [hbm4b:s8+s14], $0x80, s31, s14, $0xb8;
	v63 =	vld [tilespmem:$0x0]  }
0x28: {  	s10 =	sadd.s32 $0x1080, s0  }
0x29: {  	[tilespmem:s18], [sflag:$0x4] =	stream.indirect.gather [hbm4b:s9+s14], $0x80, s10, s14, $0xb8;
	v63 =	vld [tilespmem:$0x0]  }
0x2a: {  	_ =	swait.ge [sflag:s19], $0x2800  }
0x2b: {  	[sflag:s19] =	ssyncset.done $0x0  }
0x2c: {  	[sflag:s19] =	ssyncadd.s32 $0xFFFFD800  }
0x2d: {  	_ =	swait.ge [sflag:s20], $0x2800  }
0x2e: {  	[sflag:s20] =	ssyncset.done $0x0  }
0x2f: {  	s1 =	simm.s32 $0x0;
	[sflag:s20] =	ssyncadd.s32 $0xFFFFD800  }
0x30: {  	v6 =	vld [tilespmem:s1+$0x4800]  }
0x31: {  	v11 =	vld [tilespmem:s1+$0x4810]  }
0x32: {  	v5 =	vld [tilespmem:s1+$0x4820]  }
0x33: {  	v4 =	vld [tilespmem:s1+$0x4830]  }
0x34: {  	v3 =	vld [tilespmem:s1+$0x4840]  }
0x35: {  	v2 =	vld [tilespmem:s1+$0x4850]  }
0x36: {  	v1 =	vld [tilespmem:s1+$0x4860]  }
0x37: {  	v0 =	vld [tilespmem:s1+$0x4870]  }
0x38: {  	v12 =	vld [tilespmem:s1+$0x2000]  }
0x39: {  	v13 =	vld [tilespmem:s1+$0x2010]  }
0x3a: {  	v10 =	vld [tilespmem:s1+$0x2020]  }
0x3b: {  	v9 =	vld [tilespmem:s1+$0x2030]  }
0x3c: {  	v8 =	vld [tilespmem:s1+$0x2040]  }
0x3d: {  	v7 =	vld [tilespmem:s1+$0x2050];
	v12 =	vadd.f32 v6, v12  }
0x3e: {  	s4 =	simm.s32 $0x200;
	v11 =	vadd.f32 v11, v13;
	v6 =	vld [tilespmem:s1+$0x2060]  }
.LBB2_4:
0x3f: {  	s10 =	sshra.s32 s4, $0x2;
	p0 =	sne.s32 s4, $0x9E00;
	v12 =	vmax.f32 v12, $0.0e+00;
	v5 =	vadd.f32 v5, v10;
	v10 =	vld [tilespmem:s1+$0x2070]  }
0x40: {  	v13 =	vld [tilespmem:s10+$0x4800];
	[tilespmem:s1+$0x2000] =	vst v12;
	v11 =	vmax.f32 v11, $0.0e+00;
	v4 =	vadd.f32 v4, v9  }
0x41: {  	v14 =	vld [tilespmem:s10+$0x4810];
	[tilespmem:s1+$0x2010] =	vst v11;
	v9 =	vmax.f32 v5, $0.0e+00;
	v3 =	vadd.f32 v3, v8  }
0x42: {  	v5 =	vld [tilespmem:s10+$0x4820];
	[tilespmem:s1+$0x2020] =	vst v9;
	v8 =	vmax.f32 v4, $0.0e+00;
	v2 =	vadd.f32 v2, v7  }
0x43: {  	v4 =	vld [tilespmem:s10+$0x4830];
	[tilespmem:s1+$0x2030] =	vst v8;
	v7 =	vmax.f32 v3, $0.0e+00;
	v1 =	vadd.f32 v1, v6  }
0x44: {  	v3 =	vld [tilespmem:s10+$0x4840];
	[tilespmem:s1+$0x2040] =	vst v7;
	v6 =	vmax.f32 v2, $0.0e+00;
	v0 =	vadd.f32 v0, v10  }
0x45: {  	v2 =	vld [tilespmem:s10+$0x4850];
	[tilespmem:s1+$0x2050] =	vst v6;
	v6 =	vmax.f32 v1, $0.0e+00  }
0x46: {  	v1 =	vld [tilespmem:s10+$0x4860];
	[tilespmem:s1+$0x2060] =	vst v6;
	v6 =	vmax.f32 v0, $0.0e+00  }
0x47: {  	v0 =	vld [tilespmem:s10+$0x4870];
	[tilespmem:s1+$0x2070] =	vst v6;
	s1 =	smov.u32 s10  }
0x48: {  	v6 =	vld [tilespmem:s1+$0x2000]  }
0x49: {  	v11 =	vld [tilespmem:s1+$0x2010]  }
.Ltmp0:
0x4a: {  	v10 =	vld [tilespmem:s1+$0x2020];
	(pc) =	sbr.rel @p0 .LBB2_4-.Ltmp0, $4  }
0x4b: {  	v9 =	vld [tilespmem:s1+$0x2030]  }
0x4c: {  	v8 =	vld [tilespmem:s1+$0x2040]  }
0x4d: {  	v12 =	vadd.f32 v13, v6;
	v7 =	vld [tilespmem:s1+$0x2050]  }
0x4e: {  	s4 =	sadd.s32 $0x200, s4;
	v11 =	vadd.f32 v14, v11;
	v6 =	vld [tilespmem:s1+$0x2060]  }
0x4f: {  	v12 =	vmax.f32 v12, $0.0e+00;
	v5 =	vadd.f32 v5, v10;
	v10 =	vld [tilespmem:s1+$0x2070]  }
0x50: {  	[tilespmem:s1+$0x2000] =	vst v12;
	v11 =	vmax.f32 v11, $0.0e+00;
	v4 =	vadd.f32 v4, v9  }
0x51: {  	[tilespmem:s1+$0x2010] =	vst v11;
	v5 =	vmax.f32 v5, $0.0e+00;
	v3 =	vadd.f32 v3, v8  }
0x52: {  	[tilespmem:s1+$0x2020] =	vst v5;
	v4 =	vmax.f32 v4, $0.0e+00;
	v2 =	vadd.f32 v2, v7  }
0x53: {  	[tilespmem:s1+$0x2030] =	vst v4;
	v3 =	vmax.f32 v3, $0.0e+00;
	v1 =	vadd.f32 v1, v6  }
0x54: {  	[tilespmem:s1+$0x2040] =	vst v3;
	v2 =	vmax.f32 v2, $0.0e+00;
	v0 =	vadd.f32 v0, v10  }
0x55: {  	[tilespmem:s1+$0x2050] =	vst v2;
	v1 =	vmax.f32 v1, $0.0e+00  }
0x56: {  	[tilespmem:s1+$0x2060] =	vst v1;
	v0 =	vmax.f32 v0, $0.0e+00  }
0x57: {  	[tilespmem:s1+$0x2070] =	vst v0  }
0x58: {  	[spmem:s2] =	stream.indirect.scatter.add.f32 [tilespmem:s15], [sflag:$0x5], $0x80, s0, s14, $0xb8;
	v63 =	vld [tilespmem:$0x0]  }
0x59: {  	_ =	swait.ge [sflag:s21], $0x2800  }
0x5a: {  	[sflag:s21] =	ssyncset.done $0x0  }
0x5b: {  	[sflag:s21] =	ssyncadd.s32 $0xFFFFD800  }
0x5c: {  	_ =	swait.ge [sflag:s22], $0x2800  }
0x5d: {  	[sflag:s22] =	ssyncset.done $0x0  }
0x5e: {  	s0 =	simm.s32 $0x0;
	[sflag:s22] =	ssyncadd.s32 $0xFFFFD800  }
0x5f: {  	v6 =	vld [tilespmem:s0+$0x9800]  }
0x60: {  	v11 =	vld [tilespmem:s0+$0x9810]  }
0x61: {  	v5 =	vld [tilespmem:s0+$0x9820]  }
0x62: {  	v4 =	vld [tilespmem:s0+$0x9830]  }
0x63: {  	v3 =	vld [tilespmem:s0+$0x9840]  }
0x64: {  	v2 =	vld [tilespmem:s0+$0x9850]  }
0x65: {  	v1 =	vld [tilespmem:s0+$0x9860]  }
0x66: {  	v0 =	vld [tilespmem:s0+$0x9870]  }
0x67: {  	v12 =	vld [tilespmem:s0+$0x7000]  }
0x68: {  	v13 =	vld [tilespmem:s0+$0x7010]  }
0x69: {  	v10 =	vld [tilespmem:s0+$0x7020]  }
0x6a: {  	v9 =	vld [tilespmem:s0+$0x7030]  }
0x6b: {  	v8 =	vld [tilespmem:s0+$0x7040]  }
0x6c: {  	v7 =	vld [tilespmem:s0+$0x7050];
	v12 =	vadd.f32 v6, v12  }
0x6d: {  	s1 =	simm.s32 $0x200;
	v11 =	vadd.f32 v11, v13;
	v6 =	vld [tilespmem:s0+$0x7060]  }
.LBB2_6:
0x6e: {  	s4 =	sshra.s32 s1, $0x2;
	p0 =	sne.s32 s1, $0x9E00;
	v12 =	vmax.f32 v12, $0.0e+00;
	v5 =	vadd.f32 v5, v10;
	v10 =	vld [tilespmem:s0+$0x7070]  }
0x6f: {  	v13 =	vld [tilespmem:s4+$0x9800];
	[tilespmem:s0+$0x7000] =	vst v12;
	v11 =	vmax.f32 v11, $0.0e+00;
	v4 =	vadd.f32 v4, v9  }
0x70: {  	v14 =	vld [tilespmem:s4+$0x9810];
	[tilespmem:s0+$0x7010] =	vst v11;
	v9 =	vmax.f32 v5, $0.0e+00;
	v3 =	vadd.f32 v3, v8  }
0x71: {  	v5 =	vld [tilespmem:s4+$0x9820];
	[tilespmem:s0+$0x7020] =	vst v9;
	v8 =	vmax.f32 v4, $0.0e+00;
	v2 =	vadd.f32 v2, v7  }
0x72: {  	v4 =	vld [tilespmem:s4+$0x9830];
	[tilespmem:s0+$0x7030] =	vst v8;
	v7 =	vmax.f32 v3, $0.0e+00;
	v1 =	vadd.f32 v1, v6  }
0x73: {  	v3 =	vld [tilespmem:s4+$0x9840];
	[tilespmem:s0+$0x7040] =	vst v7;
	v6 =	vmax.f32 v2, $0.0e+00;
	v0 =	vadd.f32 v0, v10  }
0x74: {  	v2 =	vld [tilespmem:s4+$0x9850];
	[tilespmem:s0+$0x7050] =	vst v6;
	v6 =	vmax.f32 v1, $0.0e+00  }
0x75: {  	v1 =	vld [tilespmem:s4+$0x9860];
	[tilespmem:s0+$0x7060] =	vst v6;
	v6 =	vmax.f32 v0, $0.0e+00  }
0x76: {  	v0 =	vld [tilespmem:s4+$0x9870];
	[tilespmem:s0+$0x7070] =	vst v6;
	s0 =	smov.u32 s4  }
0x77: {  	v6 =	vld [tilespmem:s0+$0x7000]  }
0x78: {  	v11 =	vld [tilespmem:s0+$0x7010]  }
.Ltmp1:
0x79: {  	v10 =	vld [tilespmem:s0+$0x7020];
	(pc) =	sbr.rel @p0 .LBB2_6-.Ltmp1, $4  }
0x7a: {  	v9 =	vld [tilespmem:s0+$0x7030]  }
0x7b: {  	v8 =	vld [tilespmem:s0+$0x7040]  }
0x7c: {  	v12 =	vadd.f32 v13, v6;
	v7 =	vld [tilespmem:s0+$0x7050]  }
0x7d: {  	s1 =	sadd.s32 $0x200, s1;
	v11 =	vadd.f32 v14, v11;
	v6 =	vld [tilespmem:s0+$0x7060]  }
0x7e: {  	v12 =	vmax.f32 v12, $0.0e+00;
	v5 =	vadd.f32 v5, v10;
	v62 =	vld [tilespmem:s0+$0x7070]  }
0x7f: {  	[tilespmem:s0+$0x7000] =	vst v12;
	v11 =	vmax.f32 v11, $0.0e+00;
	v4 =	vadd.f32 v4, v9  }
0x80: {  	[tilespmem:s0+$0x7010] =	vst v11;
	v5 =	vmax.f32 v5, $0.0e+00;
	v3 =	vadd.f32 v3, v8  }
0x81: {  	[tilespmem:s0+$0x7020] =	vst v5;
	v4 =	vmax.f32 v4, $0.0e+00;
	v2 =	vadd.f32 v2, v7  }
0x82: {  	[tilespmem:s0+$0x7030] =	vst v4;
	v3 =	vmax.f32 v3, $0.0e+00;
	v1 =	vadd.f32 v1, v6  }
0x83: {  	[tilespmem:s0+$0x7040] =	vst v3;
	v2 =	vmax.f32 v2, $0.0e+00;
	v0 =	vadd.f32 v0, v62  }
0x84: {  	[tilespmem:s0+$0x7050] =	vst v2;
	v1 =	vmax.f32 v1, $0.0e+00  }
0x85: {  	[tilespmem:s0+$0x7060] =	vst v1;
	v0 =	vmax.f32 v0, $0.0e+00  }
0x86: {  	s30 =	sadd.s32 $0x1, s30;
	[tilespmem:s0+$0x7070] =	vst v0  }
0x87: {  	[spmem:s2] =	stream.indirect.scatter.add.f32 [tilespmem:s17], [sflag:$0x6], $0x80, s31, s14, $0xb8;
	v63 =	vld [tilespmem:$0x0]  }
0x88: {  	p0 =	sne.s32 s30, $0xC;
	_ =	swait.ge [sflag:s23], $0x2800  }
.Ltmp2:
0x89: {  	[sflag:s23] =	ssyncset.done $0x0;
	(pc) =	sbr.rel @p0 .LBB2_3-.Ltmp2, $4  }
0x8a: {  	[sflag:s23] =	ssyncadd.s32 $0xFFFFD800  }
0x8b: {  	_ =	swait.ge [sflag:s25], $0x2800  }
0x8c: {  	[sflag:s25] =	ssyncset.done $0x0  }
0x8d: {  	[sflag:s25] =	ssyncadd.s32 $0xFFFFD800  }
0x8e: {  	[tilespmem:s15], [sflag:$0x1] =	stream.indirect.gather [hbm4b:s8+s14], $0x80, s26, s14, $0xb8;
	v63 =	vld [tilespmem:$0x0]  }
0x8f: {  	_ = 	snop  }
0x90: {  	[tilespmem:s16], [sflag:$0x2] =	stream.indirect.gather [hbm4b:s9+s14], $0x80, s28, s14, $0xb8;
	v63 =	vld [tilespmem:$0x0]  }
0x91: {  	_ =	swait.ge [sflag:s19], $0x2800  }
0x92: {  	[sflag:s19] =	ssyncset.done $0x0  }
0x93: {  	[sflag:s19] =	ssyncadd.s32 $0xFFFFD800  }
0x94: {  	_ =	swait.ge [sflag:s20], $0x2800  }
0x95: {  	[sflag:s20] =	ssyncset.done $0x0  }
0x96: {  	s0 =	simm.s32 $0x0;
	[sflag:s20] =	ssyncadd.s32 $0xFFFFD800  }
0x97: {  	v6 =	vld [tilespmem:s0+$0x4800]  }
0x98: {  	v11 =	vld [tilespmem:s0+$0x4810]  }
0x99: {  	v5 =	vld [tilespmem:s0+$0x4820]  }
0x9a: {  	v4 =	vld [tilespmem:s0+$0x4830]  }
0x9b: {  	v3 =	vld [tilespmem:s0+$0x4840]  }
0x9c: {  	v2 =	vld [tilespmem:s0+$0x4850]  }
0x9d: {  	v1 =	vld [tilespmem:s0+$0x4860]  }
0x9e: {  	v0 =	vld [tilespmem:s0+$0x4870]  }
0x9f: {  	v12 =	vld [tilespmem:s0+$0x2000]  }
0xa0: {  	v13 =	vld [tilespmem:s0+$0x2010]  }
0xa1: {  	v10 =	vld [tilespmem:s0+$0x2020]  }
0xa2: {  	v9 =	vld [tilespmem:s0+$0x2030]  }
0xa3: {  	v8 =	vld [tilespmem:s0+$0x2040]  }
0xa4: {  	v7 =	vld [tilespmem:s0+$0x2050];
	v12 =	vadd.f32 v6, v12  }
0xa5: {  	s1 =	simm.s32 $0x200;
	v11 =	vadd.f32 v11, v13;
	v6 =	vld [tilespmem:s0+$0x2060]  }
.LBB2_9:
0xa6: {  	s4 =	sshra.s32 s1, $0x2;
	p0 =	sne.s32 s1, $0x9E00;
	v12 =	vmax.f32 v12, $0.0e+00;
	v5 =	vadd.f32 v5, v10;
	v10 =	vld [tilespmem:s0+$0x2070]  }
0xa7: {  	v13 =	vld [tilespmem:s4+$0x4800];
	[tilespmem:s0+$0x2000] =	vst v12;
	v11 =	vmax.f32 v11, $0.0e+00;
	v4 =	vadd.f32 v4, v9  }
0xa8: {  	v14 =	vld [tilespmem:s4+$0x4810];
	[tilespmem:s0+$0x2010] =	vst v11;
	v9 =	vmax.f32 v5, $0.0e+00;
	v3 =	vadd.f32 v3, v8  }
0xa9: {  	v5 =	vld [tilespmem:s4+$0x4820];
	[tilespmem:s0+$0x2020] =	vst v9;
	v8 =	vmax.f32 v4, $0.0e+00;
	v2 =	vadd.f32 v2, v7  }
0xaa: {  	v4 =	vld [tilespmem:s4+$0x4830];
	[tilespmem:s0+$0x2030] =	vst v8;
	v7 =	vmax.f32 v3, $0.0e+00;
	v1 =	vadd.f32 v1, v6  }
0xab: {  	v3 =	vld [tilespmem:s4+$0x4840];
	[tilespmem:s0+$0x2040] =	vst v7;
	v6 =	vmax.f32 v2, $0.0e+00;
	v0 =	vadd.f32 v0, v10  }
0xac: {  	v2 =	vld [tilespmem:s4+$0x4850];
	[tilespmem:s0+$0x2050] =	vst v6;
	v6 =	vmax.f32 v1, $0.0e+00  }
0xad: {  	v1 =	vld [tilespmem:s4+$0x4860];
	[tilespmem:s0+$0x2060] =	vst v6;
	v6 =	vmax.f32 v0, $0.0e+00  }
0xae: {  	v0 =	vld [tilespmem:s4+$0x4870];
	[tilespmem:s0+$0x2070] =	vst v6;
	s0 =	smov.u32 s4  }
0xaf: {  	v6 =	vld [tilespmem:s0+$0x2000]  }
0xb0: {  	v11 =	vld [tilespmem:s0+$0x2010]  }
.Ltmp3:
0xb1: {  	v10 =	vld [tilespmem:s0+$0x2020];
	(pc) =	sbr.rel @p0 .LBB2_9-.Ltmp3, $4  }
0xb2: {  	v9 =	vld [tilespmem:s0+$0x2030]  }
0xb3: {  	v8 =	vld [tilespmem:s0+$0x2040]  }
0xb4: {  	v12 =	vadd.f32 v13, v6;
	v7 =	vld [tilespmem:s0+$0x2050]  }
0xb5: {  	s1 =	sadd.s32 $0x200, s1;
	v11 =	vadd.f32 v14, v11;
	v6 =	vld [tilespmem:s0+$0x2060]  }
0xb6: {  	v12 =	vmax.f32 v12, $0.0e+00;
	v5 =	vadd.f32 v5, v10;
	v62 =	vld [tilespmem:s0+$0x2070]  }
0xb7: {  	[tilespmem:s0+$0x2000] =	vst v12;
	v11 =	vmax.f32 v11, $0.0e+00;
	v4 =	vadd.f32 v4, v9  }
0xb8: {  	[tilespmem:s0+$0x2010] =	vst v11;
	v5 =	vmax.f32 v5, $0.0e+00;
	v3 =	vadd.f32 v3, v8  }
0xb9: {  	[tilespmem:s0+$0x2020] =	vst v5;
	v4 =	vmax.f32 v4, $0.0e+00;
	v2 =	vadd.f32 v2, v7  }
0xba: {  	[tilespmem:s0+$0x2030] =	vst v4;
	v3 =	vmax.f32 v3, $0.0e+00;
	v1 =	vadd.f32 v1, v6  }
0xbb: {  	[tilespmem:s0+$0x2040] =	vst v3;
	v2 =	vmax.f32 v2, $0.0e+00;
	v0 =	vadd.f32 v0, v62  }
0xbc: {  	s29 =	sadd.s32 $0x1, s29;
	[tilespmem:s0+$0x2050] =	vst v2;
	v1 =	vmax.f32 v1, $0.0e+00  }
0xbd: {  	p0 =	sne.s32 s29, $0xA;
	[tilespmem:s0+$0x2060] =	vst v1;
	v0 =	vmax.f32 v0, $0.0e+00  }
.Ltmp4:
0xbe: {  	[tilespmem:s0+$0x2070] =	vst v0;
	(pc) =	sbr.rel @p0 .LBB2_2-.Ltmp4, $4  }
0xbf: {  	[spmem:s2] =	stream.indirect.scatter.add.f32 [tilespmem:s15], [sflag:$0x5], $0x80, s26, s14, $0xb8;
	v63 =	vld [tilespmem:$0x0]  }
0xc0: {  	_ =	swait.ge [sflag:s23], $0x2800  }
0xc1: {  	[sflag:s23] =	ssyncset.done $0x0  }
0xc2: {  	[sflag:s23] =	ssyncadd.s32 $0xFFFFD800  }
0xc3: {  	[bflag:$0x0] =	sbarrier.arrive $0xFFFF  }
0xc4: {  	[hbm:s24], [sflag:s5] =	dma.local [spmem:s11], $0x2800  }
0xc5: {  	_ =	swait.ge [sflag:s12], $0x2800  }
0xc6: {  	s3 =	sadd.s32 $0x1, s3;
	s0 =	rddreg [dreg:$0x4]  }
0xc7: {  	p0 =	sne.s32 s3, s0  }
.Ltmp5:
0xc8: {  	_ = 	snop;
	(pc) =	sbr.rel @p0 .LBB2_1-.Ltmp5, $3  }
0xc9: {  	_ =	sdelay $0x1  }
0xca: {  	[sflag:s12] =	ssyncset.done $0x0  }
0xcb: {  	[sflag:s12] =	ssyncadd.s32 $0xFFFFD800  }
0xcc: {  	_ =	sfence.sel $0x180000  }
0xcd: {  	[bflag:$0x0] =	sbarrier.arrive $0xFFFF  }
0xce: {  	_ =	strace $0x9000004D  }
0xcf: {  	s0 =	stileid.u32;
	[bflag:$0x2] =	sbarrier.arrive $0xFFFF  }
0xd0: {  	p0 =	sne.s32 s0, $0x0;
	s0 =	rddreg [dreg:$0x2]  }
0xd1: {  	s0 =	sadd.s32 @!p0 $0x100000, s0  }
0xd2: {  	[sflag:s0] =	ssyncadd.tile.s32 @!p0 $0x1;
	_ =	shalt  }
.Lfunc_end2:
_tile_overlayer_lowered:
.L_overlay_start_2:
0xd3: {  	(tag) =	ssettag $0x2  }
0xd4: {  	s0 =	rddreg [dreg:$0x0];
	s2 =	stileid.u32  }
0xd5: {  	s1 =	rddreg [dreg:$0x1];
	p0 =	sne.s32 s2, $0x0  }
0xd6: {  	s3 =	rddreg [dreg:$0x2];
	[bflag:$0x3] =	sbarrier.arrive $0xFFFF;
	s2 =	simm.s32 @!p0 $0x1C07  }
0xd7: {  	[timem:s3], [sflag:s2] =	dma.local @!p0 [hbm:s0], s1  }
0xd8: {  	s0 =	simm.s32 @!p0 $0x7  }
0xd9: {  	_ =	swait.ge @!p0 [sflag:s0], s1  }
0xda: {  	s1 =	ssub.s32 @!p0 $0x0, s1;
	[sflag:s0] =	ssyncset.done @!p0 $0x0  }
0xdb: {  	[sflag:s0] =	ssyncadd.s32 @!p0 s1  }
0xdc: {  	[bflag:$0x3] =	sbarrier.arrive $0xFFFF  }
0xdd: {  	_ =	shalt  }

// kernel: kernel.9.cloned.1.call-start
scs
__scs_entry_jumppad:
0x0: {  	(pc) =	sbr.rel $0x88, $3  }
0x1: {  	(tag) =	ssettag $0x0;
	lr =	simm.s32 $0x1  }
0x2: {  	[smem:$0x3F95] =	sst lr;
	_ =	strace $0xD0000000  }
0x3: {  	_ = 	snop  }
0x4: {  	_ = 	snop  }
0x5: {  	_ = 	snop  }
0x6: {  	_ = 	snop  }
0x7: {  	_ = 	snop  }
__scs_overlays_trampoline_lowered:
0x8: {  	[smem:$0x3FA4] =	sst s0  }
0x9: {  	[smem:$0x3FA5] =	sst s1  }
0xa: {  	[smem:$0x3FA6] =	sst s2  }
0xb: {  	[smem:$0x3FA7] =	sst s3  }
0xc: {  	[smem:$0x3FA8] =	sst s4  }
0xd: {  	[smem:$0x3FA9] =	sst s5  }
0xe: {  	[smem:$0x3FAA] =	sst s6  }
0xf: {  	[smem:$0x3FAB] =	sst s7  }
0x10: {  	[smem:$0x3FAC] =	sst s8  }
0x11: {  	[smem:$0x3FAD] =	sst s9;
	s0 =	simm.s32 @!p0 $0x0  }
0x12: {  	s1 =	sld [smem:$0x3F93];
	s0 =	simm.s32 @p0 $0x1  }
0x13: {  	[smem:$0x3FAE] =	sst s0;
	s0 =	simm.s32 @!p1 $0x0  }
0x14: {  	s2 =	sld [smem:$0x3F92];
	s0 =	simm.s32 @p1 $0x1  }
0x15: {  	[smem:$0x3FAF] =	sst s0;
	s0 =	simm.s32 @!p2 $0x0  }
0x16: {  	s3 =	sld [smem:$0x3FDB];
	s0 =	simm.s32 @p2 $0x1  }
0x17: {  	s4 =	simm.s32 $0x1BF5;
	[smem:$0x3FB1] =	sst s0  }
0x18: {  	s0 =	sld [smem:$0x3F94];
	_ =	swait.ge [sflag:s4], $0x0  }
0x19: {  	s7 =	sld [smem:$0x3F95]  }
0x1a: {  	s8 =	sadd.s32 $0xFFFFE003, lr  }
0x1b: {  	s9 =	sadd.s32 $0xFFFFFEF7, lr;
	s5 =	simm.s32 $0xFFFFFFFF;
	p2 =	slt.u32 s8, $0xFFFFF086  }
0x1c: {  	p1 =	slt.u32 s9, $0xF7A;
	s5 =	simm.s32 @!p2 $0x0  }
0x1d: {  	s5 =	simm.s32 @p1 $0x1;
	p0 =	seq.s32 s7, s2  }
0x1e: {  	s7 =	smul.u32 @!p0 $0xF7A, s2;
	p2 =	seq.s32 @!p0 s5, $0x0  }
0x1f: {  	s9 =	smul.u32 $0xF7A, s1;
	s8 =	simm.s32 @!p0 $0x1BF5;
	p2 =	por !p2, p0  }
0x20: {  	[sflag:s8] =	ssyncset.s32 @!p0 $0xFFFFF086;
	s6 =	sadd.s32 @!p0 s3, s7;
	s7 =	simm.s32 @!p0 $0x108  }
0x21: {  	s3 =	sadd.s32 s3, s9;
	s6 =	sadd.s32 @!p0 $0x88, s6;
	s7 =	simm.s32 @p2 $0x1082  }
0x22: {  	[simem:s7], [sflag:s8] =	dma.local @!p0 [hbm:s6], $0xF7A  }
0x23: {  	s9 =	sor.u32 $0xD0000000, s2;
	s6 =	simm.s32 $0x108;
	_ =	swait.ge @!p0 [sflag:s8], $0x0  }
0x24: {  	s3 =	sadd.s32 $0x88, s3;
	s6 =	simm.s32 @!p1 $0x1082;
	[sflag:s4] =	ssyncset.s32 $0xFFFFF086  }
0x25: {  	[simem:s6], [sflag:s4] =	dma.local [hbm:s3], $0xF7A  }
0x26: {  	[smem:$0x3F95] =	sst s1;
	(tag) =	ssettag s2;
	_ =	strace s9  }
0x27: {  	s1 =	sld [smem:$0x3FA5]  }
0x28: {  	s2 =	sld [smem:$0x3FA6]  }
0x29: {  	s4 =	sld [smem:$0x3FA8]  }
0x2a: {  	p0 =	seq.s32 s5, $0x0;
	s5 =	sld [smem:$0x3FA9]  }
0x2b: {  	s6 =	sld [smem:$0x3FAA]  }
0x2c: {  	s7 =	sld [smem:$0x3FAB]  }
0x2d: {  	s3 =	simm.s32 $0x108;
	s8 =	sld [smem:$0x3FAC]  }
0x2e: {  	s3 =	simm.s32 @!p0 $0x1082;
	s9 =	sld [smem:$0x3FAD]  }
0x2f: {  	lr =	sadd.s32 s0, s3;
	s0 =	sld [smem:$0x3FA4]  }
0x30: {  	s3 =	sld [smem:$0x3FA7]  }
0x31: {  	[smem:$0x3FB0] =	sst s10  }
0x32: {  	s10 =	sld [smem:$0x3FAE];
	_ =	sdelay $0x3  }
0x33: {  	p0 =	seq.s32 s10, $0x1;
	s10 =	sld [smem:$0x3FB0];
	_ =	sdelay $0x3  }
0x34: {  	[smem:$0x3FB0] =	sst s10  }
0x35: {  	s10 =	sld [smem:$0x3FAF];
	_ =	sdelay $0x3  }
0x36: {  	p1 =	seq.s32 s10, $0x1;
	s10 =	sld [smem:$0x3FB0];
	_ =	sdelay $0x3  }
0x37: {  	[smem:$0x3FB0] =	sst s10  }
0x38: {  	s10 =	sld [smem:$0x3FB1]  }
0x39: {  	_ = 	snop;
	(pc) =	sbr.ind lr, $3  }
0x3a: {  	_ = 	snop  }
0x3b: {  	_ = 	snop  }
0x3c: {  	p2 =	seq.s32 s10, $0x1;
	s10 =	sld [smem:$0x3FB0]  }
0x3d: {  	_ =	shalt  }
0x3e: {  	_ =	shalt  }
0x3f: {  	_ =	shalt  }
0x40: {  	_ =	shalt  }
0x41: {  	_ =	shalt  }
0x42: {  	_ =	shalt  }
0x43: {  	_ =	shalt  }
0x44: {  	_ =	shalt  }
0x45: {  	_ =	shalt  }
0x46: {  	_ =	shalt  }
0x47: {  	_ =	shalt  }
0x48: {  	_ =	shalt  }
0x49: {  	_ =	shalt  }
0x4a: {  	_ =	shalt  }
0x4b: {  	_ =	shalt  }
0x4c: {  	_ =	shalt  }
0x4d: {  	_ =	shalt  }
0x4e: {  	_ =	shalt  }
0x4f: {  	_ =	shalt  }
0x50: {  	_ =	shalt  }
0x51: {  	_ =	shalt  }
0x52: {  	_ =	shalt  }
0x53: {  	_ =	shalt  }
0x54: {  	_ =	shalt  }
0x55: {  	_ =	shalt  }
0x56: {  	_ =	shalt  }
0x57: {  	_ =	shalt  }
0x58: {  	_ =	shalt  }
0x59: {  	_ =	shalt  }
0x5a: {  	_ =	shalt  }
0x5b: {  	_ =	shalt  }
0x5c: {  	_ =	shalt  }
0x5d: {  	_ =	shalt  }
0x5e: {  	_ =	shalt  }
0x5f: {  	_ =	shalt  }
0x60: {  	_ =	shalt  }
0x61: {  	_ =	shalt  }
0x62: {  	_ =	shalt  }
0x63: {  	_ =	shalt  }
0x64: {  	_ =	shalt  }
0x65: {  	_ =	shalt  }
0x66: {  	_ =	shalt  }
0x67: {  	_ =	shalt  }
0x68: {  	_ =	shalt  }
0x69: {  	_ =	shalt  }
0x6a: {  	_ =	shalt  }
0x6b: {  	_ =	shalt  }
0x6c: {  	_ =	shalt  }
0x6d: {  	_ =	shalt  }
0x6e: {  	_ =	shalt  }
0x6f: {  	_ =	shalt  }
0x70: {  	_ =	shalt  }
0x71: {  	_ =	shalt  }
0x72: {  	_ =	shalt  }
0x73: {  	_ =	shalt  }
0x74: {  	_ =	shalt  }
0x75: {  	_ =	shalt  }
0x76: {  	_ =	shalt  }
0x77: {  	_ =	shalt  }
0x78: {  	_ =	shalt  }
0x79: {  	_ =	shalt  }
0x7a: {  	_ =	shalt  }
0x7b: {  	_ =	shalt  }
0x7c: {  	_ =	shalt  }
0x7d: {  	_ =	shalt  }
0x7e: {  	_ =	shalt  }
0x7f: {  	_ =	shalt  }
0x80: {  	_ =	shalt  }
0x81: {  	_ =	shalt  }
0x82: {  	_ =	shalt  }
0x83: {  	_ =	shalt  }
0x84: {  	_ =	shalt  }
0x85: {  	_ =	shalt  }
0x86: {  	_ =	shalt  }
0x87: {  	_ =	shalt  }
.Lfunc_end0:
.L_simem_size_0:
called_computation_lowered:
.L_overlay_start_0:
0x88: {  	s2 =	sld [smem:$0x3FD9]  }
0x89: {  	s3 =	sld [smem:$0x3FFE];
	_ =	sdelay $0x1  }
0x8a: {  	s1 =	srdreg.scid  }
0x8b: {  	s0 =	sand.u32 $0x1, s1  }
0x8c: {  	s16 =	sshll.u32 s0, $0xA;
	s2 =	sadd.s32 s3, s2  }
0x8d: {  	s2 =	sadd.s32 s2, s16  }
0x8e: {  	[smem:$0x3FBC] =	sst s2  }
0x8f: {  	_ = 	snop  }
0x90: {  	(tm) =	ssettm $0x1  }
0x91: {  	s17 =	sld [smem:$0x3FFB];
	_ =	sdelay $0x3  }
0x92: {  	_ =	strace s17  }
0x93: {  	s2 =	sld [smem:$0x3FFC];
	_ =	sdelay $0x3  }
0x94: {  	_ =	strace s2  }
0x95: {  	s2 =	sld [smem:$0x3FFD];
	_ =	sdelay $0x3  }
0x96: {  	_ =	strace s2  }
0x97: {  	_ =	strace $0x8FFFFFFF  }
0x98: {  	s18 =	sld [smem:$0x3FDB];
	_ =	sdelay $0x1  }
0x99: {  	s19 =	simm.s32 $_scs_section_size  }
0x9a: {  	s4 =	simm.s32 $_size__tile_overlayer_lowered;
	s5 =	simm.s32 $_tile_overlayer_lowered  }
0x9b: {  	s22 =	simm.s32 $0x1BFF;
	s21 =	sshll.u32 s5, $0x1;
	s2 =	sadd.s32 s19, s18  }
0x9c: {  	s6 =	simm.s32 $0x0;
	s20 =	sshll.u32 s4, $0x1;
	s4 =	sadd.s32 s21, s2  }
0x9d: {  	[timem:s6], [sflag:s22] =	dma.local [hbm:s4], s20  }
0x9e: {  	_ =	swait.ge [sflag:s22], s20  }
0x9f: {  	s3 =	ssub.s32 $0x0, s20;
	[sflag:s22] =	ssyncset.done $0x0  }
0xa0: {  	[sflag:s22] =	ssyncadd.s32 s3;
	_ =	sdelay $0x1  }
0xa1: {  	s23 =	simm.s32 $0x1B8B  }
0xa2: {  	_ =	swait.ge [sflag:s23], $0x1  }
0xa3: {  	[sflag:s23] =	ssyncset.done $0x0  }
0xa4: {  	s25 =	simm.s32 $0x1B8E;
	s24 =	sld [smem:$0x3FFE];
	[sflag:s23] =	ssyncadd.s32 $0xFFFFFFFF  }
0xa5: {  	s26 =	simm.s32 $execute0_lowered;
	[smem:$0x3FD2] =	sst s25  }
0xa6: {  	s4 =	sshll.u32 s26, $0x1;
	_ =	strace $0x80000046;
	[dreg:$0x1] =	wrdreg $0xFFFFFFFF  }
0xa7: {  	s28 =	simm.s32 $_size_execute0_lowered;
	s2 =	sadd.s32 s2, s4;
	[dreg:$0x0] =	wrdreg $0x0  }
0xa8: {  	s4 =	sshll.u32 s28, $0x1;
	[dreg:$0x2] =	wrdreg s2  }
0xa9: {  	[dreg:$0x3] =	wrdreg s4  }
0xaa: {  	[dreg:$0x4] =	wrdreg $0xC0  }
0xab: {  	_ =	task [dreg:s6], $0x5FFFF  }
0xac: {  	[dreg:$0x1] =	wrdreg $0xFFFFFFFF  }
0xad: {  	[dreg:$0x0] =	wrdreg $0x60  }
0xae: {  	[dreg:$0x2] =	wrdreg s24  }
0xaf: {  	[dreg:$0x3] =	wrdreg $0xC0000  }
0xb0: {  	[dreg:$0x4] =	wrdreg $0x9  }
0xb1: {  	_ =	task.clear_ibuf [dreg:s6], $0x5FFFF;
	_ =	strace $0x90000046  }
0xb2: {  	s29 =	simm.s32 $0x9;
	_ =	strace $0x80000048  }
0xb3: {  	_ =	swait.ge [sflag:s29], $0x1  }
0xb4: {  	[sflag:s29] =	ssyncadd.s32 $0xFFFFFFFF  }
0xb5: {  	_ =	strace $0x90000048  }
0xb6: {  	_ =	sfence  }
0xb7: {  	s30 =	sld [smem:$0x0];
	_ =	sdelay $0x2  }
0xb8: {  	s31 =	sshll.u32 s1, $0xD;
	s1 =	sshrl.u32 s1, $0x2  }
0xb9: {  	s3 =	sand.u32 $0x4000, s31;
	s1 =	sadd.s32 s1, s30  }
0xba: {  	s0 =	sor.u32 s3, s0;
	s1 =	sshll.u32 s1, $0x11  }
0xbb: {  	s0 =	sor.u32 s1, s0  }
0xbc: {  	s0 =	sadd.s32 $0x8F2B, s0  }
0xbd: {  	[sflag:s0] =	ssyncadd.remote.s32 $0x1  }
0xbe: {  	_ =	sfence.sel $0xFFFF  }
0xbf: {  	[dreg:$0x0] =	wrdreg $0xFFFFFFFF;
	(pc) =	sbr.abs _section_cstart, $3  }
0xc0: {  	[dreg:$0x1] =	wrdreg $0xFFFFFFFF  }
0xc1: {  	_ =	task.clear_ibuf [dreg:s6], $0x2FFFF;
	_ =	strace $0x9FFFFFFF  }
0xc2: {  	(tm) =	ssettm $0x7FFFFFFF  }
0xc3: {  	_ =	shalt  }
tec
execute0_lowered:
.L_overlay_start_1:
0x0: {  	(tag) =	ssettag $0x1  }
0x1: {  	s0 =	srdreg.scid  }
0x2: {  	s1 =	rddreg [dreg:$0x0];
	s9 =	stileid.u32  }
0x3: {  	s2 =	rddreg [dreg:$0x1];
	s11 =	simm.s32 $0x7;
	s12 =	simm.s32 $0x1000  }
0x4: {  	s13 =	simm.s32 $0x50;
	s14 =	simm.s32 $0x2000;
	s15 =	simm.s32 $0x4800  }
0x5: {  	s16 =	simm.s32 $0x7000;
	s17 =	simm.s32 $0x9800;
	s18 =	simm.s32 $0x1  }
0x6: {  	s19 =	simm.s32 $0x2;
	s20 =	simm.s32 $0x3;
	s21 =	simm.s32 $0x4  }
0x7: {  	s22 =	simm.s32 $0x5;
	s23 =	simm.s32 $0x6;
	s25 =	simm.s32 $0xC00  }
0x8: {  	s26 =	simm.s32 $0x1C00;
	s0 =	sand.u32 $0x1, s0;
	s24 =	smul.u32 $0x2800, s9  }
0x9: {  	s28 =	smul.u32 $0x50000, s9;
	s30 =	sshll.u32 s9, $0x6;
	s3 =	sshll.u32 s0, $0x4  }
0xa: {  	s6 =	smul.u32 $0x28000, s0;
	s0 =	ssub.s32 $0x2, s0;
	s4 =	sor.u32 s9, s3  }
0xb: {  	s3 =	simm.s32 $0x0;
	s7 =	sadd.s32 s24, s1;
	s29 =	sshrl.u32 s0, $0x1  }
0xc: {  	s5 =	smul.u32 $0xA00, s4;
	[smem:$0x7FF] =	sst s3;
	s4 =	sadd.s32 $0x2A600, s1  }
0xd: {  	s0 =	ssub.s32 s0, s29;
	s31 =	sadd.s32 $0x52600, s7;
	_ =	strace $0x80000047  }
0xe: {  	[dreg:$0x3] =	wrdreg s31;
	s9 =	smax.u32 s0, $0x1;
	s8 =	sadd.s32 s5, s1  }
0xf: {  	s1 =	sadd.s32 s6, s1;
	s5 =	sshrl.u32 s28, $0x2;
	s6 =	sor.u32 $0x1C07, s30  }
0x10: {  	s10 =	sadd.s32 s5, s2;
	s7 =	sadd.s32 $0x2600, s8;
	s1 =	sadd.s32 $0x7A600, s1  }
0x11: {  	v0 =	vimm.f32 $1.000000000e+00;
	s8 =	sadd.s32 $0x16600, s8;
	s10 =	sshrl.u32 s10, $0x3;
	s24 =	sadd.s32 s24, s1  }
.LBB2_1:
0x12: {  	s0 =	rddreg [dreg:$0x3]  }
0x13: {  	[spmem:s10], [sflag:s6] =	dma.local [hbm:s0], $0x2800  }
0x14: {  	_ =	swait.ge [sflag:s11], $0x2800  }
0x15: {  	[sflag:s11] =	ssyncset.done $0x0  }
0x16: {  	[sflag:s11] =	ssyncadd.s32 $0xFFFFD800  }
0x17: {  	s28 =	simm.s32 $0x0;
	[bflag:$0x0] =	sbarrier.arrive $0xFFFF  }
.LBB2_2:
0x18: {  	s0 =	sshll.u32 s28, $0x9  }
0x19: {  	s29 =	simm.s32 $0x0;
	s1 =	sadd.s32 s0, s7  }
0x1a: {  	[tilespmem:s29], [sflag:$0x7] =	stream.linear.gather [hbm4b:s1+s29], $0xC80, $0x38;
	v63 =	vld [tilespmem:$0x0]  }
0x1b: {  	_ =	swait.ge [sflag:s11], $0xC80  }
0x1c: {  	[sflag:s11] =	ssyncset.done $0x0  }
0x1d: {  	s0 =	sadd.s32 s0, s8;
	[sflag:s11] =	ssyncadd.s32 $0xFFFFF380  }
0x1e: {  	[tilespmem:s12], [sflag:$0x7] =	stream.linear.gather [hbm4b:s0+s29], $0xC80, $0x38;
	v63 =	vld [tilespmem:$0x0]  }
0x1f: {  	_ =	swait.ge [sflag:s11], $0xC80  }
0x20: {  	[sflag:s11] =	ssyncset.done $0x0  }
0x21: {  	[sflag:s11] =	ssyncadd.s32 $0xFFFFF380  }
.LBB2_3:
0x22: {  	s31 =	sshll.u32 s29, $0x8  }
0x23: {  	[tilespmem:s14], [sflag:$0x1] =	stream.indirect.gather [hbm4b:s4+s13], $0x80, s31, s13, $0xb8;
	v63 =	vld [tilespmem:$0x0]  }
0x24: {  	s0 =	sadd.s32 $0x1000, s31  }
0x25: {  	[tilespmem:s15], [sflag:$0x2] =	stream.indirect.gather [hbm4b:s4+s13], $0x80, s0, s13, $0xb8;
	v63 =	vld [tilespmem:$0x0]  }
0x26: {  	s30 =	sor.u32 $0x80, s31  }
0x27: {  	[tilespmem:s16], [sflag:$0x3] =	stream.indirect.gather [hbm4b:s4+s13], $0x80, s30, s13, $0xb8;
	v63 =	vld [tilespmem:$0x0]  }
0x28: {  	s5 =	sadd.s32 $0x1080, s31  }
0x29: {  	[tilespmem:s17], [sflag:$0x4] =	stream.indirect.gather [hbm4b:s4+s13], $0x80, s5, s13, $0xb8;
	v63 =	vld [tilespmem:$0x0]  }
0x2a: {  	_ =	swait.ge [sflag:s18], $0x2800  }
0x2b: {  	[sflag:s18] =	ssyncset.done $0x0  }
0x2c: {  	[sflag:s18] =	ssyncadd.s32 $0xFFFFD800  }
0x2d: {  	_ =	swait.ge [sflag:s19], $0x2800  }
0x2e: {  	[sflag:s19] =	ssyncset.done $0x0  }
0x2f: {  	s1 =	simm.s32 $0x0;
	[sflag:s19] =	ssyncadd.s32 $0xFFFFD800  }
0x30: {  	v2 =	vld [tilespmem:s1+$0x4840]  }
0x31: {  	v4 =	vld [tilespmem:s1+$0x4850]  }
0x32: {  	v3 =	vld [tilespmem:s1+$0x4860]  }
0x33: {  	v1 =	vld [tilespmem:s1+$0x4870]  }
0x34: {  	v5 =	vld [tilespmem:s1+$0x2000]  }
0x35: {  	v7 =	vld [tilespmem:s1+$0x2010]  }
0x36: {  	s0 =	simm.s32 $0x200;
	[tilespmem:s1+$0x2040] =	vst v0;
	v6 =	vld [tilespmem:s1+$0x2020]  }
.LBB2_4:
0x37: {  	p0 =	sne.s32 s0, $0x9E00;
	v8 =	vld [tilespmem:s1+$0x2030]  }
0x38: {  	s5 =	sshra.s32 s0, $0x2  }
0x39: {  	[tilespmem:s5+$0x2040] =	vst v0;
	v5 =	vadd.f32 v2, v5;
	v2 =	vld [tilespmem:s5+$0x4840]  }
0x3a: {  	v7 =	vadd.f32 v4, v7;
	v4 =	vld [tilespmem:s5+$0x4850]  }
.Ltmp0:
0x3b: {  	v5 =	vmax.f32 v5, $0.0e+00;
	v6 =	vadd.f32 v3, v6;
	v3 =	vld [tilespmem:s5+$0x4860];
	(pc) =	sbr.rel @p0 .LBB2_4-.Ltmp0, $4  }
0x3c: {  	[tilespmem:s1+$0x2000] =	vst v5;
	v7 =	vmax.f32 v7, $0.0e+00;
	v8 =	vadd.f32 v1, v8;
	v1 =	vld [tilespmem:s5+$0x4870]  }
0x3d: {  	v5 =	vld [tilespmem:s5+$0x2000];
	[tilespmem:s1+$0x2010] =	vst v7;
	v6 =	vmax.f32 v6, $0.0e+00  }
0x3e: {  	v7 =	vld [tilespmem:s5+$0x2010];
	[tilespmem:s1+$0x2020] =	vst v6;
	v8 =	vmax.f32 v8, $0.0e+00  }
0x3f: {  	s0 =	sadd.s32 $0x200, s0;
	v6 =	vld [tilespmem:s5+$0x2020];
	[tilespmem:s1+$0x2030] =	vst v8;
	s1 =	smov.u32 s5  }
0x40: {  	v8 =	vld [tilespmem:s1+$0x2030];
	_ =	sdelay $0x1  }
0x41: {  	v2 =	vadd.f32 v2, v5  }
0x42: {  	v4 =	vadd.f32 v4, v7  }
0x43: {  	v2 =	vmax.f32 v2, $0.0e+00;
	v3 =	vadd.f32 v3, v6  }
0x44: {  	[tilespmem:s1+$0x2000] =	vst v2;
	v2 =	vmax.f32 v4, $0.0e+00;
	v1 =	vadd.f32 v1, v8  }
0x45: {  	[tilespmem:s1+$0x2010] =	vst v2;
	v2 =	vmax.f32 v3, $0.0e+00  }
0x46: {  	[tilespmem:s1+$0x2020] =	vst v2;
	v1 =	vmax.f32 v1, $0.0e+00  }
0x47: {  	[tilespmem:s1+$0x2030] =	vst v1  }
0x48: {  	[spmem:s2] =	stream.indirect.scatter.add.f32 [tilespmem:s14], [sflag:$0x5], $0x80, s31, s13, $0xb8;
	v63 =	vld [tilespmem:$0x0]  }
0x49: {  	_ =	swait.ge [sflag:s20], $0x2800  }
0x4a: {  	[sflag:s20] =	ssyncset.done $0x0  }
0x4b: {  	[sflag:s20] =	ssyncadd.s32 $0xFFFFD800  }
0x4c: {  	_ =	swait.ge [sflag:s21], $0x2800  }
0x4d: {  	[sflag:s21] =	ssyncset.done $0x0  }
0x4e: {  	s1 =	simm.s32 $0x0;
	[sflag:s21] =	ssyncadd.s32 $0xFFFFD800  }
0x4f: {  	v2 =	vld [tilespmem:s1+$0x9840]  }
0x50: {  	v4 =	vld [tilespmem:s1+$0x9850]  }
0x51: {  	v3 =	vld [tilespmem:s1+$0x9860]  }
0x52: {  	v1 =	vld [tilespmem:s1+$0x9870]  }
0x53: {  	v5 =	vld [tilespmem:s1+$0x7000]  }
0x54: {  	v7 =	vld [tilespmem:s1+$0x7010]  }
0x55: {  	s0 =	simm.s32 $0x200;
	[tilespmem:s1+$0x7040] =	vst v0;
	v6 =	vld [tilespmem:s1+$0x7020]  }
.LBB2_6:
0x56: {  	p0 =	sne.s32 s0, $0x9E00;
	v8 =	vld [tilespmem:s1+$0x7030]  }
0x57: {  	s5 =	sshra.s32 s0, $0x2  }
0x58: {  	[tilespmem:s5+$0x7040] =	vst v0;
	v5 =	vadd.f32 v2, v5;
	v2 =	vld [tilespmem:s5+$0x9840]  }
0x59: {  	v7 =	vadd.f32 v4, v7;
	v4 =	vld [tilespmem:s5+$0x9850]  }
.Ltmp1:
0x5a: {  	v5 =	vmax.f32 v5, $0.0e+00;
	v6 =	vadd.f32 v3, v6;
	v3 =	vld [tilespmem:s5+$0x9860];
	(pc) =	sbr.rel @p0 .LBB2_6-.Ltmp1, $4  }
0x5b: {  	[tilespmem:s1+$0x7000] =	vst v5;
	v7 =	vmax.f32 v7, $0.0e+00;
	v8 =	vadd.f32 v1, v8;
	v1 =	vld [tilespmem:s5+$0x9870]  }
0x5c: {  	v5 =	vld [tilespmem:s5+$0x7000];
	[tilespmem:s1+$0x7010] =	vst v7;
	v6 =	vmax.f32 v6, $0.0e+00  }
0x5d: {  	v7 =	vld [tilespmem:s5+$0x7010];
	[tilespmem:s1+$0x7020] =	vst v6;
	v8 =	vmax.f32 v8, $0.0e+00  }
0x5e: {  	s0 =	sadd.s32 $0x200, s0;
	v6 =	vld [tilespmem:s5+$0x7020];
	[tilespmem:s1+$0x7030] =	vst v8;
	s1 =	smov.u32 s5  }
0x5f: {  	v8 =	vld [tilespmem:s1+$0x7030];
	_ =	sdelay $0x1  }
0x60: {  	v2 =	vadd.f32 v2, v5  }
0x61: {  	v4 =	vadd.f32 v4, v7  }
0x62: {  	v2 =	vmax.f32 v2, $0.0e+00;
	v3 =	vadd.f32 v3, v6  }
0x63: {  	[tilespmem:s1+$0x7000] =	vst v2;
	v2 =	vmax.f32 v4, $0.0e+00;
	v1 =	vadd.f32 v1, v8  }
0x64: {  	[tilespmem:s1+$0x7010] =	vst v2;
	v2 =	vmax.f32 v3, $0.0e+00  }
0x65: {  	[tilespmem:s1+$0x7020] =	vst v2;
	v1 =	vmax.f32 v1, $0.0e+00  }
0x66: {  	s29 =	sadd.s32 $0x1, s29;
	[tilespmem:s1+$0x7030] =	vst v1  }
0x67: {  	[spmem:s2] =	stream.indirect.scatter.add.f32 [tilespmem:s16], [sflag:$0x6], $0x80, s30, s13, $0xb8;
	v63 =	vld [tilespmem:$0x0]  }
0x68: {  	p0 =	sne.s32 s29, $0xC;
	_ =	swait.ge [sflag:s22], $0x2800  }
.Ltmp2:
0x69: {  	[sflag:s22] =	ssyncset.done $0x0;
	(pc) =	sbr.rel @p0 .LBB2_3-.Ltmp2, $4  }
0x6a: {  	[sflag:s22] =	ssyncadd.s32 $0xFFFFD800  }
0x6b: {  	_ =	swait.ge [sflag:s23], $0x2800  }
0x6c: {  	[sflag:s23] =	ssyncset.done $0x0  }
0x6d: {  	[sflag:s23] =	ssyncadd.s32 $0xFFFFD800  }
0x6e: {  	[tilespmem:s14], [sflag:$0x1] =	stream.indirect.gather [hbm4b:s4+s13], $0x80, s25, s13, $0xb8;
	v63 =	vld [tilespmem:$0x0]  }
0x6f: {  	_ = 	snop  }
0x70: {  	[tilespmem:s15], [sflag:$0x2] =	stream.indirect.gather [hbm4b:s4+s13], $0x80, s26, s13, $0xb8;
	v63 =	vld [tilespmem:$0x0]  }
0x71: {  	_ =	swait.ge [sflag:s18], $0x2800  }
0x72: {  	[sflag:s18] =	ssyncset.done $0x0  }
0x73: {  	[sflag:s18] =	ssyncadd.s32 $0xFFFFD800  }
0x74: {  	_ =	swait.ge [sflag:s19], $0x2800  }
0x75: {  	[sflag:s19] =	ssyncset.done $0x0  }
0x76: {  	s1 =	simm.s32 $0x0;
	[sflag:s19] =	ssyncadd.s32 $0xFFFFD800  }
0x77: {  	v2 =	vld [tilespmem:s1+$0x4840]  }
0x78: {  	v4 =	vld [tilespmem:s1+$0x4850]  }
0x79: {  	v3 =	vld [tilespmem:s1+$0x4860]  }
0x7a: {  	v1 =	vld [tilespmem:s1+$0x4870]  }
0x7b: {  	v5 =	vld [tilespmem:s1+$0x2000]  }
0x7c: {  	v7 =	vld [tilespmem:s1+$0x2010]  }
0x7d: {  	s0 =	simm.s32 $0x200;
	[tilespmem:s1+$0x2040] =	vst v0;
	v6 =	vld [tilespmem:s1+$0x2020]  }
.LBB2_9:
0x7e: {  	p0 =	sne.s32 s0, $0x9E00;
	v8 =	vld [tilespmem:s1+$0x2030]  }
0x7f: {  	s5 =	sshra.s32 s0, $0x2  }
0x80: {  	[tilespmem:s5+$0x2040] =	vst v0;
	v5 =	vadd.f32 v2, v5;
	v2 =	vld [tilespmem:s5+$0x4840]  }
0x81: {  	v7 =	vadd.f32 v4, v7;
	v4 =	vld [tilespmem:s5+$0x4850]  }
.Ltmp3:
0x82: {  	v5 =	vmax.f32 v5, $0.0e+00;
	v6 =	vadd.f32 v3, v6;
	v3 =	vld [tilespmem:s5+$0x4860];
	(pc) =	sbr.rel @p0 .LBB2_9-.Ltmp3, $4  }
0x83: {  	[tilespmem:s1+$0x2000] =	vst v5;
	v7 =	vmax.f32 v7, $0.0e+00;
	v8 =	vadd.f32 v1, v8;
	v1 =	vld [tilespmem:s5+$0x4870]  }
0x84: {  	v5 =	vld [tilespmem:s5+$0x2000];
	[tilespmem:s1+$0x2010] =	vst v7;
	v6 =	vmax.f32 v6, $0.0e+00  }
0x85: {  	v7 =	vld [tilespmem:s5+$0x2010];
	[tilespmem:s1+$0x2020] =	vst v6;
	v8 =	vmax.f32 v8, $0.0e+00  }
0x86: {  	s0 =	sadd.s32 $0x200, s0;
	v6 =	vld [tilespmem:s5+$0x2020];
	[tilespmem:s1+$0x2030] =	vst v8;
	s1 =	smov.u32 s5  }
0x87: {  	v8 =	vld [tilespmem:s1+$0x2030];
	_ =	sdelay $0x1  }
0x88: {  	v2 =	vadd.f32 v2, v5  }
0x89: {  	v4 =	vadd.f32 v4, v7  }
0x8a: {  	v2 =	vmax.f32 v2, $0.0e+00;
	v3 =	vadd.f32 v3, v6  }
0x8b: {  	[tilespmem:s1+$0x2000] =	vst v2;
	v2 =	vmax.f32 v4, $0.0e+00;
	v1 =	vadd.f32 v1, v8  }
0x8c: {  	s28 =	sadd.s32 $0x1, s28;
	[tilespmem:s1+$0x2010] =	vst v2;
	v2 =	vmax.f32 v3, $0.0e+00  }
0x8d: {  	p0 =	sne.s32 s28, $0x5;
	[tilespmem:s1+$0x2020] =	vst v2;
	v1 =	vmax.f32 v1, $0.0e+00  }
.Ltmp4:
0x8e: {  	[tilespmem:s1+$0x2030] =	vst v1;
	(pc) =	sbr.rel @p0 .LBB2_2-.Ltmp4, $4  }
0x8f: {  	[spmem:s2] =	stream.indirect.scatter.add.f32 [tilespmem:s14], [sflag:$0x5], $0x80, s25, s13, $0xb8;
	v63 =	vld [tilespmem:$0x0]  }
0x90: {  	_ =	swait.ge [sflag:s22], $0x2800  }
0x91: {  	[sflag:s22] =	ssyncset.done $0x0  }
0x92: {  	[sflag:s22] =	ssyncadd.s32 $0xFFFFD800  }
0x93: {  	s3 =	sadd.s32 $0x1, s3  }
0x94: {  	p0 =	sne.s32 s3, s9  }
.Ltmp5:
0x95: {  	[bflag:$0x0] =	sbarrier.arrive $0xFFFF;
	(pc) =	sbr.rel @p0 .LBB2_1-.Ltmp5, $4  }
0x96: {  	[hbm:s24], [sflag:s6] =	dma.local [spmem:s10], $0x2800  }
0x97: {  	_ =	swait.ge [sflag:s11], $0x2800  }
0x98: {  	[sflag:s11] =	ssyncset.done $0x0  }
0x99: {  	[sflag:s11] =	ssyncadd.s32 $0xFFFFD800  }
0x9a: {  	_ =	sfence.sel $0x180000  }
0x9b: {  	[bflag:$0x0] =	sbarrier.arrive $0xFFFF  }
0x9c: {  	_ =	strace $0x90000047  }
0x9d: {  	s0 =	stileid.u32;
	[bflag:$0x2] =	sbarrier.arrive $0xFFFF  }
0x9e: {  	p0 =	sne.s32 s0, $0x0;
	s0 =	rddreg [dreg:$0x2]  }
0x9f: {  	s0 =	sadd.s32 @!p0 $0x100000, s0  }
0xa0: {  	[sflag:s0] =	ssyncadd.tile.s32 @!p0 $0x1;
	_ =	shalt  }
.Lfunc_end2:
_tile_overlayer_lowered:
.L_overlay_start_2:
0xa1: {  	(tag) =	ssettag $0x2  }
0xa2: {  	s0 =	rddreg [dreg:$0x0];
	s2 =	stileid.u32  }
0xa3: {  	s1 =	rddreg [dreg:$0x1];
	p0 =	sne.s32 s2, $0x0  }
0xa4: {  	s3 =	rddreg [dreg:$0x2];
	[bflag:$0x3] =	sbarrier.arrive $0xFFFF;
	s2 =	simm.s32 @!p0 $0x1C07  }
0xa5: {  	[timem:s3], [sflag:s2] =	dma.local @!p0 [hbm:s0], s1  }
0xa6: {  	s0 =	simm.s32 @!p0 $0x7  }
0xa7: {  	_ =	swait.ge @!p0 [sflag:s0], s1  }
0xa8: {  	s1 =	ssub.s32 @!p0 $0x0, s1;
	[sflag:s0] =	ssyncset.done @!p0 $0x0  }
0xa9: {  	[sflag:s0] =	ssyncadd.s32 @!p0 s1  }
0xaa: {  	[bflag:$0x3] =	sbarrier.arrive $0xFFFF  }
0xab: {  	_ =	shalt  }

</sc_bundles>
